<compile_context>
chip_gen: v7x
topology: tpu7x:2x2x1
jax: 0.10.2.dev20260603
libtpu: 0.0.44.dev20260713+nightly
codegen_flags: <defaults>
</compile_context>

<pallas_src>
import functools

import jax
import jax.numpy as jnp
from jax import lax
from jax.experimental import pallas as pl
from jax.experimental.pallas import tpu as pltpu
from jax.experimental.pallas import tpu_sc as plsc

_BBLK = 128


@functools.cache
def _build(b, l, d, num_cores, num_subcores):
    nw = num_cores * num_subcores
    assert b == nw * _BBLK and d == 64 and l % 2 == 0
    di = d // 8
    mesh = plsc.VectorSubcoreMesh(core_axis_name="c", subcore_axis_name="s")

    @functools.partial(
        pl.kernel,
        mesh=mesh,
        out_type=(
            jax.ShapeDtypeStruct((l, di, nw, 8, _BBLK), jnp.float32),
            jax.ShapeDtypeStruct((l, di, nw, 8, _BBLK), jnp.float32),
        ),
        scratch_types=[
            pltpu.VMEM((l, _BBLK), jnp.int32),
            pltpu.VMEM((l, _BBLK), jnp.int32),
            pltpu.VMEM((_BBLK, d), jnp.float32),
            pltpu.VMEM((_BBLK, d), jnp.float32),
            pltpu.VMEM((di, 8, _BBLK + 1), jnp.float32),
            pltpu.VMEM((di, 8, _BBLK + 1), jnp.float32),
            pltpu.SemaphoreType.DMA,
            pltpu.SemaphoreType.DMA,
            pltpu.SemaphoreType.DMA,
            pltpu.SemaphoreType.DMA,
        ],
        compiler_params=pltpu.CompilerParams(
            use_tc_tiling_on_sc=False, needs_layout_passes=False),
    )
    def k(src_idsT, tgt_idsT, src_tab, tgt_tab, src_out, tgt_out,
          sidx, tidx, rows0, rows1, trans0, trans1, sg0, sg1, sw0, sw1):
        wid = lax.axis_index("s") * num_cores + lax.axis_index("c")

        pltpu.sync_copy(src_idsT.at[pl.ds(0, l), pl.ds(wid * _BBLK, _BBLK)],
                        sidx)
        pltpu.sync_copy(tgt_idsT.at[pl.ds(0, l), pl.ds(wid * _BBLK, _BBLK)],
                        tidx)

        lanes = lax.iota(jnp.int32, 16)
        zeros16 = jnp.full((16,), 0, jnp.int32)
        ivecs = [(lanes + 16 * kk) // 8 for kk in range(d // 16)]
        rvecs = [(lanes + 16 * kk) % 8 for kk in range(d // 16)]

        def transpose(rows, trans):
            @plsc.parallel_loop(0, _BBLK, step=1, unroll=16)
            def tbody(c):
                cvec = zeros16 + c
                for kk in range(d // 16):
                    v = rows[c, pl.ds(16 * kk, 16)]
                    plsc.store_scatter(trans, [ivecs[kk], rvecs[kk], cvec], v)

        def do_table(tab, out, idx_v):
            bufs = ((rows0, trans0, sg0, sw0), (rows1, trans1, sg1, sw1))

            def gather(s, slot):
                rows, _, sg, _ = bufs[slot]
                pltpu.async_copy(tab.at[idx_v.at[s]], rows, sg)

            def wait_g(slot):
                rows, _, sg, _ = bufs[slot]
                pltpu.make_async_copy(tab.at[pl.ds(0, _BBLK)], rows, sg).wait()

            def write(s, slot):
                _, trans, _, sw = bufs[slot]
                pltpu.async_copy(
                    trans.at[pl.ds(0, di), pl.ds(0, 8), pl.ds(0, _BBLK)],
                    out.at[s, pl.ds(0, di), wid], sw)

            def wait_w(slot):
                _, trans, _, sw = bufs[slot]
                pltpu.make_async_copy(
                    trans.at[pl.ds(0, di), pl.ds(0, 8), pl.ds(0, _BBLK)],
                    out.at[0, pl.ds(0, di), 0], sw).wait()

            gather(0, 0)
            gather(1, 1)

            def body(t, carry):
                for slot in (0, 1):
                    s = 2 * t + slot
                    rows, trans, _, _ = bufs[slot]
                    wait_g(slot)

                    @pl.when(t > 0)
                    def _():
                        wait_w(slot)

                    transpose(rows, trans)
                    write(s, slot)

                    @pl.when(s + 2 < l)
                    def _():
                        gather(s + 2, slot)

                return carry

            lax.fori_loop(0, l // 2, body, 0)
            wait_w(0)
            wait_w(1)

        do_table(src_tab, src_out, sidx)
        do_table(tgt_tab, tgt_out, tidx)

    return k


def kernel(src_ids, tgt_ids, src_table, tgt_table):
    b, l = src_ids.shape
    d = src_table.shape[1]
    info = plsc.get_sparse_core_info()
    nw = info.num_cores * info.num_subcores
    k = _build(b, l, d, info.num_cores, info.num_subcores)
    src_idsT = jnp.transpose(src_ids).astype(jnp.int32)
    tgt_idsT = jnp.transpose(tgt_ids).astype(jnp.int32)
    s5, t5 = k(src_idsT, tgt_idsT, src_table, tgt_table)

    def unshuffle(o):
        return o.transpose(2, 4, 0, 1, 3).reshape(b, l, d)

    return unshuffle(s5), unshuffle(t5)

# --- scband reference (transcript-rebuilt; emitter-appended) ---
"""Pipeline reference for scband-model-embeddings-17162689315498 (READ-ONLY COPY).

The authoritative reference and input builder live on the scoring server;
editing this copy changes nothing except your own understanding.
"""

import jax, jax.numpy as jnp
import numpy as np

SRC_VOCAB = 100000
TGT_VOCAB = 100000
D = 64
B = 4096
L = 50
PAD = 0


def setup_inputs(seed: int = 0) -> dict:
    key = jax.random.key(seed)
    k1, k2, k3, k4 = jax.random.split(key, 4)
    src_ids = jax.random.randint(k1, (B, L), 0, SRC_VOCAB)
    tgt_ids = jax.random.randint(k2, (B, L), 0, TGT_VOCAB)
    # Learned source embedding table (nn.Embedding with padding_idx -> pad row zeroed)
    src_table = jax.random.normal(k3, (SRC_VOCAB, D), dtype=jnp.float32)
    src_table = src_table.at[PAD].set(0.0)
    # Frozen, pretrained (GloVe-like) target embedding matrix; requires_grad=False in torch
    tgt_table = jax.random.normal(k4, (TGT_VOCAB, D), dtype=jnp.float32) * 0.1
    tgt_table = tgt_table.at[PAD].set(0.0)
    return {"src_ids": src_ids, "tgt_ids": tgt_ids, "src_table": src_table, "tgt_table": tgt_table}


def reference(src_ids, tgt_ids, src_table, tgt_table):
    # ModelEmbeddings exposes self.source / self.target embedding lookups.
    src_emb = jnp.take(src_table, src_ids, axis=0)  # [B, L, D]
    tgt_emb = jnp.take(tgt_table, tgt_ids, axis=0)  # [B, L, D]
    return (src_emb, tgt_emb)

if __name__ == "__main__":
    import jax
    _d = setup_inputs()
    print(jax.jit(kernel)(*tuple(_d.values())))

</pallas_src>

<mosaic_0001>
#map = affine_map<(d0, d1) -> (0, 0)>
#map1 = affine_map<(d0, d1) -> (0, 0, 0, 0, 0)>
module attributes {stable_mosaic.version = 14 : i64} {
  func.func @k(%arg0: i32, %arg1: i32, %arg2: memref<50x4096xi32, #tpu.memory_space<hbm>>, %arg3: memref<50x4096xi32, #tpu.memory_space<hbm>>, %arg4: memref<100000x64xf32, #tpu.memory_space<hbm>>, %arg5: memref<100000x64xf32, #tpu.memory_space<hbm>>, %arg6: memref<50x8x32x8x128xf32, #tpu.memory_space<hbm>>, %arg7: memref<50x8x32x8x128xf32, #tpu.memory_space<hbm>>, %arg8: memref<50x128xi32, #tpu.memory_space<vmem>>, %arg9: memref<50x128xi32, #tpu.memory_space<vmem>>, %arg10: memref<128x64xf32, #tpu.memory_space<vmem>>, %arg11: memref<128x64xf32, #tpu.memory_space<vmem>>, %arg12: memref<8x8x129xf32, #tpu.memory_space<vmem>>, %arg13: memref<8x8x129xf32, #tpu.memory_space<vmem>>, %arg14: memref<!tpu.dma_semaphore, #tpu.memory_space<semaphore_mem>>, %arg15: memref<!tpu.dma_semaphore, #tpu.memory_space<semaphore_mem>>, %arg16: memref<!tpu.dma_semaphore, #tpu.memory_space<semaphore_mem>>, %arg17: memref<!tpu.dma_semaphore, #tpu.memory_space<semaphore_mem>>) attributes {dimension_semantics = [#tpu.dimension_semantics<core_parallel>, #tpu.dimension_semantics<subcore_parallel>], iteration_bounds = array<i64: 2, 16>, scalar_prefetch = 0 : i64, scratch_operands = 10 : i64, tpu.core_type = #tpu.core_type<sc_vector_subcore>, window_params = [{transform_indices = #map}, {transform_indices = #map}, {transform_indices = #map}, {transform_indices = #map}, {transform_indices = #map1}, {transform_indices = #map1}]} {
    %mul3A = arith.constant 2 : i32
    %mul3A_0 = arith.muli %arg1, %mul3A : i32
    %add3A = arith.addi %mul3A_0, %arg0 : i32
    %mul3A_1 = arith.constant 128 : i32
    %mul3A_2 = arith.muli %add3A, %mul3A_1 : i32
    "tpu.region"() ({
      %run_scoped3A = tpu.sem_alloc : memref<!tpu.dma_semaphore, #tpu.memory_space<semaphore_mem>>
      %dma_start3A_349 = arith.constant 0 : i32
      %dma_start3A_350 = tpu.memref_slice %arg2[%dma_start3A_349, %mul3A_2] : memref<50x4096xi32, #tpu.memory_space<hbm>> -> memref<50x128xi32, #tpu.memory_space<hbm>>
      %dma_start3A_351 = arith.constant 0 : i32
      %dma_start3A_352 = tpu.memref_slice %arg2[%dma_start3A_351, %mul3A_2] : memref<50x4096xi32, #tpu.memory_space<hbm>> -> memref<50x128xi32, #tpu.memory_space<hbm>>
      tpu.enqueue_dma source(%dma_start3A_352 : memref<50x128xi32, #tpu.memory_space<hbm>>) target(%arg8 : memref<50x128xi32, #tpu.memory_space<vmem>>) target_semaphore(%run_scoped3A : memref<!tpu.dma_semaphore, #tpu.memory_space<semaphore_mem>>)
      %dma_wait3A_353 = arith.constant 0 : i32
      %dma_wait3A_354 = tpu.memref_slice %arg2[%dma_wait3A_353, %mul3A_2] : memref<50x4096xi32, #tpu.memory_space<hbm>> -> memref<50x128xi32, #tpu.memory_space<hbm>>
      %dma_wait3A_355 = arith.constant 0 : i32
      %dma_wait3A_356 = tpu.memref_slice %arg2[%dma_wait3A_355, %mul3A_2] : memref<50x4096xi32, #tpu.memory_space<hbm>> -> memref<50x128xi32, #tpu.memory_space<hbm>>
      tpu.wait_dma2 semaphore(%run_scoped3A : memref<!tpu.dma_semaphore, #tpu.memory_space<semaphore_mem>>) src(%dma_wait3A_356 : memref<50x128xi32, #tpu.memory_space<hbm>>) dst(%arg8 : memref<50x128xi32, #tpu.memory_space<vmem>>)
      tpu.yield
    }) : () -> ()
    %mul3A_3 = arith.constant 128 : i32
    %mul3A_4 = arith.muli %add3A, %mul3A_3 : i32
    "tpu.region"() ({
      %run_scoped3A = tpu.sem_alloc : memref<!tpu.dma_semaphore, #tpu.memory_space<semaphore_mem>>
      %dma_start3A_349 = arith.constant 0 : i32
      %dma_start3A_350 = tpu.memref_slice %arg3[%dma_start3A_349, %mul3A_4] : memref<50x4096xi32, #tpu.memory_space<hbm>> -> memref<50x128xi32, #tpu.memory_space<hbm>>
      %dma_start3A_351 = arith.constant 0 : i32
      %dma_start3A_352 = tpu.memref_slice %arg3[%dma_start3A_351, %mul3A_4] : memref<50x4096xi32, #tpu.memory_space<hbm>> -> memref<50x128xi32, #tpu.memory_space<hbm>>
      tpu.enqueue_dma source(%dma_start3A_352 : memref<50x128xi32, #tpu.memory_space<hbm>>) target(%arg9 : memref<50x128xi32, #tpu.memory_space<vmem>>) target_semaphore(%run_scoped3A : memref<!tpu.dma_semaphore, #tpu.memory_space<semaphore_mem>>)
      %dma_wait3A_353 = arith.constant 0 : i32
      %dma_wait3A_354 = tpu.memref_slice %arg3[%dma_wait3A_353, %mul3A_4] : memref<50x4096xi32, #tpu.memory_space<hbm>> -> memref<50x128xi32, #tpu.memory_space<hbm>>
      %dma_wait3A_355 = arith.constant 0 : i32
      %dma_wait3A_356 = tpu.memref_slice %arg3[%dma_wait3A_355, %mul3A_4] : memref<50x4096xi32, #tpu.memory_space<hbm>> -> memref<50x128xi32, #tpu.memory_space<hbm>>
      tpu.wait_dma2 semaphore(%run_scoped3A : memref<!tpu.dma_semaphore, #tpu.memory_space<semaphore_mem>>) src(%dma_wait3A_356 : memref<50x128xi32, #tpu.memory_space<hbm>>) dst(%arg9 : memref<50x128xi32, #tpu.memory_space<vmem>>)
      tpu.yield
    }) : () -> ()
    %iota3A = tpu.iota {dimensions = array<i32: 0>} : vector<16xi32>
    %broadcast_in_dim3A = arith.constant 0 : i32
    %broadcast_in_dim3A_5 = vector.broadcast %broadcast_in_dim3A : i32 to vector<16xi32>
    %add3A_6 = arith.constant 0 : i32
    %add3A_7 = vector.broadcast %add3A_6 : i32 to vector<16xi32>
    %add3A_8 = arith.addi %iota3A, %add3A_7 : vector<16xi32>
    %jit3A = arith.constant 8 : i32
    %div3A = vector.broadcast %jit3A : i32 to vector<16xi32>
    %div3A_9 = arith.divsi %add3A_8, %div3A : vector<16xi32>
    %sign3A = arith.constant 0 : i32
    %sign3A_10 = vector.broadcast %sign3A : i32 to vector<16xi32>
    %sign3A_11 = arith.cmpi sgt, %add3A_8, %sign3A_10 : vector<16xi32>
    %sign3A_12 = arith.extui %sign3A_11 : vector<16xi1> to vector<16xi32>
    %sign3A_13 = arith.constant 0 : i32
    %sign3A_14 = vector.broadcast %sign3A_13 : i32 to vector<16xi32>
    %sign3A_15 = arith.cmpi slt, %add3A_8, %sign3A_14 : vector<16xi32>
    %sign3A_16 = arith.extui %sign3A_15 : vector<16xi1> to vector<16xi32>
    %sign3A_17 = arith.subi %sign3A_12, %sign3A_16 : vector<16xi32>
    %sign3A_18 = arith.constant 0 : i32
    %sign3A_19 = arith.cmpi sgt, %jit3A, %sign3A_18 : i32
    %sign3A_20 = arith.extui %sign3A_19 : i1 to i32
    %sign3A_21 = arith.constant 0 : i32
    %sign3A_22 = arith.cmpi slt, %jit3A, %sign3A_21 : i32
    %sign3A_23 = arith.extui %sign3A_22 : i1 to i32
    %sign3A_24 = arith.subi %sign3A_20, %sign3A_23 : i32
    %ne3A = vector.broadcast %sign3A_24 : i32 to vector<16xi32>
    %ne3A_25 = arith.cmpi ne, %sign3A_17, %ne3A : vector<16xi32>
    %rem3A = vector.broadcast %jit3A : i32 to vector<16xi32>
    %rem3A_26 = arith.remsi %add3A_8, %rem3A : vector<16xi32>
    %ne3A_27 = arith.constant 0 : i32
    %ne3A_28 = vector.broadcast %ne3A_27 : i32 to vector<16xi32>
    %ne3A_29 = arith.cmpi ne, %rem3A_26, %ne3A_28 : vector<16xi32>
    %and3A = arith.andi %ne3A_25, %ne3A_29 : vector<16xi1>
    %sub3A = arith.constant 1 : i32
    %sub3A_30 = vector.broadcast %sub3A : i32 to vector<16xi32>
    %sub3A_31 = arith.subi %div3A_9, %sub3A_30 : vector<16xi32>
    %select_n3A = arith.select %and3A, %sub3A_31, %div3A_9 : vector<16xi1>, vector<16xi32>
    %add3A_32 = arith.constant 16 : i32
    %add3A_33 = vector.broadcast %add3A_32 : i32 to vector<16xi32>
    %add3A_34 = arith.addi %iota3A, %add3A_33 : vector<16xi32>
    %jit3A_35 = arith.constant 8 : i32
    %div3A_36 = vector.broadcast %jit3A_35 : i32 to vector<16xi32>
    %div3A_37 = arith.divsi %add3A_34, %div3A_36 : vector<16xi32>
    %sign3A_38 = arith.constant 0 : i32
    %sign3A_39 = vector.broadcast %sign3A_38 : i32 to vector<16xi32>
    %sign3A_40 = arith.cmpi sgt, %add3A_34, %sign3A_39 : vector<16xi32>
    %sign3A_41 = arith.extui %sign3A_40 : vector<16xi1> to vector<16xi32>
    %sign3A_42 = arith.constant 0 : i32
    %sign3A_43 = vector.broadcast %sign3A_42 : i32 to vector<16xi32>
    %sign3A_44 = arith.cmpi slt, %add3A_34, %sign3A_43 : vector<16xi32>
    %sign3A_45 = arith.extui %sign3A_44 : vector<16xi1> to vector<16xi32>
    %sign3A_46 = arith.subi %sign3A_41, %sign3A_45 : vector<16xi32>
    %sign3A_47 = arith.constant 0 : i32
    %sign3A_48 = arith.cmpi sgt, %jit3A_35, %sign3A_47 : i32
    %sign3A_49 = arith.extui %sign3A_48 : i1 to i32
    %sign3A_50 = arith.constant 0 : i32
    %sign3A_51 = arith.cmpi slt, %jit3A_35, %sign3A_50 : i32
    %sign3A_52 = arith.extui %sign3A_51 : i1 to i32
    %sign3A_53 = arith.subi %sign3A_49, %sign3A_52 : i32
    %ne3A_54 = vector.broadcast %sign3A_53 : i32 to vector<16xi32>
    %ne3A_55 = arith.cmpi ne, %sign3A_46, %ne3A_54 : vector<16xi32>
    %rem3A_56 = vector.broadcast %jit3A_35 : i32 to vector<16xi32>
    %rem3A_57 = arith.remsi %add3A_34, %rem3A_56 : vector<16xi32>
    %ne3A_58 = arith.constant 0 : i32
    %ne3A_59 = vector.broadcast %ne3A_58 : i32 to vector<16xi32>
    %ne3A_60 = arith.cmpi ne, %rem3A_57, %ne3A_59 : vector<16xi32>
    %and3A_61 = arith.andi %ne3A_55, %ne3A_60 : vector<16xi1>
    %sub3A_62 = arith.constant 1 : i32
    %sub3A_63 = vector.broadcast %sub3A_62 : i32 to vector<16xi32>
    %sub3A_64 = arith.subi %div3A_37, %sub3A_63 : vector<16xi32>
    %select_n3A_65 = arith.select %and3A_61, %sub3A_64, %div3A_37 : vector<16xi1>, vector<16xi32>
    %add3A_66 = arith.constant 32 : i32
    %add3A_67 = vector.broadcast %add3A_66 : i32 to vector<16xi32>
    %add3A_68 = arith.addi %iota3A, %add3A_67 : vector<16xi32>
    %jit3A_69 = arith.constant 8 : i32
    %div3A_70 = vector.broadcast %jit3A_69 : i32 to vector<16xi32>
    %div3A_71 = arith.divsi %add3A_68, %div3A_70 : vector<16xi32>
    %sign3A_72 = arith.constant 0 : i32
    %sign3A_73 = vector.broadcast %sign3A_72 : i32 to vector<16xi32>
    %sign3A_74 = arith.cmpi sgt, %add3A_68, %sign3A_73 : vector<16xi32>
    %sign3A_75 = arith.extui %sign3A_74 : vector<16xi1> to vector<16xi32>
    %sign3A_76 = arith.constant 0 : i32
    %sign3A_77 = vector.broadcast %sign3A_76 : i32 to vector<16xi32>
    %sign3A_78 = arith.cmpi slt, %add3A_68, %sign3A_77 : vector<16xi32>
    %sign3A_79 = arith.extui %sign3A_78 : vector<16xi1> to vector<16xi32>
    %sign3A_80 = arith.subi %sign3A_75, %sign3A_79 : vector<16xi32>
    %sign3A_81 = arith.constant 0 : i32
    %sign3A_82 = arith.cmpi sgt, %jit3A_69, %sign3A_81 : i32
    %sign3A_83 = arith.extui %sign3A_82 : i1 to i32
    %sign3A_84 = arith.constant 0 : i32
    %sign3A_85 = arith.cmpi slt, %jit3A_69, %sign3A_84 : i32
    %sign3A_86 = arith.extui %sign3A_85 : i1 to i32
    %sign3A_87 = arith.subi %sign3A_83, %sign3A_86 : i32
    %ne3A_88 = vector.broadcast %sign3A_87 : i32 to vector<16xi32>
    %ne3A_89 = arith.cmpi ne, %sign3A_80, %ne3A_88 : vector<16xi32>
    %rem3A_90 = vector.broadcast %jit3A_69 : i32 to vector<16xi32>
    %rem3A_91 = arith.remsi %add3A_68, %rem3A_90 : vector<16xi32>
    %ne3A_92 = arith.constant 0 : i32
    %ne3A_93 = vector.broadcast %ne3A_92 : i32 to vector<16xi32>
    %ne3A_94 = arith.cmpi ne, %rem3A_91, %ne3A_93 : vector<16xi32>
    %and3A_95 = arith.andi %ne3A_89, %ne3A_94 : vector<16xi1>
    %sub3A_96 = arith.constant 1 : i32
    %sub3A_97 = vector.broadcast %sub3A_96 : i32 to vector<16xi32>
    %sub3A_98 = arith.subi %div3A_71, %sub3A_97 : vector<16xi32>
    %select_n3A_99 = arith.select %and3A_95, %sub3A_98, %div3A_71 : vector<16xi1>, vector<16xi32>
    %add3A_100 = arith.constant 48 : i32
    %add3A_101 = vector.broadcast %add3A_100 : i32 to vector<16xi32>
    %add3A_102 = arith.addi %iota3A, %add3A_101 : vector<16xi32>
    %jit3A_103 = arith.constant 8 : i32
    %div3A_104 = vector.broadcast %jit3A_103 : i32 to vector<16xi32>
    %div3A_105 = arith.divsi %add3A_102, %div3A_104 : vector<16xi32>
    %sign3A_106 = arith.constant 0 : i32
    %sign3A_107 = vector.broadcast %sign3A_106 : i32 to vector<16xi32>
    %sign3A_108 = arith.cmpi sgt, %add3A_102, %sign3A_107 : vector<16xi32>
    %sign3A_109 = arith.extui %sign3A_108 : vector<16xi1> to vector<16xi32>
    %sign3A_110 = arith.constant 0 : i32
    %sign3A_111 = vector.broadcast %sign3A_110 : i32 to vector<16xi32>
    %sign3A_112 = arith.cmpi slt, %add3A_102, %sign3A_111 : vector<16xi32>
    %sign3A_113 = arith.extui %sign3A_112 : vector<16xi1> to vector<16xi32>
    %sign3A_114 = arith.subi %sign3A_109, %sign3A_113 : vector<16xi32>
    %sign3A_115 = arith.constant 0 : i32
    %sign3A_116 = arith.cmpi sgt, %jit3A_103, %sign3A_115 : i32
    %sign3A_117 = arith.extui %sign3A_116 : i1 to i32
    %sign3A_118 = arith.constant 0 : i32
    %sign3A_119 = arith.cmpi slt, %jit3A_103, %sign3A_118 : i32
    %sign3A_120 = arith.extui %sign3A_119 : i1 to i32
    %sign3A_121 = arith.subi %sign3A_117, %sign3A_120 : i32
    %ne3A_122 = vector.broadcast %sign3A_121 : i32 to vector<16xi32>
    %ne3A_123 = arith.cmpi ne, %sign3A_114, %ne3A_122 : vector<16xi32>
    %rem3A_124 = vector.broadcast %jit3A_103 : i32 to vector<16xi32>
    %rem3A_125 = arith.remsi %add3A_102, %rem3A_124 : vector<16xi32>
    %ne3A_126 = arith.constant 0 : i32
    %ne3A_127 = vector.broadcast %ne3A_126 : i32 to vector<16xi32>
    %ne3A_128 = arith.cmpi ne, %rem3A_125, %ne3A_127 : vector<16xi32>
    %and3A_129 = arith.andi %ne3A_123, %ne3A_128 : vector<16xi1>
    %sub3A_130 = arith.constant 1 : i32
    %sub3A_131 = vector.broadcast %sub3A_130 : i32 to vector<16xi32>
    %sub3A_132 = arith.subi %div3A_105, %sub3A_131 : vector<16xi32>
    %select_n3A_133 = arith.select %and3A_129, %sub3A_132, %div3A_105 : vector<16xi1>, vector<16xi32>
    %add3A_134 = arith.constant 0 : i32
    %add3A_135 = vector.broadcast %add3A_134 : i32 to vector<16xi32>
    %add3A_136 = arith.addi %iota3A, %add3A_135 : vector<16xi32>
    %jit3A_137 = arith.constant 8 : i32
    %eq3A = arith.constant 0 : i32
    %eq3A_138 = arith.cmpi eq, %jit3A_137, %eq3A : i32
    %jit3A_139 = arith.constant 1 : i32
    %select_n3A_140 = arith.select %eq3A_138, %jit3A_139, %jit3A_137 : i32
    %rem3A_141 = vector.broadcast %select_n3A_140 : i32 to vector<16xi32>
    %rem3A_142 = arith.remsi %add3A_136, %rem3A_141 : vector<16xi32>
    %ne3A_143 = arith.constant 0 : i32
    %ne3A_144 = vector.broadcast %ne3A_143 : i32 to vector<16xi32>
    %ne3A_145 = arith.cmpi ne, %rem3A_142, %ne3A_144 : vector<16xi32>
    %lt3A = arith.constant 0 : i32
    %lt3A_146 = vector.broadcast %lt3A : i32 to vector<16xi32>
    %lt3A_147 = arith.cmpi slt, %rem3A_142, %lt3A_146 : vector<16xi32>
    %lt3A_148 = arith.constant 0 : i32
    %lt3A_149 = arith.cmpi slt, %select_n3A_140, %lt3A_148 : i32
    %ne3A_150 = vector.broadcast %lt3A_149 : i1 to vector<16xi1>
    %ne3A_151 = vector.broadcast %ne3A_150 : vector<16xi1> to vector<16xi1>
    %ne3A_152 = arith.xori %lt3A_147, %ne3A_151 : vector<16xi1>
    %and3A_153 = arith.andi %ne3A_152, %ne3A_145 : vector<16xi1>
    %add3A_154 = vector.broadcast %select_n3A_140 : i32 to vector<16xi32>
    %add3A_155 = arith.addi %rem3A_142, %add3A_154 : vector<16xi32>
    %select_n3A_156 = arith.select %and3A_153, %add3A_155, %rem3A_142 : vector<16xi1>, vector<16xi32>
    %add3A_157 = arith.constant 16 : i32
    %add3A_158 = vector.broadcast %add3A_157 : i32 to vector<16xi32>
    %add3A_159 = arith.addi %iota3A, %add3A_158 : vector<16xi32>
    %jit3A_160 = arith.constant 8 : i32
    %eq3A_161 = arith.constant 0 : i32
    %eq3A_162 = arith.cmpi eq, %jit3A_160, %eq3A_161 : i32
    %jit3A_163 = arith.constant 1 : i32
    %select_n3A_164 = arith.select %eq3A_162, %jit3A_163, %jit3A_160 : i32
    %rem3A_165 = vector.broadcast %select_n3A_164 : i32 to vector<16xi32>
    %rem3A_166 = arith.remsi %add3A_159, %rem3A_165 : vector<16xi32>
    %ne3A_167 = arith.constant 0 : i32
    %ne3A_168 = vector.broadcast %ne3A_167 : i32 to vector<16xi32>
    %ne3A_169 = arith.cmpi ne, %rem3A_166, %ne3A_168 : vector<16xi32>
    %lt3A_170 = arith.constant 0 : i32
    %lt3A_171 = vector.broadcast %lt3A_170 : i32 to vector<16xi32>
    %lt3A_172 = arith.cmpi slt, %rem3A_166, %lt3A_171 : vector<16xi32>
    %lt3A_173 = arith.constant 0 : i32
    %lt3A_174 = arith.cmpi slt, %select_n3A_164, %lt3A_173 : i32
    %ne3A_175 = vector.broadcast %lt3A_174 : i1 to vector<16xi1>
    %ne3A_176 = vector.broadcast %ne3A_175 : vector<16xi1> to vector<16xi1>
    %ne3A_177 = arith.xori %lt3A_172, %ne3A_176 : vector<16xi1>
    %and3A_178 = arith.andi %ne3A_177, %ne3A_169 : vector<16xi1>
    %add3A_179 = vector.broadcast %select_n3A_164 : i32 to vector<16xi32>
    %add3A_180 = arith.addi %rem3A_166, %add3A_179 : vector<16xi32>
    %select_n3A_181 = arith.select %and3A_178, %add3A_180, %rem3A_166 : vector<16xi1>, vector<16xi32>
    %add3A_182 = arith.constant 32 : i32
    %add3A_183 = vector.broadcast %add3A_182 : i32 to vector<16xi32>
    %add3A_184 = arith.addi %iota3A, %add3A_183 : vector<16xi32>
    %jit3A_185 = arith.constant 8 : i32
    %eq3A_186 = arith.constant 0 : i32
    %eq3A_187 = arith.cmpi eq, %jit3A_185, %eq3A_186 : i32
    %jit3A_188 = arith.constant 1 : i32
    %select_n3A_189 = arith.select %eq3A_187, %jit3A_188, %jit3A_185 : i32
    %rem3A_190 = vector.broadcast %select_n3A_189 : i32 to vector<16xi32>
    %rem3A_191 = arith.remsi %add3A_184, %rem3A_190 : vector<16xi32>
    %ne3A_192 = arith.constant 0 : i32
    %ne3A_193 = vector.broadcast %ne3A_192 : i32 to vector<16xi32>
    %ne3A_194 = arith.cmpi ne, %rem3A_191, %ne3A_193 : vector<16xi32>
    %lt3A_195 = arith.constant 0 : i32
    %lt3A_196 = vector.broadcast %lt3A_195 : i32 to vector<16xi32>
    %lt3A_197 = arith.cmpi slt, %rem3A_191, %lt3A_196 : vector<16xi32>
    %lt3A_198 = arith.constant 0 : i32
    %lt3A_199 = arith.cmpi slt, %select_n3A_189, %lt3A_198 : i32
    %ne3A_200 = vector.broadcast %lt3A_199 : i1 to vector<16xi1>
    %ne3A_201 = vector.broadcast %ne3A_200 : vector<16xi1> to vector<16xi1>
    %ne3A_202 = arith.xori %lt3A_197, %ne3A_201 : vector<16xi1>
    %and3A_203 = arith.andi %ne3A_202, %ne3A_194 : vector<16xi1>
    %add3A_204 = vector.broadcast %select_n3A_189 : i32 to vector<16xi32>
    %add3A_205 = arith.addi %rem3A_191, %add3A_204 : vector<16xi32>
    %select_n3A_206 = arith.select %and3A_203, %add3A_205, %rem3A_191 : vector<16xi1>, vector<16xi32>
    %add3A_207 = arith.constant 48 : i32
    %add3A_208 = vector.broadcast %add3A_207 : i32 to vector<16xi32>
    %add3A_209 = arith.addi %iota3A, %add3A_208 : vector<16xi32>
    %jit3A_210 = arith.constant 8 : i32
    %eq3A_211 = arith.constant 0 : i32
    %eq3A_212 = arith.cmpi eq, %jit3A_210, %eq3A_211 : i32
    %jit3A_213 = arith.constant 1 : i32
    %select_n3A_214 = arith.select %eq3A_212, %jit3A_213, %jit3A_210 : i32
    %rem3A_215 = vector.broadcast %select_n3A_214 : i32 to vector<16xi32>
    %rem3A_216 = arith.remsi %add3A_209, %rem3A_215 : vector<16xi32>
    %ne3A_217 = arith.constant 0 : i32
    %ne3A_218 = vector.broadcast %ne3A_217 : i32 to vector<16xi32>
    %ne3A_219 = arith.cmpi ne, %rem3A_216, %ne3A_218 : vector<16xi32>
    %lt3A_220 = arith.constant 0 : i32
    %lt3A_221 = vector.broadcast %lt3A_220 : i32 to vector<16xi32>
    %lt3A_222 = arith.cmpi slt, %rem3A_216, %lt3A_221 : vector<16xi32>
    %lt3A_223 = arith.constant 0 : i32
    %lt3A_224 = arith.cmpi slt, %select_n3A_214, %lt3A_223 : i32
    %ne3A_225 = vector.broadcast %lt3A_224 : i1 to vector<16xi1>
    %ne3A_226 = vector.broadcast %ne3A_225 : vector<16xi1> to vector<16xi1>
    %ne3A_227 = arith.xori %lt3A_222, %ne3A_226 : vector<16xi1>
    %and3A_228 = arith.andi %ne3A_227, %ne3A_219 : vector<16xi1>
    %add3A_229 = vector.broadcast %select_n3A_214 : i32 to vector<16xi32>
    %add3A_230 = arith.addi %rem3A_216, %add3A_229 : vector<16xi32>
    %select_n3A_231 = arith.select %and3A_228, %add3A_230, %rem3A_216 : vector<16xi1>, vector<16xi32>
    %dma_start3A = arith.constant 0 : i32
    %dma_start3A_232 = arith.constant 0 : i32
    %dma_start3A_233 = tpu.memref_slice %arg8[%dma_start3A, %dma_start3A_232] : memref<50x128xi32, #tpu.memory_space<vmem>> -> memref<1x128xi32, #tpu.memory_space<vmem>>
    %dma_start3A_234 = tpu.memref_squeeze %dma_start3A_233 : memref<1x128xi32, #tpu.memory_space<vmem>> -> memref<128xi32, #tpu.memory_space<vmem>>
    %dma_start3A_235 = arith.constant 0 : i32
    %dma_start3A_236 = arith.constant 0 : i32
    %dma_start3A_237 = tpu.memref_slice %arg4[%dma_start3A_235, %dma_start3A_236] : memref<100000x64xf32, #tpu.memory_space<hbm>> -> memref<100000x64xf32, #tpu.memory_space<hbm>>
    tpu.enqueue_indirect_dma source(%dma_start3A_237 : memref<100000x64xf32, #tpu.memory_space<hbm>>) target(%arg10 : memref<128x64xf32, #tpu.memory_space<vmem>>) offsets(%dma_start3A_234 : memref<128xi32, #tpu.memory_space<vmem>>) semaphore(%arg14 : memref<!tpu.dma_semaphore, #tpu.memory_space<semaphore_mem>>)
    %dma_start3A_238 = arith.constant 1 : i32
    %dma_start3A_239 = arith.constant 0 : i32
    %dma_start3A_240 = tpu.memref_slice %arg8[%dma_start3A_238, %dma_start3A_239] : memref<50x128xi32, #tpu.memory_space<vmem>> -> memref<1x128xi32, #tpu.memory_space<vmem>>
    %dma_start3A_241 = tpu.memref_squeeze %dma_start3A_240 : memref<1x128xi32, #tpu.memory_space<vmem>> -> memref<128xi32, #tpu.memory_space<vmem>>
    %dma_start3A_242 = arith.constant 0 : i32
    %dma_start3A_243 = arith.constant 0 : i32
    %dma_start3A_244 = tpu.memref_slice %arg4[%dma_start3A_242, %dma_start3A_243] : memref<100000x64xf32, #tpu.memory_space<hbm>> -> memref<100000x64xf32, #tpu.memory_space<hbm>>
    tpu.enqueue_indirect_dma source(%dma_start3A_244 : memref<100000x64xf32, #tpu.memory_space<hbm>>) target(%arg11 : memref<128x64xf32, #tpu.memory_space<vmem>>) offsets(%dma_start3A_241 : memref<128xi32, #tpu.memory_space<vmem>>) semaphore(%arg15 : memref<!tpu.dma_semaphore, #tpu.memory_space<semaphore_mem>>)
    %scan3A = arith.constant 0 : i32
    %scan3A_245 = arith.constant 0 : i32
    %scan3A_246 = arith.constant 25 : i32
    %scan3A_247 = arith.addi %scan3A_245, %scan3A_246 : i32
    %scan3A_248 = arith.constant 1 : i32
    scf.for %scan3A_349 = %scan3A_245 to %scan3A_247 step %scan3A_248  : i32 {
      %mul3A_350 = arith.constant 2 : i32
      %mul3A_351 = arith.muli %mul3A_350, %scan3A_349 : i32
      %add3A_352 = arith.constant 0 : i32
      %add3A_353 = arith.addi %mul3A_351, %add3A_352 : i32
      %dma_wait3A_354 = arith.constant 0 : i32
      %dma_wait3A_355 = arith.constant 0 : i32
      %dma_wait3A_356 = tpu.memref_slice %arg4[%dma_wait3A_354, %dma_wait3A_355] : memref<100000x64xf32, #tpu.memory_space<hbm>> -> memref<128x64xf32, #tpu.memory_space<hbm>>
      %dma_wait3A_357 = arith.constant 0 : i32
      %dma_wait3A_358 = arith.constant 0 : i32
      %dma_wait3A_359 = tpu.memref_slice %arg4[%dma_wait3A_357, %dma_wait3A_358] : memref<100000x64xf32, #tpu.memory_space<hbm>> -> memref<128x64xf32, #tpu.memory_space<hbm>>
      tpu.wait_dma2 semaphore(%arg14 : memref<!tpu.dma_semaphore, #tpu.memory_space<semaphore_mem>>) src(%dma_wait3A_359 : memref<128x64xf32, #tpu.memory_space<hbm>>) dst(%arg10 : memref<128x64xf32, #tpu.memory_space<vmem>>)
      %gt3A = arith.constant 0 : i32
      %gt3A_360 = arith.cmpi sgt, %scan3A_349, %gt3A : i32
      %convert_element_type3A = arith.extui %gt3A_360 : i1 to i32
      %cond3A = arith.constant 0 : i32
      %cond3A_361 = arith.cmpi ne, %convert_element_type3A, %cond3A : i32
      scf.if %cond3A_361 {
        %dma_wait3A_432 = arith.constant 0 : i32
        %dma_wait3A_433 = arith.constant 0 : i32
        %dma_wait3A_434 = arith.constant 0 : i32
        %dma_wait3A_435 = arith.constant 0 : i32
        %dma_wait3A_436 = arith.constant 0 : i32
        %dma_wait3A_437 = tpu.memref_slice %arg12[%dma_wait3A_434, %dma_wait3A_435, %dma_wait3A_436] : memref<8x8x129xf32, #tpu.memory_space<vmem>> -> memref<8x8x128xf32, #tpu.memory_space<vmem>>
        %dma_wait3A_438 = arith.constant 0 : i32
        %dma_wait3A_439 = arith.constant 0 : i32
        %dma_wait3A_440 = arith.constant 0 : i32
        %dma_wait3A_441 = tpu.memref_slice %arg6[%dma_wait3A_432, %dma_wait3A_438, %dma_wait3A_433, %dma_wait3A_439, %dma_wait3A_440] : memref<50x8x32x8x128xf32, #tpu.memory_space<hbm>> -> memref<1x8x1x8x128xf32, #tpu.memory_space<hbm>>
        %dma_wait3A_442 = tpu.memref_squeeze %dma_wait3A_441 : memref<1x8x1x8x128xf32, #tpu.memory_space<hbm>> -> memref<8x8x128xf32, #tpu.memory_space<hbm>>
        %dma_wait3A_443 = arith.constant 0 : i32
        %dma_wait3A_444 = arith.constant 0 : i32
        %dma_wait3A_445 = arith.constant 0 : i32
        %dma_wait3A_446 = tpu.memref_slice %arg6[%dma_wait3A_432, %dma_wait3A_443, %dma_wait3A_433, %dma_wait3A_444, %dma_wait3A_445] : memref<50x8x32x8x128xf32, #tpu.memory_space<hbm>> -> memref<1x8x1x8x128xf32, #tpu.memory_space<hbm>>
        %dma_wait3A_447 = tpu.memref_squeeze %dma_wait3A_446 : memref<1x8x1x8x128xf32, #tpu.memory_space<hbm>> -> memref<8x8x128xf32, #tpu.memory_space<hbm>>
        %dma_wait3A_448 = arith.constant 0 : i32
        %dma_wait3A_449 = arith.constant 0 : i32
        %dma_wait3A_450 = arith.constant 0 : i32
        %dma_wait3A_451 = tpu.memref_slice %arg12[%dma_wait3A_448, %dma_wait3A_449, %dma_wait3A_450] : memref<8x8x129xf32, #tpu.memory_space<vmem>> -> memref<8x8x128xf32, #tpu.memory_space<vmem>>
        tpu.wait_dma2 semaphore(%arg16 : memref<!tpu.dma_semaphore, #tpu.memory_space<semaphore_mem>>) src(%dma_wait3A_451 : memref<8x8x128xf32, #tpu.memory_space<vmem>>) dst(%dma_wait3A_447 : memref<8x8x128xf32, #tpu.memory_space<hbm>>)
      } else {
      }
      %parallel_loop3A = arith.constant 0 : i32
      %parallel_loop3A_362 = arith.constant 128 : i32
      %parallel_loop3A_363 = arith.constant 1 : i32
      scf.for %parallel_loop3A_432 = %parallel_loop3A to %parallel_loop3A_362 step %parallel_loop3A_363  : i32 {
        %parallel_loop3A_433 = vector.broadcast %parallel_loop3A_432 : i32 to vector<16xi32>
        %parallel_loop3A_434 = arith.addi %broadcast_in_dim3A_5, %parallel_loop3A_433 : vector<16xi32>
        %parallel_loop3A_435 = arith.index_cast %parallel_loop3A_432 : i32 to index
        %parallel_loop3A_436 = arith.constant 0 : index
        %parallel_loop3A_437 = tpu.vector_load %arg10[%parallel_loop3A_435, %parallel_loop3A_436] {strides = array<i32>} : memref<128x64xf32, #tpu.memory_space<vmem>>, vector<16xf32>,
        tpu.vector_store_idx %arg12[%select_n3A, %select_n3A_156, %parallel_loop3A_434], %parallel_loop3A_437 : memref<8x8x129xf32, #tpu.memory_space<vmem>>[vector<16xi32>, vector<16xi32>, vector<16xi32>], vector<16xf32>,
        %parallel_loop3A_438 = arith.index_cast %parallel_loop3A_432 : i32 to index
        %parallel_loop3A_439 = arith.constant 16 : index
        %parallel_loop3A_440 = tpu.vector_load %arg10[%parallel_loop3A_438, %parallel_loop3A_439] {strides = array<i32>} : memref<128x64xf32, #tpu.memory_space<vmem>>, vector<16xf32>,
        tpu.vector_store_idx %arg12[%select_n3A_65, %select_n3A_181, %parallel_loop3A_434], %parallel_loop3A_440 : memref<8x8x129xf32, #tpu.memory_space<vmem>>[vector<16xi32>, vector<16xi32>, vector<16xi32>], vector<16xf32>,
        %parallel_loop3A_441 = arith.index_cast %parallel_loop3A_432 : i32 to index
        %parallel_loop3A_442 = arith.constant 32 : index
        %parallel_loop3A_443 = tpu.vector_load %arg10[%parallel_loop3A_441, %parallel_loop3A_442] {strides = array<i32>} : memref<128x64xf32, #tpu.memory_space<vmem>>, vector<16xf32>,
        tpu.vector_store_idx %arg12[%select_n3A_99, %select_n3A_206, %parallel_loop3A_434], %parallel_loop3A_443 : memref<8x8x129xf32, #tpu.memory_space<vmem>>[vector<16xi32>, vector<16xi32>, vector<16xi32>], vector<16xf32>,
        %parallel_loop3A_444 = arith.index_cast %parallel_loop3A_432 : i32 to index
        %parallel_loop3A_445 = arith.constant 48 : index
        %parallel_loop3A_446 = tpu.vector_load %arg10[%parallel_loop3A_444, %parallel_loop3A_445] {strides = array<i32>} : memref<128x64xf32, #tpu.memory_space<vmem>>, vector<16xf32>,
        tpu.vector_store_idx %arg12[%select_n3A_133, %select_n3A_231, %parallel_loop3A_434], %parallel_loop3A_446 : memref<8x8x129xf32, #tpu.memory_space<vmem>>[vector<16xi32>, vector<16xi32>, vector<16xi32>], vector<16xf32>,
      } {sc.loop_unroll_factor = 16 : i64, sc.parallel_access}
      %dma_start3A_364 = arith.constant 0 : i32
      %dma_start3A_365 = arith.constant 0 : i32
      %dma_start3A_366 = arith.constant 0 : i32
      %dma_start3A_367 = tpu.memref_slice %arg12[%dma_start3A_364, %dma_start3A_365, %dma_start3A_366] : memref<8x8x129xf32, #tpu.memory_space<vmem>> -> memref<8x8x128xf32, #tpu.memory_space<vmem>>
      %dma_start3A_368 = arith.constant 0 : i32
      %dma_start3A_369 = arith.constant 0 : i32
      %dma_start3A_370 = arith.constant 0 : i32
      %dma_start3A_371 = tpu.memref_slice %arg6[%add3A_353, %dma_start3A_368, %add3A, %dma_start3A_369, %dma_start3A_370] : memref<50x8x32x8x128xf32, #tpu.memory_space<hbm>> -> memref<1x8x1x8x128xf32, #tpu.memory_space<hbm>>
      %dma_start3A_372 = tpu.memref_squeeze %dma_start3A_371 : memref<1x8x1x8x128xf32, #tpu.memory_space<hbm>> -> memref<8x8x128xf32, #tpu.memory_space<hbm>>
      %dma_start3A_373 = arith.constant 0 : i32
      %dma_start3A_374 = arith.constant 0 : i32
      %dma_start3A_375 = arith.constant 0 : i32
      %dma_start3A_376 = tpu.memref_slice %arg6[%add3A_353, %dma_start3A_373, %add3A, %dma_start3A_374, %dma_start3A_375] : memref<50x8x32x8x128xf32, #tpu.memory_space<hbm>> -> memref<1x8x1x8x128xf32, #tpu.memory_space<hbm>>
      %dma_start3A_377 = tpu.memref_squeeze %dma_start3A_376 : memref<1x8x1x8x128xf32, #tpu.memory_space<hbm>> -> memref<8x8x128xf32, #tpu.memory_space<hbm>>
      %dma_start3A_378 = arith.constant 0 : i32
      %dma_start3A_379 = arith.constant 0 : i32
      %dma_start3A_380 = arith.constant 0 : i32
      %dma_start3A_381 = tpu.memref_slice %arg12[%dma_start3A_378, %dma_start3A_379, %dma_start3A_380] : memref<8x8x129xf32, #tpu.memory_space<vmem>> -> memref<8x8x128xf32, #tpu.memory_space<vmem>>
      tpu.enqueue_dma source(%dma_start3A_381 : memref<8x8x128xf32, #tpu.memory_space<vmem>>) target(%dma_start3A_377 : memref<8x8x128xf32, #tpu.memory_space<hbm>>) target_semaphore(%arg16 : memref<!tpu.dma_semaphore, #tpu.memory_space<semaphore_mem>>)
      %add3A_382 = arith.constant 2 : i32
      %add3A_383 = arith.addi %add3A_353, %add3A_382 : i32
      %lt3A_384 = arith.constant 50 : i32
      %lt3A_385 = arith.cmpi slt, %add3A_383, %lt3A_384 : i32
      %convert_element_type3A_386 = arith.extui %lt3A_385 : i1 to i32
      %cond3A_387 = arith.constant 0 : i32
      %cond3A_388 = arith.cmpi ne, %convert_element_type3A_386, %cond3A_387 : i32
      scf.if %cond3A_388 {
        %add3A_432 = arith.constant 2 : i32
        %add3A_433 = arith.addi %add3A_353, %add3A_432 : i32
        %dma_start3A_434 = arith.constant 0 : i32
        %dma_start3A_435 = tpu.memref_slice %arg8[%add3A_433, %dma_start3A_434] : memref<50x128xi32, #tpu.memory_space<vmem>> -> memref<1x128xi32, #tpu.memory_space<vmem>>
        %dma_start3A_436 = tpu.memref_squeeze %dma_start3A_435 : memref<1x128xi32, #tpu.memory_space<vmem>> -> memref<128xi32, #tpu.memory_space<vmem>>
        %dma_start3A_437 = arith.constant 0 : i32
        %dma_start3A_438 = arith.constant 0 : i32
        %dma_start3A_439 = tpu.memref_slice %arg4[%dma_start3A_437, %dma_start3A_438] : memref<100000x64xf32, #tpu.memory_space<hbm>> -> memref<100000x64xf32, #tpu.memory_space<hbm>>
        tpu.enqueue_indirect_dma source(%dma_start3A_439 : memref<100000x64xf32, #tpu.memory_space<hbm>>) target(%arg10 : memref<128x64xf32, #tpu.memory_space<vmem>>) offsets(%dma_start3A_436 : memref<128xi32, #tpu.memory_space<vmem>>) semaphore(%arg14 : memref<!tpu.dma_semaphore, #tpu.memory_space<semaphore_mem>>)
      } else {
      }
      %mul3A_389 = arith.constant 2 : i32
      %mul3A_390 = arith.muli %mul3A_389, %scan3A_349 : i32
      %add3A_391 = arith.constant 1 : i32
      %add3A_392 = arith.addi %mul3A_390, %add3A_391 : i32
      %dma_wait3A_393 = arith.constant 0 : i32
      %dma_wait3A_394 = arith.constant 0 : i32
      %dma_wait3A_395 = tpu.memref_slice %arg4[%dma_wait3A_393, %dma_wait3A_394] : memref<100000x64xf32, #tpu.memory_space<hbm>> -> memref<128x64xf32, #tpu.memory_space<hbm>>
      %dma_wait3A_396 = arith.constant 0 : i32
      %dma_wait3A_397 = arith.constant 0 : i32
      %dma_wait3A_398 = tpu.memref_slice %arg4[%dma_wait3A_396, %dma_wait3A_397] : memref<100000x64xf32, #tpu.memory_space<hbm>> -> memref<128x64xf32, #tpu.memory_space<hbm>>
      tpu.wait_dma2 semaphore(%arg15 : memref<!tpu.dma_semaphore, #tpu.memory_space<semaphore_mem>>) src(%dma_wait3A_398 : memref<128x64xf32, #tpu.memory_space<hbm>>) dst(%arg11 : memref<128x64xf32, #tpu.memory_space<vmem>>)
      %gt3A_399 = arith.constant 0 : i32
      %gt3A_400 = arith.cmpi sgt, %scan3A_349, %gt3A_399 : i32
      %convert_element_type3A_401 = arith.extui %gt3A_400 : i1 to i32
      %cond3A_402 = arith.constant 0 : i32
      %cond3A_403 = arith.cmpi ne, %convert_element_type3A_401, %cond3A_402 : i32
      scf.if %cond3A_403 {
        %dma_wait3A_432 = arith.constant 0 : i32
        %dma_wait3A_433 = arith.constant 0 : i32
        %dma_wait3A_434 = arith.constant 0 : i32
        %dma_wait3A_435 = arith.constant 0 : i32
        %dma_wait3A_436 = arith.constant 0 : i32
        %dma_wait3A_437 = tpu.memref_slice %arg13[%dma_wait3A_434, %dma_wait3A_435, %dma_wait3A_436] : memref<8x8x129xf32, #tpu.memory_space<vmem>> -> memref<8x8x128xf32, #tpu.memory_space<vmem>>
        %dma_wait3A_438 = arith.constant 0 : i32
        %dma_wait3A_439 = arith.constant 0 : i32
        %dma_wait3A_440 = arith.constant 0 : i32
        %dma_wait3A_441 = tpu.memref_slice %arg6[%dma_wait3A_432, %dma_wait3A_438, %dma_wait3A_433, %dma_wait3A_439, %dma_wait3A_440] : memref<50x8x32x8x128xf32, #tpu.memory_space<hbm>> -> memref<1x8x1x8x128xf32, #tpu.memory_space<hbm>>
        %dma_wait3A_442 = tpu.memref_squeeze %dma_wait3A_441 : memref<1x8x1x8x128xf32, #tpu.memory_space<hbm>> -> memref<8x8x128xf32, #tpu.memory_space<hbm>>
        %dma_wait3A_443 = arith.constant 0 : i32
        %dma_wait3A_444 = arith.constant 0 : i32
        %dma_wait3A_445 = arith.constant 0 : i32
        %dma_wait3A_446 = tpu.memref_slice %arg6[%dma_wait3A_432, %dma_wait3A_443, %dma_wait3A_433, %dma_wait3A_444, %dma_wait3A_445] : memref<50x8x32x8x128xf32, #tpu.memory_space<hbm>> -> memref<1x8x1x8x128xf32, #tpu.memory_space<hbm>>
        %dma_wait3A_447 = tpu.memref_squeeze %dma_wait3A_446 : memref<1x8x1x8x128xf32, #tpu.memory_space<hbm>> -> memref<8x8x128xf32, #tpu.memory_space<hbm>>
        %dma_wait3A_448 = arith.constant 0 : i32
        %dma_wait3A_449 = arith.constant 0 : i32
        %dma_wait3A_450 = arith.constant 0 : i32
        %dma_wait3A_451 = tpu.memref_slice %arg13[%dma_wait3A_448, %dma_wait3A_449, %dma_wait3A_450] : memref<8x8x129xf32, #tpu.memory_space<vmem>> -> memref<8x8x128xf32, #tpu.memory_space<vmem>>
        tpu.wait_dma2 semaphore(%arg17 : memref<!tpu.dma_semaphore, #tpu.memory_space<semaphore_mem>>) src(%dma_wait3A_451 : memref<8x8x128xf32, #tpu.memory_space<vmem>>) dst(%dma_wait3A_447 : memref<8x8x128xf32, #tpu.memory_space<hbm>>)
      } else {
      }
      %parallel_loop3A_404 = arith.constant 0 : i32
      %parallel_loop3A_405 = arith.constant 128 : i32
      %parallel_loop3A_406 = arith.constant 1 : i32
      scf.for %parallel_loop3A_432 = %parallel_loop3A_404 to %parallel_loop3A_405 step %parallel_loop3A_406  : i32 {
        %parallel_loop3A_433 = vector.broadcast %parallel_loop3A_432 : i32 to vector<16xi32>
        %parallel_loop3A_434 = arith.addi %broadcast_in_dim3A_5, %parallel_loop3A_433 : vector<16xi32>
        %parallel_loop3A_435 = arith.index_cast %parallel_loop3A_432 : i32 to index
        %parallel_loop3A_436 = arith.constant 0 : index
        %parallel_loop3A_437 = tpu.vector_load %arg11[%parallel_loop3A_435, %parallel_loop3A_436] {strides = array<i32>} : memref<128x64xf32, #tpu.memory_space<vmem>>, vector<16xf32>,
        tpu.vector_store_idx %arg13[%select_n3A, %select_n3A_156, %parallel_loop3A_434], %parallel_loop3A_437 : memref<8x8x129xf32, #tpu.memory_space<vmem>>[vector<16xi32>, vector<16xi32>, vector<16xi32>], vector<16xf32>,
        %parallel_loop3A_438 = arith.index_cast %parallel_loop3A_432 : i32 to index
        %parallel_loop3A_439 = arith.constant 16 : index
        %parallel_loop3A_440 = tpu.vector_load %arg11[%parallel_loop3A_438, %parallel_loop3A_439] {strides = array<i32>} : memref<128x64xf32, #tpu.memory_space<vmem>>, vector<16xf32>,
        tpu.vector_store_idx %arg13[%select_n3A_65, %select_n3A_181, %parallel_loop3A_434], %parallel_loop3A_440 : memref<8x8x129xf32, #tpu.memory_space<vmem>>[vector<16xi32>, vector<16xi32>, vector<16xi32>], vector<16xf32>,
        %parallel_loop3A_441 = arith.index_cast %parallel_loop3A_432 : i32 to index
        %parallel_loop3A_442 = arith.constant 32 : index
        %parallel_loop3A_443 = tpu.vector_load %arg11[%parallel_loop3A_441, %parallel_loop3A_442] {strides = array<i32>} : memref<128x64xf32, #tpu.memory_space<vmem>>, vector<16xf32>,
        tpu.vector_store_idx %arg13[%select_n3A_99, %select_n3A_206, %parallel_loop3A_434], %parallel_loop3A_443 : memref<8x8x129xf32, #tpu.memory_space<vmem>>[vector<16xi32>, vector<16xi32>, vector<16xi32>], vector<16xf32>,
        %parallel_loop3A_444 = arith.index_cast %parallel_loop3A_432 : i32 to index
        %parallel_loop3A_445 = arith.constant 48 : index
        %parallel_loop3A_446 = tpu.vector_load %arg11[%parallel_loop3A_444, %parallel_loop3A_445] {strides = array<i32>} : memref<128x64xf32, #tpu.memory_space<vmem>>, vector<16xf32>,
        tpu.vector_store_idx %arg13[%select_n3A_133, %select_n3A_231, %parallel_loop3A_434], %parallel_loop3A_446 : memref<8x8x129xf32, #tpu.memory_space<vmem>>[vector<16xi32>, vector<16xi32>, vector<16xi32>], vector<16xf32>,
      } {sc.loop_unroll_factor = 16 : i64, sc.parallel_access}
      %dma_start3A_407 = arith.constant 0 : i32
      %dma_start3A_408 = arith.constant 0 : i32
      %dma_start3A_409 = arith.constant 0 : i32
      %dma_start3A_410 = tpu.memref_slice %arg13[%dma_start3A_407, %dma_start3A_408, %dma_start3A_409] : memref<8x8x129xf32, #tpu.memory_space<vmem>> -> memref<8x8x128xf32, #tpu.memory_space<vmem>>
      %dma_start3A_411 = arith.constant 0 : i32
      %dma_start3A_412 = arith.constant 0 : i32
      %dma_start3A_413 = arith.constant 0 : i32
      %dma_start3A_414 = tpu.memref_slice %arg6[%add3A_392, %dma_start3A_411, %add3A, %dma_start3A_412, %dma_start3A_413] : memref<50x8x32x8x128xf32, #tpu.memory_space<hbm>> -> memref<1x8x1x8x128xf32, #tpu.memory_space<hbm>>
      %dma_start3A_415 = tpu.memref_squeeze %dma_start3A_414 : memref<1x8x1x8x128xf32, #tpu.memory_space<hbm>> -> memref<8x8x128xf32, #tpu.memory_space<hbm>>
      %dma_start3A_416 = arith.constant 0 : i32
      %dma_start3A_417 = arith.constant 0 : i32
      %dma_start3A_418 = arith.constant 0 : i32
      %dma_start3A_419 = tpu.memref_slice %arg6[%add3A_392, %dma_start3A_416, %add3A, %dma_start3A_417, %dma_start3A_418] : memref<50x8x32x8x128xf32, #tpu.memory_space<hbm>> -> memref<1x8x1x8x128xf32, #tpu.memory_space<hbm>>
      %dma_start3A_420 = tpu.memref_squeeze %dma_start3A_419 : memref<1x8x1x8x128xf32, #tpu.memory_space<hbm>> -> memref<8x8x128xf32, #tpu.memory_space<hbm>>
      %dma_start3A_421 = arith.constant 0 : i32
      %dma_start3A_422 = arith.constant 0 : i32
      %dma_start3A_423 = arith.constant 0 : i32
      %dma_start3A_424 = tpu.memref_slice %arg13[%dma_start3A_421, %dma_start3A_422, %dma_start3A_423] : memref<8x8x129xf32, #tpu.memory_space<vmem>> -> memref<8x8x128xf32, #tpu.memory_space<vmem>>
      tpu.enqueue_dma source(%dma_start3A_424 : memref<8x8x128xf32, #tpu.memory_space<vmem>>) target(%dma_start3A_420 : memref<8x8x128xf32, #tpu.memory_space<hbm>>) target_semaphore(%arg17 : memref<!tpu.dma_semaphore, #tpu.memory_space<semaphore_mem>>)
      %add3A_425 = arith.constant 2 : i32
      %add3A_426 = arith.addi %add3A_392, %add3A_425 : i32
      %lt3A_427 = arith.constant 50 : i32
      %lt3A_428 = arith.cmpi slt, %add3A_426, %lt3A_427 : i32
      %convert_element_type3A_429 = arith.extui %lt3A_428 : i1 to i32
      %cond3A_430 = arith.constant 0 : i32
      %cond3A_431 = arith.cmpi ne, %convert_element_type3A_429, %cond3A_430 : i32
      scf.if %cond3A_431 {
        %add3A_432 = arith.constant 2 : i32
        %add3A_433 = arith.addi %add3A_392, %add3A_432 : i32
        %dma_start3A_434 = arith.constant 0 : i32
        %dma_start3A_435 = tpu.memref_slice %arg8[%add3A_433, %dma_start3A_434] : memref<50x128xi32, #tpu.memory_space<vmem>> -> memref<1x128xi32, #tpu.memory_space<vmem>>
        %dma_start3A_436 = tpu.memref_squeeze %dma_start3A_435 : memref<1x128xi32, #tpu.memory_space<vmem>> -> memref<128xi32, #tpu.memory_space<vmem>>
        %dma_start3A_437 = arith.constant 0 : i32
        %dma_start3A_438 = arith.constant 0 : i32
        %dma_start3A_439 = tpu.memref_slice %arg4[%dma_start3A_437, %dma_start3A_438] : memref<100000x64xf32, #tpu.memory_space<hbm>> -> memref<100000x64xf32, #tpu.memory_space<hbm>>
        tpu.enqueue_indirect_dma source(%dma_start3A_439 : memref<100000x64xf32, #tpu.memory_space<hbm>>) target(%arg11 : memref<128x64xf32, #tpu.memory_space<vmem>>) offsets(%dma_start3A_436 : memref<128xi32, #tpu.memory_space<vmem>>) semaphore(%arg15 : memref<!tpu.dma_semaphore, #tpu.memory_space<semaphore_mem>>)
      } else {
      }
    }
    %scan3A_249 = arith.constant 25 : i32
    %dma_wait3A = arith.constant 0 : i32
    %dma_wait3A_250 = arith.constant 0 : i32
    %dma_wait3A_251 = arith.constant 0 : i32
    %dma_wait3A_252 = arith.constant 0 : i32
    %dma_wait3A_253 = arith.constant 0 : i32
    %dma_wait3A_254 = tpu.memref_slice %arg12[%dma_wait3A_251, %dma_wait3A_252, %dma_wait3A_253] : memref<8x8x129xf32, #tpu.memory_space<vmem>> -> memref<8x8x128xf32, #tpu.memory_space<vmem>>
    %dma_wait3A_255 = arith.constant 0 : i32
    %dma_wait3A_256 = arith.constant 0 : i32
    %dma_wait3A_257 = arith.constant 0 : i32
    %dma_wait3A_258 = tpu.memref_slice %arg6[%dma_wait3A, %dma_wait3A_255, %dma_wait3A_250, %dma_wait3A_256, %dma_wait3A_257] : memref<50x8x32x8x128xf32, #tpu.memory_space<hbm>> -> memref<1x8x1x8x128xf32, #tpu.memory_space<hbm>>
    %dma_wait3A_259 = tpu.memref_squeeze %dma_wait3A_258 : memref<1x8x1x8x128xf32, #tpu.memory_space<hbm>> -> memref<8x8x128xf32, #tpu.memory_space<hbm>>
    %dma_wait3A_260 = arith.constant 0 : i32
    %dma_wait3A_261 = arith.constant 0 : i32
    %dma_wait3A_262 = arith.constant 0 : i32
    %dma_wait3A_263 = tpu.memref_slice %arg6[%dma_wait3A, %dma_wait3A_260, %dma_wait3A_250, %dma_wait3A_261, %dma_wait3A_262] : memref<50x8x32x8x128xf32, #tpu.memory_space<hbm>> -> memref<1x8x1x8x128xf32, #tpu.memory_space<hbm>>
    %dma_wait3A_264 = tpu.memref_squeeze %dma_wait3A_263 : memref<1x8x1x8x128xf32, #tpu.memory_space<hbm>> -> memref<8x8x128xf32, #tpu.memory_space<hbm>>
    %dma_wait3A_265 = arith.constant 0 : i32
    %dma_wait3A_266 = arith.constant 0 : i32
    %dma_wait3A_267 = arith.constant 0 : i32
    %dma_wait3A_268 = tpu.memref_slice %arg12[%dma_wait3A_265, %dma_wait3A_266, %dma_wait3A_267] : memref<8x8x129xf32, #tpu.memory_space<vmem>> -> memref<8x8x128xf32, #tpu.memory_space<vmem>>
    tpu.wait_dma2 semaphore(%arg16 : memref<!tpu.dma_semaphore, #tpu.memory_space<semaphore_mem>>) src(%dma_wait3A_268 : memref<8x8x128xf32, #tpu.memory_space<vmem>>) dst(%dma_wait3A_264 : memref<8x8x128xf32, #tpu.memory_space<hbm>>)
    %dma_wait3A_269 = arith.constant 0 : i32
    %dma_wait3A_270 = arith.constant 0 : i32
    %dma_wait3A_271 = arith.constant 0 : i32
    %dma_wait3A_272 = arith.constant 0 : i32
    %dma_wait3A_273 = arith.constant 0 : i32
    %dma_wait3A_274 = tpu.memref_slice %arg13[%dma_wait3A_271, %dma_wait3A_272, %dma_wait3A_273] : memref<8x8x129xf32, #tpu.memory_space<vmem>> -> memref<8x8x128xf32, #tpu.memory_space<vmem>>
    %dma_wait3A_275 = arith.constant 0 : i32
    %dma_wait3A_276 = arith.constant 0 : i32
    %dma_wait3A_277 = arith.constant 0 : i32
    %dma_wait3A_278 = tpu.memref_slice %arg6[%dma_wait3A_269, %dma_wait3A_275, %dma_wait3A_270, %dma_wait3A_276, %dma_wait3A_277] : memref<50x8x32x8x128xf32, #tpu.memory_space<hbm>> -> memref<1x8x1x8x128xf32, #tpu.memory_space<hbm>>
    %dma_wait3A_279 = tpu.memref_squeeze %dma_wait3A_278 : memref<1x8x1x8x128xf32, #tpu.memory_space<hbm>> -> memref<8x8x128xf32, #tpu.memory_space<hbm>>
    %dma_wait3A_280 = arith.constant 0 : i32
    %dma_wait3A_281 = arith.constant 0 : i32
    %dma_wait3A_282 = arith.constant 0 : i32
    %dma_wait3A_283 = tpu.memref_slice %arg6[%dma_wait3A_269, %dma_wait3A_280, %dma_wait3A_270, %dma_wait3A_281, %dma_wait3A_282] : memref<50x8x32x8x128xf32, #tpu.memory_space<hbm>> -> memref<1x8x1x8x128xf32, #tpu.memory_space<hbm>>
    %dma_wait3A_284 = tpu.memref_squeeze %dma_wait3A_283 : memref<1x8x1x8x128xf32, #tpu.memory_space<hbm>> -> memref<8x8x128xf32, #tpu.memory_space<hbm>>
    %dma_wait3A_285 = arith.constant 0 : i32
    %dma_wait3A_286 = arith.constant 0 : i32
    %dma_wait3A_287 = arith.constant 0 : i32
    %dma_wait3A_288 = tpu.memref_slice %arg13[%dma_wait3A_285, %dma_wait3A_286, %dma_wait3A_287] : memref<8x8x129xf32, #tpu.memory_space<vmem>> -> memref<8x8x128xf32, #tpu.memory_space<vmem>>
    tpu.wait_dma2 semaphore(%arg17 : memref<!tpu.dma_semaphore, #tpu.memory_space<semaphore_mem>>) src(%dma_wait3A_288 : memref<8x8x128xf32, #tpu.memory_space<vmem>>) dst(%dma_wait3A_284 : memref<8x8x128xf32, #tpu.memory_space<hbm>>)
    %dma_start3A_289 = arith.constant 0 : i32
    %dma_start3A_290 = arith.constant 0 : i32
    %dma_start3A_291 = tpu.memref_slice %arg9[%dma_start3A_289, %dma_start3A_290] : memref<50x128xi32, #tpu.memory_space<vmem>> -> memref<1x128xi32, #tpu.memory_space<vmem>>
    %dma_start3A_292 = tpu.memref_squeeze %dma_start3A_291 : memref<1x128xi32, #tpu.memory_space<vmem>> -> memref<128xi32, #tpu.memory_space<vmem>>
    %dma_start3A_293 = arith.constant 0 : i32
    %dma_start3A_294 = arith.constant 0 : i32
    %dma_start3A_295 = tpu.memref_slice %arg5[%dma_start3A_293, %dma_start3A_294] : memref<100000x64xf32, #tpu.memory_space<hbm>> -> memref<100000x64xf32, #tpu.memory_space<hbm>>
    tpu.enqueue_indirect_dma source(%dma_start3A_295 : memref<100000x64xf32, #tpu.memory_space<hbm>>) target(%arg10 : memref<128x64xf32, #tpu.memory_space<vmem>>) offsets(%dma_start3A_292 : memref<128xi32, #tpu.memory_space<vmem>>) semaphore(%arg14 : memref<!tpu.dma_semaphore, #tpu.memory_space<semaphore_mem>>)
    %dma_start3A_296 = arith.constant 1 : i32
    %dma_start3A_297 = arith.constant 0 : i32
    %dma_start3A_298 = tpu.memref_slice %arg9[%dma_start3A_296, %dma_start3A_297] : memref<50x128xi32, #tpu.memory_space<vmem>> -> memref<1x128xi32, #tpu.memory_space<vmem>>
    %dma_start3A_299 = tpu.memref_squeeze %dma_start3A_298 : memref<1x128xi32, #tpu.memory_space<vmem>> -> memref<128xi32, #tpu.memory_space<vmem>>
    %dma_start3A_300 = arith.constant 0 : i32
    %dma_start3A_301 = arith.constant 0 : i32
    %dma_start3A_302 = tpu.memref_slice %arg5[%dma_start3A_300, %dma_start3A_301] : memref<100000x64xf32, #tpu.memory_space<hbm>> -> memref<100000x64xf32, #tpu.memory_space<hbm>>
    tpu.enqueue_indirect_dma source(%dma_start3A_302 : memref<100000x64xf32, #tpu.memory_space<hbm>>) target(%arg11 : memref<128x64xf32, #tpu.memory_space<vmem>>) offsets(%dma_start3A_299 : memref<128xi32, #tpu.memory_space<vmem>>) semaphore(%arg15 : memref<!tpu.dma_semaphore, #tpu.memory_space<semaphore_mem>>)
    %scan3A_303 = arith.constant 0 : i32
    %scan3A_304 = arith.constant 0 : i32
    %scan3A_305 = arith.constant 25 : i32
    %scan3A_306 = arith.addi %scan3A_304, %scan3A_305 : i32
    %scan3A_307 = arith.constant 1 : i32
    scf.for %scan3A_349 = %scan3A_304 to %scan3A_306 step %scan3A_307  : i32 {
      %mul3A_350 = arith.constant 2 : i32
      %mul3A_351 = arith.muli %mul3A_350, %scan3A_349 : i32
      %add3A_352 = arith.constant 0 : i32
      %add3A_353 = arith.addi %mul3A_351, %add3A_352 : i32
      %dma_wait3A_354 = arith.constant 0 : i32
      %dma_wait3A_355 = arith.constant 0 : i32
      %dma_wait3A_356 = tpu.memref_slice %arg5[%dma_wait3A_354, %dma_wait3A_355] : memref<100000x64xf32, #tpu.memory_space<hbm>> -> memref<128x64xf32, #tpu.memory_space<hbm>>
      %dma_wait3A_357 = arith.constant 0 : i32
      %dma_wait3A_358 = arith.constant 0 : i32
      %dma_wait3A_359 = tpu.memref_slice %arg5[%dma_wait3A_357, %dma_wait3A_358] : memref<100000x64xf32, #tpu.memory_space<hbm>> -> memref<128x64xf32, #tpu.memory_space<hbm>>
      tpu.wait_dma2 semaphore(%arg14 : memref<!tpu.dma_semaphore, #tpu.memory_space<semaphore_mem>>) src(%dma_wait3A_359 : memref<128x64xf32, #tpu.memory_space<hbm>>) dst(%arg10 : memref<128x64xf32, #tpu.memory_space<vmem>>)
      %gt3A = arith.constant 0 : i32
      %gt3A_360 = arith.cmpi sgt, %scan3A_349, %gt3A : i32
      %convert_element_type3A = arith.extui %gt3A_360 : i1 to i32
      %cond3A = arith.constant 0 : i32
      %cond3A_361 = arith.cmpi ne, %convert_element_type3A, %cond3A : i32
      scf.if %cond3A_361 {
        %dma_wait3A_432 = arith.constant 0 : i32
        %dma_wait3A_433 = arith.constant 0 : i32
        %dma_wait3A_434 = arith.constant 0 : i32
        %dma_wait3A_435 = arith.constant 0 : i32
        %dma_wait3A_436 = arith.constant 0 : i32
        %dma_wait3A_437 = tpu.memref_slice %arg12[%dma_wait3A_434, %dma_wait3A_435, %dma_wait3A_436] : memref<8x8x129xf32, #tpu.memory_space<vmem>> -> memref<8x8x128xf32, #tpu.memory_space<vmem>>
        %dma_wait3A_438 = arith.constant 0 : i32
        %dma_wait3A_439 = arith.constant 0 : i32
        %dma_wait3A_440 = arith.constant 0 : i32
        %dma_wait3A_441 = tpu.memref_slice %arg7[%dma_wait3A_432, %dma_wait3A_438, %dma_wait3A_433, %dma_wait3A_439, %dma_wait3A_440] : memref<50x8x32x8x128xf32, #tpu.memory_space<hbm>> -> memref<1x8x1x8x128xf32, #tpu.memory_space<hbm>>
        %dma_wait3A_442 = tpu.memref_squeeze %dma_wait3A_441 : memref<1x8x1x8x128xf32, #tpu.memory_space<hbm>> -> memref<8x8x128xf32, #tpu.memory_space<hbm>>
        %dma_wait3A_443 = arith.constant 0 : i32
        %dma_wait3A_444 = arith.constant 0 : i32
        %dma_wait3A_445 = arith.constant 0 : i32
        %dma_wait3A_446 = tpu.memref_slice %arg7[%dma_wait3A_432, %dma_wait3A_443, %dma_wait3A_433, %dma_wait3A_444, %dma_wait3A_445] : memref<50x8x32x8x128xf32, #tpu.memory_space<hbm>> -> memref<1x8x1x8x128xf32, #tpu.memory_space<hbm>>
        %dma_wait3A_447 = tpu.memref_squeeze %dma_wait3A_446 : memref<1x8x1x8x128xf32, #tpu.memory_space<hbm>> -> memref<8x8x128xf32, #tpu.memory_space<hbm>>
        %dma_wait3A_448 = arith.constant 0 : i32
        %dma_wait3A_449 = arith.constant 0 : i32
        %dma_wait3A_450 = arith.constant 0 : i32
        %dma_wait3A_451 = tpu.memref_slice %arg12[%dma_wait3A_448, %dma_wait3A_449, %dma_wait3A_450] : memref<8x8x129xf32, #tpu.memory_space<vmem>> -> memref<8x8x128xf32, #tpu.memory_space<vmem>>
        tpu.wait_dma2 semaphore(%arg16 : memref<!tpu.dma_semaphore, #tpu.memory_space<semaphore_mem>>) src(%dma_wait3A_451 : memref<8x8x128xf32, #tpu.memory_space<vmem>>) dst(%dma_wait3A_447 : memref<8x8x128xf32, #tpu.memory_space<hbm>>)
      } else {
      }
      %parallel_loop3A = arith.constant 0 : i32
      %parallel_loop3A_362 = arith.constant 128 : i32
      %parallel_loop3A_363 = arith.constant 1 : i32
      scf.for %parallel_loop3A_432 = %parallel_loop3A to %parallel_loop3A_362 step %parallel_loop3A_363  : i32 {
        %parallel_loop3A_433 = vector.broadcast %parallel_loop3A_432 : i32 to vector<16xi32>
        %parallel_loop3A_434 = arith.addi %broadcast_in_dim3A_5, %parallel_loop3A_433 : vector<16xi32>
        %parallel_loop3A_435 = arith.index_cast %parallel_loop3A_432 : i32 to index
        %parallel_loop3A_436 = arith.constant 0 : index
        %parallel_loop3A_437 = tpu.vector_load %arg10[%parallel_loop3A_435, %parallel_loop3A_436] {strides = array<i32>} : memref<128x64xf32, #tpu.memory_space<vmem>>, vector<16xf32>,
        tpu.vector_store_idx %arg12[%select_n3A, %select_n3A_156, %parallel_loop3A_434], %parallel_loop3A_437 : memref<8x8x129xf32, #tpu.memory_space<vmem>>[vector<16xi32>, vector<16xi32>, vector<16xi32>], vector<16xf32>,
        %parallel_loop3A_438 = arith.index_cast %parallel_loop3A_432 : i32 to index
        %parallel_loop3A_439 = arith.constant 16 : index
        %parallel_loop3A_440 = tpu.vector_load %arg10[%parallel_loop3A_438, %parallel_loop3A_439] {strides = array<i32>} : memref<128x64xf32, #tpu.memory_space<vmem>>, vector<16xf32>,
        tpu.vector_store_idx %arg12[%select_n3A_65, %select_n3A_181, %parallel_loop3A_434], %parallel_loop3A_440 : memref<8x8x129xf32, #tpu.memory_space<vmem>>[vector<16xi32>, vector<16xi32>, vector<16xi32>], vector<16xf32>,
        %parallel_loop3A_441 = arith.index_cast %parallel_loop3A_432 : i32 to index
        %parallel_loop3A_442 = arith.constant 32 : index
        %parallel_loop3A_443 = tpu.vector_load %arg10[%parallel_loop3A_441, %parallel_loop3A_442] {strides = array<i32>} : memref<128x64xf32, #tpu.memory_space<vmem>>, vector<16xf32>,
        tpu.vector_store_idx %arg12[%select_n3A_99, %select_n3A_206, %parallel_loop3A_434], %parallel_loop3A_443 : memref<8x8x129xf32, #tpu.memory_space<vmem>>[vector<16xi32>, vector<16xi32>, vector<16xi32>], vector<16xf32>,
        %parallel_loop3A_444 = arith.index_cast %parallel_loop3A_432 : i32 to index
        %parallel_loop3A_445 = arith.constant 48 : index
        %parallel_loop3A_446 = tpu.vector_load %arg10[%parallel_loop3A_444, %parallel_loop3A_445] {strides = array<i32>} : memref<128x64xf32, #tpu.memory_space<vmem>>, vector<16xf32>,
        tpu.vector_store_idx %arg12[%select_n3A_133, %select_n3A_231, %parallel_loop3A_434], %parallel_loop3A_446 : memref<8x8x129xf32, #tpu.memory_space<vmem>>[vector<16xi32>, vector<16xi32>, vector<16xi32>], vector<16xf32>,
      } {sc.loop_unroll_factor = 16 : i64, sc.parallel_access}
      %dma_start3A_364 = arith.constant 0 : i32
      %dma_start3A_365 = arith.constant 0 : i32
      %dma_start3A_366 = arith.constant 0 : i32
      %dma_start3A_367 = tpu.memref_slice %arg12[%dma_start3A_364, %dma_start3A_365, %dma_start3A_366] : memref<8x8x129xf32, #tpu.memory_space<vmem>> -> memref<8x8x128xf32, #tpu.memory_space<vmem>>
      %dma_start3A_368 = arith.constant 0 : i32
      %dma_start3A_369 = arith.constant 0 : i32
      %dma_start3A_370 = arith.constant 0 : i32
      %dma_start3A_371 = tpu.memref_slice %arg7[%add3A_353, %dma_start3A_368, %add3A, %dma_start3A_369, %dma_start3A_370] : memref<50x8x32x8x128xf32, #tpu.memory_space<hbm>> -> memref<1x8x1x8x128xf32, #tpu.memory_space<hbm>>
      %dma_start3A_372 = tpu.memref_squeeze %dma_start3A_371 : memref<1x8x1x8x128xf32, #tpu.memory_space<hbm>> -> memref<8x8x128xf32, #tpu.memory_space<hbm>>
      %dma_start3A_373 = arith.constant 0 : i32
      %dma_start3A_374 = arith.constant 0 : i32
      %dma_start3A_375 = arith.constant 0 : i32
      %dma_start3A_376 = tpu.memref_slice %arg7[%add3A_353, %dma_start3A_373, %add3A, %dma_start3A_374, %dma_start3A_375] : memref<50x8x32x8x128xf32, #tpu.memory_space<hbm>> -> memref<1x8x1x8x128xf32, #tpu.memory_space<hbm>>
      %dma_start3A_377 = tpu.memref_squeeze %dma_start3A_376 : memref<1x8x1x8x128xf32, #tpu.memory_space<hbm>> -> memref<8x8x128xf32, #tpu.memory_space<hbm>>
      %dma_start3A_378 = arith.constant 0 : i32
      %dma_start3A_379 = arith.constant 0 : i32
      %dma_start3A_380 = arith.constant 0 : i32
      %dma_start3A_381 = tpu.memref_slice %arg12[%dma_start3A_378, %dma_start3A_379, %dma_start3A_380] : memref<8x8x129xf32, #tpu.memory_space<vmem>> -> memref<8x8x128xf32, #tpu.memory_space<vmem>>
      tpu.enqueue_dma source(%dma_start3A_381 : memref<8x8x128xf32, #tpu.memory_space<vmem>>) target(%dma_start3A_377 : memref<8x8x128xf32, #tpu.memory_space<hbm>>) target_semaphore(%arg16 : memref<!tpu.dma_semaphore, #tpu.memory_space<semaphore_mem>>)
      %add3A_382 = arith.constant 2 : i32
      %add3A_383 = arith.addi %add3A_353, %add3A_382 : i32
      %lt3A_384 = arith.constant 50 : i32
      %lt3A_385 = arith.cmpi slt, %add3A_383, %lt3A_384 : i32
      %convert_element_type3A_386 = arith.extui %lt3A_385 : i1 to i32
      %cond3A_387 = arith.constant 0 : i32
      %cond3A_388 = arith.cmpi ne, %convert_element_type3A_386, %cond3A_387 : i32
      scf.if %cond3A_388 {
        %add3A_432 = arith.constant 2 : i32
        %add3A_433 = arith.addi %add3A_353, %add3A_432 : i32
        %dma_start3A_434 = arith.constant 0 : i32
        %dma_start3A_435 = tpu.memref_slice %arg9[%add3A_433, %dma_start3A_434] : memref<50x128xi32, #tpu.memory_space<vmem>> -> memref<1x128xi32, #tpu.memory_space<vmem>>
        %dma_start3A_436 = tpu.memref_squeeze %dma_start3A_435 : memref<1x128xi32, #tpu.memory_space<vmem>> -> memref<128xi32, #tpu.memory_space<vmem>>
        %dma_start3A_437 = arith.constant 0 : i32
        %dma_start3A_438 = arith.constant 0 : i32
        %dma_start3A_439 = tpu.memref_slice %arg5[%dma_start3A_437, %dma_start3A_438] : memref<100000x64xf32, #tpu.memory_space<hbm>> -> memref<100000x64xf32, #tpu.memory_space<hbm>>
        tpu.enqueue_indirect_dma source(%dma_start3A_439 : memref<100000x64xf32, #tpu.memory_space<hbm>>) target(%arg10 : memref<128x64xf32, #tpu.memory_space<vmem>>) offsets(%dma_start3A_436 : memref<128xi32, #tpu.memory_space<vmem>>) semaphore(%arg14 : memref<!tpu.dma_semaphore, #tpu.memory_space<semaphore_mem>>)
      } else {
      }
      %mul3A_389 = arith.constant 2 : i32
      %mul3A_390 = arith.muli %mul3A_389, %scan3A_349 : i32
      %add3A_391 = arith.constant 1 : i32
      %add3A_392 = arith.addi %mul3A_390, %add3A_391 : i32
      %dma_wait3A_393 = arith.constant 0 : i32
      %dma_wait3A_394 = arith.constant 0 : i32
      %dma_wait3A_395 = tpu.memref_slice %arg5[%dma_wait3A_393, %dma_wait3A_394] : memref<100000x64xf32, #tpu.memory_space<hbm>> -> memref<128x64xf32, #tpu.memory_space<hbm>>
      %dma_wait3A_396 = arith.constant 0 : i32
      %dma_wait3A_397 = arith.constant 0 : i32
      %dma_wait3A_398 = tpu.memref_slice %arg5[%dma_wait3A_396, %dma_wait3A_397] : memref<100000x64xf32, #tpu.memory_space<hbm>> -> memref<128x64xf32, #tpu.memory_space<hbm>>
      tpu.wait_dma2 semaphore(%arg15 : memref<!tpu.dma_semaphore, #tpu.memory_space<semaphore_mem>>) src(%dma_wait3A_398 : memref<128x64xf32, #tpu.memory_space<hbm>>) dst(%arg11 : memref<128x64xf32, #tpu.memory_space<vmem>>)
      %gt3A_399 = arith.constant 0 : i32
      %gt3A_400 = arith.cmpi sgt, %scan3A_349, %gt3A_399 : i32
      %convert_element_type3A_401 = arith.extui %gt3A_400 : i1 to i32
      %cond3A_402 = arith.constant 0 : i32
      %cond3A_403 = arith.cmpi ne, %convert_element_type3A_401, %cond3A_402 : i32
      scf.if %cond3A_403 {
        %dma_wait3A_432 = arith.constant 0 : i32
        %dma_wait3A_433 = arith.constant 0 : i32
        %dma_wait3A_434 = arith.constant 0 : i32
        %dma_wait3A_435 = arith.constant 0 : i32
        %dma_wait3A_436 = arith.constant 0 : i32
        %dma_wait3A_437 = tpu.memref_slice %arg13[%dma_wait3A_434, %dma_wait3A_435, %dma_wait3A_436] : memref<8x8x129xf32, #tpu.memory_space<vmem>> -> memref<8x8x128xf32, #tpu.memory_space<vmem>>
        %dma_wait3A_438 = arith.constant 0 : i32
        %dma_wait3A_439 = arith.constant 0 : i32
        %dma_wait3A_440 = arith.constant 0 : i32
        %dma_wait3A_441 = tpu.memref_slice %arg7[%dma_wait3A_432, %dma_wait3A_438, %dma_wait3A_433, %dma_wait3A_439, %dma_wait3A_440] : memref<50x8x32x8x128xf32, #tpu.memory_space<hbm>> -> memref<1x8x1x8x128xf32, #tpu.memory_space<hbm>>
        %dma_wait3A_442 = tpu.memref_squeeze %dma_wait3A_441 : memref<1x8x1x8x128xf32, #tpu.memory_space<hbm>> -> memref<8x8x128xf32, #tpu.memory_space<hbm>>
        %dma_wait3A_443 = arith.constant 0 : i32
        %dma_wait3A_444 = arith.constant 0 : i32
        %dma_wait3A_445 = arith.constant 0 : i32
        %dma_wait3A_446 = tpu.memref_slice %arg7[%dma_wait3A_432, %dma_wait3A_443, %dma_wait3A_433, %dma_wait3A_444, %dma_wait3A_445] : memref<50x8x32x8x128xf32, #tpu.memory_space<hbm>> -> memref<1x8x1x8x128xf32, #tpu.memory_space<hbm>>
        %dma_wait3A_447 = tpu.memref_squeeze %dma_wait3A_446 : memref<1x8x1x8x128xf32, #tpu.memory_space<hbm>> -> memref<8x8x128xf32, #tpu.memory_space<hbm>>
        %dma_wait3A_448 = arith.constant 0 : i32
        %dma_wait3A_449 = arith.constant 0 : i32
        %dma_wait3A_450 = arith.constant 0 : i32
        %dma_wait3A_451 = tpu.memref_slice %arg13[%dma_wait3A_448, %dma_wait3A_449, %dma_wait3A_450] : memref<8x8x129xf32, #tpu.memory_space<vmem>> -> memref<8x8x128xf32, #tpu.memory_space<vmem>>
        tpu.wait_dma2 semaphore(%arg17 : memref<!tpu.dma_semaphore, #tpu.memory_space<semaphore_mem>>) src(%dma_wait3A_451 : memref<8x8x128xf32, #tpu.memory_space<vmem>>) dst(%dma_wait3A_447 : memref<8x8x128xf32, #tpu.memory_space<hbm>>)
      } else {
      }
      %parallel_loop3A_404 = arith.constant 0 : i32
      %parallel_loop3A_405 = arith.constant 128 : i32
      %parallel_loop3A_406 = arith.constant 1 : i32
      scf.for %parallel_loop3A_432 = %parallel_loop3A_404 to %parallel_loop3A_405 step %parallel_loop3A_406  : i32 {
        %parallel_loop3A_433 = vector.broadcast %parallel_loop3A_432 : i32 to vector<16xi32>
        %parallel_loop3A_434 = arith.addi %broadcast_in_dim3A_5, %parallel_loop3A_433 : vector<16xi32>
        %parallel_loop3A_435 = arith.index_cast %parallel_loop3A_432 : i32 to index
        %parallel_loop3A_436 = arith.constant 0 : index
        %parallel_loop3A_437 = tpu.vector_load %arg11[%parallel_loop3A_435, %parallel_loop3A_436] {strides = array<i32>} : memref<128x64xf32, #tpu.memory_space<vmem>>, vector<16xf32>,
        tpu.vector_store_idx %arg13[%select_n3A, %select_n3A_156, %parallel_loop3A_434], %parallel_loop3A_437 : memref<8x8x129xf32, #tpu.memory_space<vmem>>[vector<16xi32>, vector<16xi32>, vector<16xi32>], vector<16xf32>,
        %parallel_loop3A_438 = arith.index_cast %parallel_loop3A_432 : i32 to index
        %parallel_loop3A_439 = arith.constant 16 : index
        %parallel_loop3A_440 = tpu.vector_load %arg11[%parallel_loop3A_438, %parallel_loop3A_439] {strides = array<i32>} : memref<128x64xf32, #tpu.memory_space<vmem>>, vector<16xf32>,
        tpu.vector_store_idx %arg13[%select_n3A_65, %select_n3A_181, %parallel_loop3A_434], %parallel_loop3A_440 : memref<8x8x129xf32, #tpu.memory_space<vmem>>[vector<16xi32>, vector<16xi32>, vector<16xi32>], vector<16xf32>,
        %parallel_loop3A_441 = arith.index_cast %parallel_loop3A_432 : i32 to index
        %parallel_loop3A_442 = arith.constant 32 : index
        %parallel_loop3A_443 = tpu.vector_load %arg11[%parallel_loop3A_441, %parallel_loop3A_442] {strides = array<i32>} : memref<128x64xf32, #tpu.memory_space<vmem>>, vector<16xf32>,
        tpu.vector_store_idx %arg13[%select_n3A_99, %select_n3A_206, %parallel_loop3A_434], %parallel_loop3A_443 : memref<8x8x129xf32, #tpu.memory_space<vmem>>[vector<16xi32>, vector<16xi32>, vector<16xi32>], vector<16xf32>,
        %parallel_loop3A_444 = arith.index_cast %parallel_loop3A_432 : i32 to index
        %parallel_loop3A_445 = arith.constant 48 : index
        %parallel_loop3A_446 = tpu.vector_load %arg11[%parallel_loop3A_444, %parallel_loop3A_445] {strides = array<i32>} : memref<128x64xf32, #tpu.memory_space<vmem>>, vector<16xf32>,
        tpu.vector_store_idx %arg13[%select_n3A_133, %select_n3A_231, %parallel_loop3A_434], %parallel_loop3A_446 : memref<8x8x129xf32, #tpu.memory_space<vmem>>[vector<16xi32>, vector<16xi32>, vector<16xi32>], vector<16xf32>,
      } {sc.loop_unroll_factor = 16 : i64, sc.parallel_access}
      %dma_start3A_407 = arith.constant 0 : i32
      %dma_start3A_408 = arith.constant 0 : i32
      %dma_start3A_409 = arith.constant 0 : i32
      %dma_start3A_410 = tpu.memref_slice %arg13[%dma_start3A_407, %dma_start3A_408, %dma_start3A_409] : memref<8x8x129xf32, #tpu.memory_space<vmem>> -> memref<8x8x128xf32, #tpu.memory_space<vmem>>
      %dma_start3A_411 = arith.constant 0 : i32
      %dma_start3A_412 = arith.constant 0 : i32
      %dma_start3A_413 = arith.constant 0 : i32
      %dma_start3A_414 = tpu.memref_slice %arg7[%add3A_392, %dma_start3A_411, %add3A, %dma_start3A_412, %dma_start3A_413] : memref<50x8x32x8x128xf32, #tpu.memory_space<hbm>> -> memref<1x8x1x8x128xf32, #tpu.memory_space<hbm>>
      %dma_start3A_415 = tpu.memref_squeeze %dma_start3A_414 : memref<1x8x1x8x128xf32, #tpu.memory_space<hbm>> -> memref<8x8x128xf32, #tpu.memory_space<hbm>>
      %dma_start3A_416 = arith.constant 0 : i32
      %dma_start3A_417 = arith.constant 0 : i32
      %dma_start3A_418 = arith.constant 0 : i32
      %dma_start3A_419 = tpu.memref_slice %arg7[%add3A_392, %dma_start3A_416, %add3A, %dma_start3A_417, %dma_start3A_418] : memref<50x8x32x8x128xf32, #tpu.memory_space<hbm>> -> memref<1x8x1x8x128xf32, #tpu.memory_space<hbm>>
      %dma_start3A_420 = tpu.memref_squeeze %dma_start3A_419 : memref<1x8x1x8x128xf32, #tpu.memory_space<hbm>> -> memref<8x8x128xf32, #tpu.memory_space<hbm>>
      %dma_start3A_421 = arith.constant 0 : i32
      %dma_start3A_422 = arith.constant 0 : i32
      %dma_start3A_423 = arith.constant 0 : i32
      %dma_start3A_424 = tpu.memref_slice %arg13[%dma_start3A_421, %dma_start3A_422, %dma_start3A_423] : memref<8x8x129xf32, #tpu.memory_space<vmem>> -> memref<8x8x128xf32, #tpu.memory_space<vmem>>
      tpu.enqueue_dma source(%dma_start3A_424 : memref<8x8x128xf32, #tpu.memory_space<vmem>>) target(%dma_start3A_420 : memref<8x8x128xf32, #tpu.memory_space<hbm>>) target_semaphore(%arg17 : memref<!tpu.dma_semaphore, #tpu.memory_space<semaphore_mem>>)
      %add3A_425 = arith.constant 2 : i32
      %add3A_426 = arith.addi %add3A_392, %add3A_425 : i32
      %lt3A_427 = arith.constant 50 : i32
      %lt3A_428 = arith.cmpi slt, %add3A_426, %lt3A_427 : i32
      %convert_element_type3A_429 = arith.extui %lt3A_428 : i1 to i32
      %cond3A_430 = arith.constant 0 : i32
      %cond3A_431 = arith.cmpi ne, %convert_element_type3A_429, %cond3A_430 : i32
      scf.if %cond3A_431 {
        %add3A_432 = arith.constant 2 : i32
        %add3A_433 = arith.addi %add3A_392, %add3A_432 : i32
        %dma_start3A_434 = arith.constant 0 : i32
        %dma_start3A_435 = tpu.memref_slice %arg9[%add3A_433, %dma_start3A_434] : memref<50x128xi32, #tpu.memory_space<vmem>> -> memref<1x128xi32, #tpu.memory_space<vmem>>
        %dma_start3A_436 = tpu.memref_squeeze %dma_start3A_435 : memref<1x128xi32, #tpu.memory_space<vmem>> -> memref<128xi32, #tpu.memory_space<vmem>>
        %dma_start3A_437 = arith.constant 0 : i32
        %dma_start3A_438 = arith.constant 0 : i32
        %dma_start3A_439 = tpu.memref_slice %arg5[%dma_start3A_437, %dma_start3A_438] : memref<100000x64xf32, #tpu.memory_space<hbm>> -> memref<100000x64xf32, #tpu.memory_space<hbm>>
        tpu.enqueue_indirect_dma source(%dma_start3A_439 : memref<100000x64xf32, #tpu.memory_space<hbm>>) target(%arg11 : memref<128x64xf32, #tpu.memory_space<vmem>>) offsets(%dma_start3A_436 : memref<128xi32, #tpu.memory_space<vmem>>) semaphore(%arg15 : memref<!tpu.dma_semaphore, #tpu.memory_space<semaphore_mem>>)
      } else {
      }
    }
    %scan3A_308 = arith.constant 25 : i32
    %dma_wait3A_309 = arith.constant 0 : i32
    %dma_wait3A_310 = arith.constant 0 : i32
    %dma_wait3A_311 = arith.constant 0 : i32
    %dma_wait3A_312 = arith.constant 0 : i32
    %dma_wait3A_313 = arith.constant 0 : i32
    %dma_wait3A_314 = tpu.memref_slice %arg12[%dma_wait3A_311, %dma_wait3A_312, %dma_wait3A_313] : memref<8x8x129xf32, #tpu.memory_space<vmem>> -> memref<8x8x128xf32, #tpu.memory_space<vmem>>
    %dma_wait3A_315 = arith.constant 0 : i32
    %dma_wait3A_316 = arith.constant 0 : i32
    %dma_wait3A_317 = arith.constant 0 : i32
    %dma_wait3A_318 = tpu.memref_slice %arg7[%dma_wait3A_309, %dma_wait3A_315, %dma_wait3A_310, %dma_wait3A_316, %dma_wait3A_317] : memref<50x8x32x8x128xf32, #tpu.memory_space<hbm>> -> memref<1x8x1x8x128xf32, #tpu.memory_space<hbm>>
    %dma_wait3A_319 = tpu.memref_squeeze %dma_wait3A_318 : memref<1x8x1x8x128xf32, #tpu.memory_space<hbm>> -> memref<8x8x128xf32, #tpu.memory_space<hbm>>
    %dma_wait3A_320 = arith.constant 0 : i32
    %dma_wait3A_321 = arith.constant 0 : i32
    %dma_wait3A_322 = arith.constant 0 : i32
    %dma_wait3A_323 = tpu.memref_slice %arg7[%dma_wait3A_309, %dma_wait3A_320, %dma_wait3A_310, %dma_wait3A_321, %dma_wait3A_322] : memref<50x8x32x8x128xf32, #tpu.memory_space<hbm>> -> memref<1x8x1x8x128xf32, #tpu.memory_space<hbm>>
    %dma_wait3A_324 = tpu.memref_squeeze %dma_wait3A_323 : memref<1x8x1x8x128xf32, #tpu.memory_space<hbm>> -> memref<8x8x128xf32, #tpu.memory_space<hbm>>
    %dma_wait3A_325 = arith.constant 0 : i32
    %dma_wait3A_326 = arith.constant 0 : i32
    %dma_wait3A_327 = arith.constant 0 : i32
    %dma_wait3A_328 = tpu.memref_slice %arg12[%dma_wait3A_325, %dma_wait3A_326, %dma_wait3A_327] : memref<8x8x129xf32, #tpu.memory_space<vmem>> -> memref<8x8x128xf32, #tpu.memory_space<vmem>>
    tpu.wait_dma2 semaphore(%arg16 : memref<!tpu.dma_semaphore, #tpu.memory_space<semaphore_mem>>) src(%dma_wait3A_328 : memref<8x8x128xf32, #tpu.memory_space<vmem>>) dst(%dma_wait3A_324 : memref<8x8x128xf32, #tpu.memory_space<hbm>>)
    %dma_wait3A_329 = arith.constant 0 : i32
    %dma_wait3A_330 = arith.constant 0 : i32
    %dma_wait3A_331 = arith.constant 0 : i32
    %dma_wait3A_332 = arith.constant 0 : i32
    %dma_wait3A_333 = arith.constant 0 : i32
    %dma_wait3A_334 = tpu.memref_slice %arg13[%dma_wait3A_331, %dma_wait3A_332, %dma_wait3A_333] : memref<8x8x129xf32, #tpu.memory_space<vmem>> -> memref<8x8x128xf32, #tpu.memory_space<vmem>>
    %dma_wait3A_335 = arith.constant 0 : i32
    %dma_wait3A_336 = arith.constant 0 : i32
    %dma_wait3A_337 = arith.constant 0 : i32
    %dma_wait3A_338 = tpu.memref_slice %arg7[%dma_wait3A_329, %dma_wait3A_335, %dma_wait3A_330, %dma_wait3A_336, %dma_wait3A_337] : memref<50x8x32x8x128xf32, #tpu.memory_space<hbm>> -> memref<1x8x1x8x128xf32, #tpu.memory_space<hbm>>
    %dma_wait3A_339 = tpu.memref_squeeze %dma_wait3A_338 : memref<1x8x1x8x128xf32, #tpu.memory_space<hbm>> -> memref<8x8x128xf32, #tpu.memory_space<hbm>>
    %dma_wait3A_340 = arith.constant 0 : i32
    %dma_wait3A_341 = arith.constant 0 : i32
    %dma_wait3A_342 = arith.constant 0 : i32
    %dma_wait3A_343 = tpu.memref_slice %arg7[%dma_wait3A_329, %dma_wait3A_340, %dma_wait3A_330, %dma_wait3A_341, %dma_wait3A_342] : memref<50x8x32x8x128xf32, #tpu.memory_space<hbm>> -> memref<1x8x1x8x128xf32, #tpu.memory_space<hbm>>
    %dma_wait3A_344 = tpu.memref_squeeze %dma_wait3A_343 : memref<1x8x1x8x128xf32, #tpu.memory_space<hbm>> -> memref<8x8x128xf32, #tpu.memory_space<hbm>>
    %dma_wait3A_345 = arith.constant 0 : i32
    %dma_wait3A_346 = arith.constant 0 : i32
    %dma_wait3A_347 = arith.constant 0 : i32
    %dma_wait3A_348 = tpu.memref_slice %arg13[%dma_wait3A_345, %dma_wait3A_346, %dma_wait3A_347] : memref<8x8x129xf32, #tpu.memory_space<vmem>> -> memref<8x8x128xf32, #tpu.memory_space<vmem>>
    tpu.wait_dma2 semaphore(%arg17 : memref<!tpu.dma_semaphore, #tpu.memory_space<semaphore_mem>>) src(%dma_wait3A_348 : memref<8x8x128xf32, #tpu.memory_space<vmem>>) dst(%dma_wait3A_344 : memref<8x8x128xf32, #tpu.memory_space<hbm>>)
    return
  }
}

</mosaic_0001>

<sc_bundles>
// kernel: kernel.3.cloned.1.call-start
scs
__scs_entry_jumppad:
0x0: {  	(pc) =	sbr.rel $0x88, $3  }
0x1: {  	(tag) =	ssettag $0x0;
	lr =	simm.s32 $0x1  }
0x2: {  	[smem:$0x3F9D] =	sst lr;
	_ =	strace $0xD0000000  }
0x3: {  	_ = 	snop  }
0x4: {  	_ = 	snop  }
0x5: {  	_ = 	snop  }
0x6: {  	_ = 	snop  }
0x7: {  	_ = 	snop  }
__scs_overlays_trampoline_lowered:
0x8: {  	[smem:$0x3FAC] =	sst s0  }
0x9: {  	[smem:$0x3FAD] =	sst s1  }
0xa: {  	[smem:$0x3FAE] =	sst s2  }
0xb: {  	[smem:$0x3FAF] =	sst s3  }
0xc: {  	[smem:$0x3FB0] =	sst s4  }
0xd: {  	[smem:$0x3FB1] =	sst s5  }
0xe: {  	[smem:$0x3FB2] =	sst s6  }
0xf: {  	[smem:$0x3FB3] =	sst s7  }
0x10: {  	[smem:$0x3FB4] =	sst s8  }
0x11: {  	[smem:$0x3FB5] =	sst s9;
	s0 =	simm.s32 @!p0 $0x0  }
0x12: {  	s1 =	sld [smem:$0x3F9B];
	s0 =	simm.s32 @p0 $0x1  }
0x13: {  	[smem:$0x3FB6] =	sst s0;
	s0 =	simm.s32 @!p1 $0x0  }
0x14: {  	s2 =	sld [smem:$0x3F9A];
	s0 =	simm.s32 @p1 $0x1  }
0x15: {  	[smem:$0x3FB7] =	sst s0;
	s0 =	simm.s32 @!p2 $0x0  }
0x16: {  	s3 =	sld [smem:$0x3FDB];
	s0 =	simm.s32 @p2 $0x1  }
0x17: {  	s4 =	simm.s32 $0x1BF5;
	[smem:$0x3FB9] =	sst s0  }
0x18: {  	s0 =	sld [smem:$0x3F9C];
	_ =	swait.ge [sflag:s4], $0x0  }
0x19: {  	s7 =	sld [smem:$0x3F9D]  }
0x1a: {  	s8 =	sadd.s32 $0xFFFFE003, lr  }
0x1b: {  	s9 =	sadd.s32 $0xFFFFFEF7, lr;
	s5 =	simm.s32 $0xFFFFFFFF;
	p2 =	slt.u32 s8, $0xFFFFF086  }
0x1c: {  	p1 =	slt.u32 s9, $0xF7A;
	s5 =	simm.s32 @!p2 $0x0  }
0x1d: {  	s5 =	simm.s32 @p1 $0x1;
	p0 =	seq.s32 s7, s2  }
0x1e: {  	s7 =	smul.u32 @!p0 $0xF7A, s2;
	p2 =	seq.s32 @!p0 s5, $0x0  }
0x1f: {  	s9 =	smul.u32 $0xF7A, s1;
	s8 =	simm.s32 @!p0 $0x1BF5;
	p2 =	por !p2, p0  }
0x20: {  	[sflag:s8] =	ssyncset.s32 @!p0 $0xFFFFF086;
	s6 =	sadd.s32 @!p0 s3, s7;
	s7 =	simm.s32 @!p0 $0x108  }
0x21: {  	s3 =	sadd.s32 s3, s9;
	s6 =	sadd.s32 @!p0 $0x88, s6;
	s7 =	simm.s32 @p2 $0x1082  }
0x22: {  	[simem:s7], [sflag:s8] =	dma.local @!p0 [hbm:s6], $0xF7A  }
0x23: {  	s9 =	sor.u32 $0xD0000000, s2;
	s6 =	simm.s32 $0x108;
	_ =	swait.ge @!p0 [sflag:s8], $0x0  }
0x24: {  	s3 =	sadd.s32 $0x88, s3;
	s6 =	simm.s32 @!p1 $0x1082;
	[sflag:s4] =	ssyncset.s32 $0xFFFFF086  }
0x25: {  	[simem:s6], [sflag:s4] =	dma.local [hbm:s3], $0xF7A  }
0x26: {  	[smem:$0x3F9D] =	sst s1;
	(tag) =	ssettag s2;
	_ =	strace s9  }
0x27: {  	s1 =	sld [smem:$0x3FAD]  }
0x28: {  	s2 =	sld [smem:$0x3FAE]  }
0x29: {  	s4 =	sld [smem:$0x3FB0]  }
0x2a: {  	p0 =	seq.s32 s5, $0x0;
	s5 =	sld [smem:$0x3FB1]  }
0x2b: {  	s6 =	sld [smem:$0x3FB2]  }
0x2c: {  	s7 =	sld [smem:$0x3FB3]  }
0x2d: {  	s3 =	simm.s32 $0x108;
	s8 =	sld [smem:$0x3FB4]  }
0x2e: {  	s3 =	simm.s32 @!p0 $0x1082;
	s9 =	sld [smem:$0x3FB5]  }
0x2f: {  	lr =	sadd.s32 s0, s3;
	s0 =	sld [smem:$0x3FAC]  }
0x30: {  	s3 =	sld [smem:$0x3FAF]  }
0x31: {  	[smem:$0x3FB8] =	sst s10  }
0x32: {  	s10 =	sld [smem:$0x3FB6];
	_ =	sdelay $0x3  }
0x33: {  	p0 =	seq.s32 s10, $0x1;
	s10 =	sld [smem:$0x3FB8];
	_ =	sdelay $0x3  }
0x34: {  	[smem:$0x3FB8] =	sst s10  }
0x35: {  	s10 =	sld [smem:$0x3FB7];
	_ =	sdelay $0x3  }
0x36: {  	p1 =	seq.s32 s10, $0x1;
	s10 =	sld [smem:$0x3FB8];
	_ =	sdelay $0x3  }
0x37: {  	[smem:$0x3FB8] =	sst s10  }
0x38: {  	s10 =	sld [smem:$0x3FB9]  }
0x39: {  	_ = 	snop;
	(pc) =	sbr.ind lr, $3  }
0x3a: {  	_ = 	snop  }
0x3b: {  	_ = 	snop  }
0x3c: {  	p2 =	seq.s32 s10, $0x1;
	s10 =	sld [smem:$0x3FB8]  }
0x3d: {  	_ =	shalt  }
0x3e: {  	_ =	shalt  }
0x3f: {  	_ =	shalt  }
0x40: {  	_ =	shalt  }
0x41: {  	_ =	shalt  }
0x42: {  	_ =	shalt  }
0x43: {  	_ =	shalt  }
0x44: {  	_ =	shalt  }
0x45: {  	_ =	shalt  }
0x46: {  	_ =	shalt  }
0x47: {  	_ =	shalt  }
0x48: {  	_ =	shalt  }
0x49: {  	_ =	shalt  }
0x4a: {  	_ =	shalt  }
0x4b: {  	_ =	shalt  }
0x4c: {  	_ =	shalt  }
0x4d: {  	_ =	shalt  }
0x4e: {  	_ =	shalt  }
0x4f: {  	_ =	shalt  }
0x50: {  	_ =	shalt  }
0x51: {  	_ =	shalt  }
0x52: {  	_ =	shalt  }
0x53: {  	_ =	shalt  }
0x54: {  	_ =	shalt  }
0x55: {  	_ =	shalt  }
0x56: {  	_ =	shalt  }
0x57: {  	_ =	shalt  }
0x58: {  	_ =	shalt  }
0x59: {  	_ =	shalt  }
0x5a: {  	_ =	shalt  }
0x5b: {  	_ =	shalt  }
0x5c: {  	_ =	shalt  }
0x5d: {  	_ =	shalt  }
0x5e: {  	_ =	shalt  }
0x5f: {  	_ =	shalt  }
0x60: {  	_ =	shalt  }
0x61: {  	_ =	shalt  }
0x62: {  	_ =	shalt  }
0x63: {  	_ =	shalt  }
0x64: {  	_ =	shalt  }
0x65: {  	_ =	shalt  }
0x66: {  	_ =	shalt  }
0x67: {  	_ =	shalt  }
0x68: {  	_ =	shalt  }
0x69: {  	_ =	shalt  }
0x6a: {  	_ =	shalt  }
0x6b: {  	_ =	shalt  }
0x6c: {  	_ =	shalt  }
0x6d: {  	_ =	shalt  }
0x6e: {  	_ =	shalt  }
0x6f: {  	_ =	shalt  }
0x70: {  	_ =	shalt  }
0x71: {  	_ =	shalt  }
0x72: {  	_ =	shalt  }
0x73: {  	_ =	shalt  }
0x74: {  	_ =	shalt  }
0x75: {  	_ =	shalt  }
0x76: {  	_ =	shalt  }
0x77: {  	_ =	shalt  }
0x78: {  	_ =	shalt  }
0x79: {  	_ =	shalt  }
0x7a: {  	_ =	shalt  }
0x7b: {  	_ =	shalt  }
0x7c: {  	_ =	shalt  }
0x7d: {  	_ =	shalt  }
0x7e: {  	_ =	shalt  }
0x7f: {  	_ =	shalt  }
0x80: {  	_ =	shalt  }
0x81: {  	_ =	shalt  }
0x82: {  	_ =	shalt  }
0x83: {  	_ =	shalt  }
0x84: {  	_ =	shalt  }
0x85: {  	_ =	shalt  }
0x86: {  	_ =	shalt  }
0x87: {  	_ =	shalt  }
.Lfunc_end0:
.L_simem_size_0:
called_computation_lowered:
.L_overlay_start_0:
0x88: {  	s2 =	sld [smem:$0x3FD9]  }
0x89: {  	s3 =	sld [smem:$0x3FFE];
	_ =	sdelay $0x1  }
0x8a: {  	s1 =	srdreg.scid  }
0x8b: {  	s0 =	sand.u32 $0x1, s1  }
0x8c: {  	s14 =	sshll.u32 s0, $0xA;
	s2 =	sadd.s32 s3, s2  }
0x8d: {  	s2 =	sadd.s32 s2, s14  }
0x8e: {  	[smem:$0x3FC4] =	sst s2  }
0x8f: {  	_ = 	snop  }
0x90: {  	s2 =	sld [smem:$0x3FD0];
	_ =	sdelay $0x2  }
0x91: {  	s15 =	simm.s32 $0xA;
	s4 =	simm.s32 $0x10  }
0x92: {  	[smem:s4], [sflag:s15] =	dma.local [hbm:s2], $0x1  }
0x93: {  	_ =	swait.eq [sflag:s15], $0x1  }
0x94: {  	[sflag:s15] =	ssyncset.done $0x0  }
0x95: {  	s16 =	sld [smem:$0x10];
	[sflag:s15] =	ssyncadd.s32 $0xFFFFFFFF  }
0x96: {  	s17 =	sld [smem:$0x11];
	(tm) =	ssettm $0x1  }
0x97: {  	s18 =	sld [smem:$0x3FFB];
	_ =	sdelay $0x3  }
0x98: {  	_ =	strace s18  }
0x99: {  	s4 =	sld [smem:$0x3FFC];
	_ =	sdelay $0x3  }
0x9a: {  	_ =	strace s4  }
0x9b: {  	s4 =	sld [smem:$0x3FFD];
	_ =	sdelay $0x3  }
0x9c: {  	_ =	strace s4  }
0x9d: {  	_ =	strace $0x8FFFFFFF  }
0x9e: {  	s19 =	sld [smem:$0x3FDB];
	_ =	sdelay $0x1  }
0x9f: {  	s5 =	simm.s32 $_scs_section_size  }
0xa0: {  	s6 =	simm.s32 $_size__tile_overlayer_lowered;
	s7 =	simm.s32 $_tile_overlayer_lowered  }
0xa1: {  	s22 =	simm.s32 $0x1BFF;
	s21 =	sshll.u32 s7, $0x1;
	s4 =	sadd.s32 s5, s19  }
0xa2: {  	s8 =	simm.s32 $0x0;
	s20 =	sshll.u32 s6, $0x1;
	s6 =	sadd.s32 s21, s4  }
0xa3: {  	[timem:s8], [sflag:s22] =	dma.local [hbm:s6], s20  }
0xa4: {  	_ =	swait.ge [sflag:s22], s20  }
0xa5: {  	s5 =	ssub.s32 $0x0, s20;
	[sflag:s22] =	ssyncset.done $0x0  }
0xa6: {  	[sflag:s22] =	ssyncadd.s32 s5;
	_ =	sdelay $0x1  }
0xa7: {  	s23 =	simm.s32 $0x1B8B  }
0xa8: {  	_ =	swait.ge [sflag:s23], $0x1  }
0xa9: {  	[sflag:s23] =	ssyncset.done $0x0  }
0xaa: {  	s25 =	simm.s32 $0x1B8E;
	s24 =	sld [smem:$0x3FFE];
	[sflag:s23] =	ssyncadd.s32 $0xFFFFFFFF  }
0xab: {  	s26 =	simm.s32 $execute0_lowered;
	[smem:$0x3FD2] =	sst s25  }
0xac: {  	s6 =	sshll.u32 s26, $0x1;
	_ =	strace $0x80000046;
	[dreg:$0x1] =	wrdreg $0xFFFFFFFF  }
0xad: {  	s28 =	simm.s32 $_size_execute0_lowered;
	s4 =	sadd.s32 s4, s6;
	[dreg:$0x0] =	wrdreg $0x0  }
0xae: {  	s6 =	sshll.u32 s28, $0x1;
	[dreg:$0x2] =	wrdreg s4  }
0xaf: {  	[dreg:$0x3] =	wrdreg s6  }
0xb0: {  	[dreg:$0x4] =	wrdreg $0xC0  }
0xb1: {  	_ =	task [dreg:s8], $0x5FFFF  }
0xb2: {  	[dreg:$0x1] =	wrdreg $0xFFFFFFFF  }
0xb3: {  	[dreg:$0x0] =	wrdreg $0x60  }
0xb4: {  	[dreg:$0x2] =	wrdreg s24  }
0xb5: {  	[dreg:$0x3] =	wrdreg s16  }
0xb6: {  	[dreg:$0x4] =	wrdreg s17  }
0xb7: {  	[dreg:$0x5] =	wrdreg $0x9  }
0xb8: {  	_ =	task.clear_ibuf [dreg:s8], $0x6FFFF;
	_ =	strace $0x90000046  }
0xb9: {  	s29 =	simm.s32 $0x9;
	_ =	strace $0x80000048  }
0xba: {  	_ =	swait.ge [sflag:s29], $0x1  }
0xbb: {  	[sflag:s29] =	ssyncadd.s32 $0xFFFFFFFF  }
0xbc: {  	_ =	strace $0x90000048  }
0xbd: {  	_ =	sfence  }
0xbe: {  	s30 =	sld [smem:$0x0];
	_ =	sdelay $0x2  }
0xbf: {  	s31 =	sshll.u32 s1, $0xD;
	s1 =	sshrl.u32 s1, $0x2  }
0xc0: {  	s3 =	sand.u32 $0x4000, s31;
	s1 =	sadd.s32 s1, s30  }
0xc1: {  	s0 =	sor.u32 s3, s0;
	s1 =	sshll.u32 s1, $0x11  }
0xc2: {  	s0 =	sor.u32 s1, s0  }
0xc3: {  	s0 =	sadd.s32 $0x8F2B, s0  }
0xc4: {  	[sflag:s0] =	ssyncadd.remote.s32 $0x1  }
0xc5: {  	_ =	sfence.sel $0xFFFF  }
0xc6: {  	[dreg:$0x0] =	wrdreg $0xFFFFFFFF;
	(pc) =	sbr.abs _section_cstart, $3  }
0xc7: {  	[dreg:$0x1] =	wrdreg $0xFFFFFFFF  }
0xc8: {  	_ =	task.clear_ibuf [dreg:s8], $0x2FFFF;
	_ =	strace $0x9FFFFFFF  }
0xc9: {  	(tm) =	ssettm $0x7FFFFFFF  }
tec
execute0_lowered:
.L_overlay_start_1:
0x0: {  	(tag) =	ssettag $0x1  }
0x1: {  	v0 =	vlaneseq.u32  }
0x2: {  	v62 =	vmul.u32 $0x88, v0  }
0x3: {  	s0 =	rddreg [dreg:$0x0];
	s4 =	stileid.u32  }
0x4: {  	s1 =	rddreg [dreg:$0x1];
	s5 =	sshll.u32 s4, $0x1;
	s4 =	simm.s32 $0x0;
	v0 =	vadd.s32 $0x1980, v62  }
0x5: {  	[smem:$0x7FF] =	sst s4;
	[tilespmem:$0x1FE20] =	vst v0;
	v0 =	vadd.s32 $0x1981, v62  }
0x6: {  	s3 =	rddreg [dreg:$0x2];
	v14 =	vadd.s32 $0x1100, v62;
	_ =	strace $0x80000047;
	[tilespmem:$0x1FE30] =	vst v0  }
0x7: {  	v17 =	vadd.s32 $0x881, v62;
	[tilespmem:$0x1FE40] =	vst v14  }
0x8: {  	v18 =	vadd.s32 $0x1101, v62;
	[tilespmem:$0x1FE50] =	vst v17  }
0x9: {  	v21 =	vadd.s32 $0x882, v62;
	[tilespmem:$0x1FE60] =	vst v18  }
0xa: {  	v22 =	vadd.s32 $0x1102, v62;
	[tilespmem:$0x1FE70] =	vst v21  }
0xb: {  	v23 =	vadd.s32 $0x1982, v62;
	[tilespmem:$0x1FE80] =	vst v22  }
0xc: {  	v25 =	vadd.s32 $0x883, v62;
	[tilespmem:$0x1FE90] =	vst v23  }
0xd: {  	v26 =	vadd.s32 $0x1103, v62;
	[tilespmem:$0x1FEA0] =	vst v25  }
0xe: {  	v27 =	vadd.s32 $0x1983, v62;
	[tilespmem:$0x1FEB0] =	vst v26  }
0xf: {  	v29 =	vadd.s32 $0x884, v62;
	[tilespmem:$0x1FEC0] =	vst v27  }
0x10: {  	v30 =	vadd.s32 $0x1104, v62;
	[tilespmem:$0x1FED0] =	vst v29  }
0x11: {  	v31 =	vadd.s32 $0x1984, v62;
	[tilespmem:$0x1FEE0] =	vst v30  }
0x12: {  	v12 =	vor.u32 $0x5, v62;
	[tilespmem:$0x1FEF0] =	vst v31  }
0x13: {  	v19 =	vadd.s32 $0x885, v62;
	[tilespmem:$0x1FF00] =	vst v12  }
0x14: {  	v57 =	vadd.s32 $0x1105, v62;
	[tilespmem:$0x1FF10] =	vst v19  }
0x15: {  	v55 =	vor.u32 $0x6, v62;
	[tilespmem:$0x1FF20] =	vst v57  }
0x16: {  	v53 =	vadd.s32 $0x886, v62;
	[tilespmem:$0x1FF40] =	vst v55  }
0x17: {  	v54 =	vadd.s32 $0x1106, v62;
	[tilespmem:$0x1FF50] =	vst v53  }
0x18: {  	v24 =	vadd.s32 $0x1986, v62;
	[tilespmem:$0x1FF60] =	vst v54  }
0x19: {  	s2 =	srdreg.scid;
	s13 =	simm.s32 $0x80;
	v56 =	vadd.s32 $0x887, v62;
	[tilespmem:$0x1FF70] =	vst v24  }
0x1a: {  	s15 =	simm.s32 $0x5;
	s17 =	simm.s32 $0x3200;
	s18 =	simm.s32 $0x5200;
	v58 =	vadd.s32 $0x1107, v62;
	[tilespmem:$0x1FF80] =	vst v56  }
0x1b: {  	s19 =	simm.s32 $0x1;
	s20 =	simm.s32 $0x7200;
	s21 =	simm.s32 $0x2;
	v61 =	vadd.s32 $0x1987, v62;
	[tilespmem:$0x1FF90] =	vst v58  }
0x1c: {  	s22 =	simm.s32 $0x4;
	s23 =	simm.s32 $0x9400;
	s24 =	simm.s32 $0x3;
	v20 =	vor.u32 $0x7, v62;
	[tilespmem:$0x1FFA0] =	vst v61  }
0x1d: {  	s26 =	simm.s32 $0x0;
	s2 =	sand.u32 $0x1, s2;
	s6 =	sadd.s32 $0xD2200, s0;
	v16 =	vor.u32 $0x1, v62;
	[tilespmem:$0x1FFB0] =	vst v20  }
.Ltmp0:
0x1e: {  	s10 =	sadd.s32 $0x8000, s1;
	s9 =	sor.u32 s2, s5;
	v13 =	vor.u32 $0x2, v62;
	[tilespmem:$0x1FFC0] =	vst v16;
	(pc) =	sbr.rel .LBB2_1-.Ltmp0, $4  }
0x1f: {  	s11 =	sadd.s32 $0x8000, s3;
	s2 =	ssub.s32 $0x2, s2;
	s5 =	sshll.u32 s9, $0x4;
	v15 =	vor.u32 $0x3, v62;
	[tilespmem:$0x1FFD0] =	vst v13  }
0x20: {  	s30 =	sshrl.u32 s2, $0x1;
	s9 =	sshll.u32 s9, $0x7;
	v28 =	vor.u32 $0x4, v62;
	s8 =	sadd.s32 s5, s0;
	[tilespmem:$0x1FFE0] =	vst v15  }
0x21: {  	v1 =	vimm.s32 $0x0;
	vm0 =	vcmask $0x300;
	s5 =	sadd.s32 $0xEC00, s0;
	s0 =	ssub.s32 s2, s30;
	s31 =	sadd.s32 $0x2400, s8;
	v0 =	vadd.s32 $0x1985, v62;
	[tilespmem:$0x1FFF0] =	vst v28  }
0x22: {  	v1 =	vsel vm0, $0x3, v1;
	v63 =	vadd.s32 $0x880, v62;
	s8 =	sadd.s32 $0x8800, s8;
	s12 =	smax.u32 s0, $0x1;
	[dreg:$0x4] =	wrdreg s31;
	[tilespmem:$0x1FF30] =	vst v0  }
.LBB2_31:
0x23: {  	s26 =	sadd.s32 $0x1, s26  }
0x24: {  	_ =	swait.ge [sflag:s24], $0x2000;
	p0 =	sne.s32 s26, s12  }
.Ltmp1:
0x25: {  	[sflag:s24] =	ssyncset.done $0x0;
	(pc) =	sbr.rel @!p0 .LBB2_32-.Ltmp1, $4  }
0x26: {  	[sflag:s24] =	ssyncadd.s32 $0xFFFFE000  }
0x27: {  	_ =	swait.ge [sflag:s22], $0x2000  }
0x28: {  	[sflag:s22] =	ssyncset.done $0x0  }
0x29: {  	[sflag:s22] =	ssyncadd.s32 $0xFFFFE000  }
.LBB2_1:
0x2a: {  	s0 =	rddreg [dreg:$0x4];
	s2 =	simm.s32 $0x1000  }
0x2b: {  	[tilespmem:s4], [sflag:$0x5] =	stream.strided.gather [hbm4b:s0+s13], $0x1900, s2, s13, $0x38;
	[tilespmem:$0xB600] =	vst v63  }
0x2c: {  	_ =	swait.ge [sflag:s15], $0x1900  }
0x2d: {  	[sflag:s15] =	ssyncset.done $0x0  }
0x2e: {  	s31 =	simm.s32 $0x1900;
	[sflag:s15] =	ssyncadd.s32 $0xFFFFE700  }
0x2f: {  	[tilespmem:s31], [sflag:$0x5] =	stream.strided.gather [hbm4b:s8+s13], $0x1900, s2, s13, $0x38;
	[tilespmem:$0xB600] =	vst v63  }
0x30: {  	_ =	swait.ge [sflag:s15], $0x1900  }
0x31: {  	[sflag:s15] =	ssyncset.done $0x0  }
0x32: {  	[sflag:s15] =	ssyncadd.s32 $0xFFFFE700  }
0x33: {  	[tilespmem:s17], [sflag:$0x1] =	stream.indirect.gather [hbm4b:s5+s13], $0x40, s4, s13, $0xb8;
	[tilespmem:$0xB600] =	vst v63  }
0x34: {  	s28 =	simm.s32 $0x0  }
0x35: {  	[tilespmem:s18], [sflag:$0x2] =	stream.indirect.gather [hbm4b:s5+s13], $0x40, s13, s13, $0xb8;
	[tilespmem:$0xB600] =	vst v63  }
.LBB2_2:
0x36: {  	s0 =	simm.s32 $0x0;
	s25 =	simm.s32 $0x1;
	s31 =	simm.s32 $0x2  }
0x37: {  	s2 =	simm.s32 $0x3;
	s7 =	simm.s32 $0x5;
	_ =	swait.ge [sflag:s19], $0x2000;
	v33 =	vmov s0;
	v34 =	vmov s25  }
0x38: {  	p0 =	seq.s32 s28, $0x0;
	v35 =	vmov s31;
	v36 =	vmov s2;
	v38 =	vmov s7;
	s25 =	simm.s32 $0x8;
	s7 =	simm.s32 $0xA  }
0x39: {  	s31 =	simm.s32 $0x9;
	[sflag:s19] =	ssyncset.done $0x0;
	v33 =	vshrl.u32 v33, $0x3;
	v41 =	vmov s25;
	v43 =	vmov s7;
	s7 =	simm.s32 $0xF  }
0x3a: {  	s0 =	simm.s32 @!p0 $0x3;
	v42 =	vmov s31;
	v34 =	vshrl.u32 v34, $0x3;
	[sflag:s19] =	ssyncadd.s32 $0xFFFFE000;
	v45 =	vmov s7  }
0x3b: {  	v35 =	vshrl.u32 v35, $0x3;
	v33 =	vshll.u32 v33, v1;
	_ =	swait.ge @!p0 [sflag:s0], $0x2000;
	v45 =	vshrl.u32 v45, $0x3  }
0x3c: {  	v36 =	vshrl.u32 v36, $0x3;
	[sflag:s0] =	ssyncset.done @!p0 $0x0;
	v33 =	vbroadcast v33, $0x0;
	v8 =	vshll.u32 v45, v1  }
0x3d: {  	s30 =	simm.s32 $0x3400;
	v54 =	vshrl.u32 v42, $0x3;
	v34 =	vshll.u32 v34, v1;
	[sflag:s0] =	ssyncadd.s32 @!p0 $0xFFFFE000;
	v55 =	vbroadcast v8, $0x0  }
0x3e: {  	v56 =	vshrl.u32 v43, $0x3;
	v47 =	vbroadcast v34, $0x0;
	v42 =	vld [tilespmem:s30+$0xFFFFFE00];
	v43 =	vadd.s32 v62, v33  }
0x3f: {  	v53 =	vshrl.u32 v41, $0x3;
	v9 =	vshll.u32 v35, v1;
	v35 =	vld [tilespmem:s30+$0x1C0];
	v41 =	vadd.s32 v20, v55  }
0x40: {  	v10 =	vshll.u32 v36, v1;
	v36 =	vld [tilespmem:s30+$0xFFFFFE40];
	v57 =	vadd.s32 v16, v47  }
0x41: {  	s14 =	simm.s32 $0x4  }
0x42: {  	v37 =	vmov s14  }
0x43: {  	v37 =	vshrl.u32 v37, $0x3;
	[tilespmem:v43+s20+$0x0] =	vst.idx.msk $0xffff, v42  }
0x44: {  	v11 =	vshll.u32 v37, v1;
	v46 =	vbroadcast v9, $0x0;
	v37 =	vld [tilespmem:s30+$0xFFFFFE80];
	[tilespmem:v41+s20+$0x0] =	vst.idx.msk $0xffff, v35  }
0x45: {  	s16 =	simm.s32 $0x7;
	v0 =	vld [tilespmem:$0x1FF80];
	[tilespmem:v57+s20+$0x0] =	vst.idx.msk $0xffff, v36  }
0x46: {  	s14 =	simm.s32 $0x6;
	v40 =	vmov s16;
	v45 =	vbroadcast v10, $0x0;
	v58 =	vadd.s32 v13, v46;
	v2 =	vld [tilespmem:$0x1FF00]  }
0x47: {  	v39 =	vmov s14;
	v38 =	vshrl.u32 v38, $0x3;
	v6 =	vbroadcast v11, $0x0  }
0x48: {  	v52 =	vshrl.u32 v40, $0x3;
	v38 =	vshll.u32 v38, v1;
	v40 =	vld [tilespmem:s30+$0xFFFFFEC0];
	v59 =	vadd.s32 v15, v45  }
0x49: {  	v51 =	vshrl.u32 v39, $0x3;
	v7 =	vbroadcast v38, $0x0;
	v60 =	vld [tilespmem:s30+$0xFFFFFF00];
	v61 =	vadd.s32 v28, v6  }
0x4a: {  	v9 =	vshll.u32 v51, v1;
	v10 =	vshll.u32 v52, v1;
	v51 =	vld [tilespmem:s30+$0x1D0];
	v52 =	vadd.s32 v0, v55  }
0x4b: {  	v36 =	vld [tilespmem:s30+$0xFFFFFF40];
	[tilespmem:v58+s20+$0x0] =	vst.idx.msk $0xffff, v37;
	v57 =	vadd.s32 v2, v7  }
0x4c: {  	v3 =	vld [tilespmem:$0x1FF40]  }
0x4d: {  	[tilespmem:v59+s20+$0x0] =	vst.idx.msk $0xffff, v40  }
0x4e: {  	[tilespmem:v61+s20+$0x0] =	vst.idx.msk $0xffff, v60  }
0x4f: {  	v5 =	vbroadcast v9, $0x0;
	[tilespmem:v52+s20+$0x0] =	vst.idx.msk $0xffff, v51  }
0x50: {  	v11 =	vshll.u32 v53, v1;
	v8 =	vbroadcast v10, $0x0;
	v37 =	vld [tilespmem:s30+$0xFFFFFF80];
	[tilespmem:v57+s20+$0x0] =	vst.idx.msk $0xffff, v36  }
0x51: {  	v39 =	vshll.u32 v54, v1;
	v9 =	vbroadcast v11, $0x0;
	v38 =	vadd.s32 v3, v5;
	v4 =	vld [tilespmem:$0x1FF90]  }
0x52: {  	s16 =	simm.s32 $0xB;
	v10 =	vbroadcast v39, $0x0;
	v43 =	vshll.u32 v56, v1;
	v41 =	vadd.s32 v20, v8;
	v40 =	vld [tilespmem:s30+$0xFFFFFFC0]  }
0x53: {  	s25 =	simm.s32 $0xC;
	v44 =	vmov s16;
	v42 =	vadd.s32 v62, v9;
	v11 =	vbroadcast v43, $0x0;
	v59 =	vld [tilespmem:s30+$0x0]  }
0x54: {  	v48 =	vmov s25;
	v34 =	vshrl.u32 v44, $0x3;
	v44 =	vadd.s32 v16, v10;
	v56 =	vld [tilespmem:s30+$0x40]  }
0x55: {  	v48 =	vshrl.u32 v48, $0x3;
	v53 =	vadd.s32 v13, v11;
	v52 =	vld [tilespmem:s30+$0x80]  }
0x56: {  	v57 =	vshll.u32 v48, v1;
	v48 =	vld [tilespmem:s30+$0x1E0];
	[tilespmem:v38+s20+$0x0] =	vst.idx.msk $0xffff, v37;
	v51 =	vadd.s32 v4, v55  }
0x57: {  	s31 =	simm.s32 $0xD;
	[tilespmem:v41+s20+$0x0] =	vst.idx.msk $0xffff, v40  }
0x58: {  	v49 =	vmov s31;
	[tilespmem:v42+s20+$0x0] =	vst.idx.msk $0xffff, v59  }
0x59: {  	v49 =	vshrl.u32 v49, $0x3;
	v34 =	vshll.u32 v34, v1;
	[tilespmem:v44+s20+$0x0] =	vst.idx.msk $0xffff, v56  }
0x5a: {  	s2 =	simm.s32 $0xE;
	v32 =	vshll.u32 v49, v1;
	v34 =	vbroadcast v34, $0x0;
	v49 =	vld [tilespmem:s30+$0xC0];
	[tilespmem:v53+s20+$0x0] =	vst.idx.msk $0xffff, v52  }
0x5b: {  	v50 =	vmov s2;
	v36 =	vbroadcast v32, $0x0;
	v42 =	vld [tilespmem:s30+$0x100];
	[tilespmem:v51+s20+$0x0] =	vst.idx.msk $0xffff, v48  }
0x5c: {  	v50 =	vshrl.u32 v50, $0x3;
	v35 =	vbroadcast v57, $0x0;
	v40 =	vadd.s32 v15, v34;
	v21 =	vld [tilespmem:$0x1FFA0]  }
0x5d: {  	v41 =	vshll.u32 v50, v1;
	v44 =	vadd.s32 v2, v36;
	v2 =	vld [tilespmem:$0x1FE50]  }
0x5e: {  	v56 =	vld [tilespmem:s30+$0x140];
	v37 =	vbroadcast v41, $0x0;
	v43 =	vadd.s32 v28, v35  }
0x5f: {  	v59 =	vld [tilespmem:s30+$0x180]  }
0x60: {  	v38 =	vld [tilespmem:s30+$0xFFFFFE50];
	v32 =	vadd.s32 v3, v37  }
0x61: {  	v48 =	vld [tilespmem:s30+$0x1F0];
	[tilespmem:v40+s20+$0x0] =	vst.idx.msk $0xffff, v49;
	v51 =	vadd.s32 v21, v55  }
0x62: {  	v3 =	vld [tilespmem:$0x1FE70];
	v39 =	vadd.s32 v2, v47  }
0x63: {  	[tilespmem:v43+s20+$0x0] =	vst.idx.msk $0xffff, v42  }
0x64: {  	v25 =	vld [tilespmem:$0x1FEA0];
	[tilespmem:v44+s20+$0x0] =	vst.idx.msk $0xffff, v56  }
0x65: {  	v29 =	vld [tilespmem:$0x1FED0];
	[tilespmem:v32+s20+$0x0] =	vst.idx.msk $0xffff, v59  }
0x66: {  	v32 =	vld [tilespmem:$0x1FF10];
	[tilespmem:v51+s20+$0x0] =	vst.idx.msk $0xffff, v48  }
0x67: {  	v40 =	vld [tilespmem:s30+$0xFFFFFE90];
	v41 =	vadd.s32 v3, v46;
	[tilespmem:v39+s20+$0x0] =	vst.idx.msk $0xffff, v38  }
0x68: {  	v28 =	vld [tilespmem:$0x1FF50]  }
0x69: {  	v42 =	vld [tilespmem:s30+$0xFFFFFED0];
	v43 =	vadd.s32 v25, v45  }
0x6a: {  	v56 =	vld [tilespmem:s30+$0xFFFFFF10];
	v44 =	vadd.s32 v29, v6  }
0x6b: {  	v60 =	vld [tilespmem:s30+$0xFFFFFF50];
	v61 =	vadd.s32 v32, v7  }
0x6c: {  	[tilespmem:v41+s20+$0x0] =	vst.idx.msk $0xffff, v40;
	v40 =	vld [tilespmem:s30+$0xFFFFFFD0];
	v41 =	vadd.s32 v0, v8  }
0x6d: {  	v38 =	vld [tilespmem:s30+$0xFFFFFF90];
	v39 =	vadd.s32 v28, v5  }
0x6e: {  	[tilespmem:v43+s20+$0x0] =	vst.idx.msk $0xffff, v42;
	v42 =	vld [tilespmem:s30+$0x10];
	v43 =	vadd.s32 v63, v9  }
0x6f: {  	v54 =	vld [tilespmem:s30+$0x50];
	[tilespmem:v44+s20+$0x0] =	vst.idx.msk $0xffff, v56;
	v44 =	vadd.s32 v2, v10  }
0x70: {  	[tilespmem:v61+s20+$0x0] =	vst.idx.msk $0xffff, v60;
	v60 =	vld [tilespmem:s30+$0x90];
	v61 =	vadd.s32 v3, v11  }
0x71: {  	[tilespmem:v41+s20+$0x0] =	vst.idx.msk $0xffff, v40  }
0x72: {  	[tilespmem:v39+s20+$0x0] =	vst.idx.msk $0xffff, v38;
	v38 =	vld [tilespmem:s30+$0xD0];
	v39 =	vadd.s32 v25, v34  }
0x73: {  	v40 =	vld [tilespmem:s30+$0x110];
	v41 =	vadd.s32 v29, v35;
	[tilespmem:v43+s20+$0x0] =	vst.idx.msk $0xffff, v42  }
0x74: {  	v58 =	vld [tilespmem:s30+$0xFFFFFE10];
	[tilespmem:v44+s20+$0x0] =	vst.idx.msk $0xffff, v54  }
0x75: {  	v42 =	vld [tilespmem:s30+$0x150];
	[tilespmem:v61+s20+$0x0] =	vst.idx.msk $0xffff, v60  }
0x76: {  	v43 =	vadd.s32 v32, v36;
	v18 =	vld [tilespmem:$0x1FE60]  }
0x77: {  	v55 =	vadd.s32 v28, v37;
	v54 =	vld [tilespmem:s30+$0x190];
	[tilespmem:v39+s20+$0x0] =	vst.idx.msk $0xffff, v38  }
0x78: {  	v44 =	vadd.s32 v63, v33;
	v22 =	vld [tilespmem:$0x1FE80];
	[tilespmem:v41+s20+$0x0] =	vst.idx.msk $0xffff, v40  }
0x79: {  	v26 =	vld [tilespmem:$0x1FEB0]  }
0x7a: {  	v60 =	vld [tilespmem:s30+$0xFFFFFE60]  }
0x7b: {  	v38 =	vld [tilespmem:s30+$0xFFFFFEA0];
	v61 =	vadd.s32 v18, v47;
	[tilespmem:v43+s20+$0x0] =	vst.idx.msk $0xffff, v42  }
0x7c: {  	v30 =	vld [tilespmem:$0x1FEE0];
	[tilespmem:v55+s20+$0x0] =	vst.idx.msk $0xffff, v54  }
0x7d: {  	v40 =	vld [tilespmem:s30+$0xFFFFFEE0];
	[tilespmem:v44+s20+$0x0] =	vst.idx.msk $0xffff, v58;
	v39 =	vadd.s32 v22, v46  }
0x7e: {  	v16 =	vld [tilespmem:$0x1FF20];
	v41 =	vadd.s32 v26, v45;
	_ =	sdelay $0x1  }
0x7f: {  	[tilespmem:v61+s20+$0x0] =	vst.idx.msk $0xffff, v60  }
0x80: {  	v24 =	vld [tilespmem:$0x1FF60]  }
0x81: {  	v42 =	vld [tilespmem:s30+$0xFFFFFF20];
	v43 =	vadd.s32 v30, v6;
	[tilespmem:v39+s20+$0x0] =	vst.idx.msk $0xffff, v38  }
0x82: {  	v54 =	vld [tilespmem:s30+$0xFFFFFF60];
	v44 =	vadd.s32 v16, v7;
	[tilespmem:v41+s20+$0x0] =	vst.idx.msk $0xffff, v40  }
0x83: {  	v14 =	vld [tilespmem:$0x1FE40]  }
0x84: {  	v38 =	vld [tilespmem:s30+$0xFFFFFFE0];
	v39 =	vadd.s32 v4, v8  }
0x85: {  	v60 =	vld [tilespmem:s30+$0xFFFFFFA0];
	v61 =	vadd.s32 v24, v5  }
0x86: {  	[tilespmem:v43+s20+$0x0] =	vst.idx.msk $0xffff, v42;
	v42 =	vld [tilespmem:s30+$0x60];
	v43 =	vadd.s32 v18, v10  }
0x87: {  	[tilespmem:v44+s20+$0x0] =	vst.idx.msk $0xffff, v54;
	v54 =	vld [tilespmem:s30+$0xA0];
	v44 =	vadd.s32 v22, v11  }
0x88: {  	v40 =	vld [tilespmem:s30+$0x20];
	v41 =	vadd.s32 v14, v9  }
0x89: {  	v56 =	vld [tilespmem:s30+$0xE0];
	v57 =	vadd.s32 v26, v34;
	[tilespmem:v39+s20+$0x0] =	vst.idx.msk $0xffff, v38  }
0x8a: {  	v48 =	vld [tilespmem:s30+$0x120];
	v51 =	vadd.s32 v30, v35;
	[tilespmem:v61+s20+$0x0] =	vst.idx.msk $0xffff, v60  }
0x8b: {  	v49 =	vld [tilespmem:s30+$0x160];
	[tilespmem:v43+s20+$0x0] =	vst.idx.msk $0xffff, v42  }
0x8c: {  	v50 =	vld [tilespmem:s30+$0x1A0];
	[tilespmem:v44+s20+$0x0] =	vst.idx.msk $0xffff, v54  }
0x8d: {  	v60 =	vld [tilespmem:s30+$0xFFFFFE20];
	[tilespmem:v41+s20+$0x0] =	vst.idx.msk $0xffff, v40  }
0x8e: {  	v4 =	vadd.s32 v16, v36;
	v19 =	vld [tilespmem:$0x1FE30];
	[tilespmem:v57+s20+$0x0] =	vst.idx.msk $0xffff, v56  }
0x8f: {  	v39 =	vadd.s32 v14, v33;
	v23 =	vld [tilespmem:$0x1FE90];
	[tilespmem:v51+s20+$0x0] =	vst.idx.msk $0xffff, v48  }
0x90: {  	v41 =	vadd.s32 v24, v37;
	v27 =	vld [tilespmem:$0x1FEC0];
	_ =	sdelay $0x1  }
0x91: {  	v54 =	vld [tilespmem:s30+$0xFFFFFE70]  }
0x92: {  	v56 =	vld [tilespmem:s30+$0xFFFFFEB0];
	[tilespmem:v4+s20+$0x0] =	vst.idx.msk $0xffff, v49;
	v47 =	vadd.s32 v19, v47  }
0x93: {  	v31 =	vld [tilespmem:$0x1FEF0];
	[tilespmem:v39+s20+$0x0] =	vst.idx.msk $0xffff, v60;
	v42 =	vadd.s32 v23, v46  }
0x94: {  	s16 =	simm.s32 $0x11;
	v59 =	vld [tilespmem:s30+$0xFFFFFEF0];
	[tilespmem:v41+s20+$0x0] =	vst.idx.msk $0xffff, v50;
	v40 =	vadd.s32 v27, v45  }
0x95: {  	v12 =	vmov v62;
	s31 =	simm.s32 $0x13;
	s7 =	simm.s32 $0x15;
	v62 =	vmov s16;
	s16 =	simm.s32 $0x17;
	v20 =	vld [tilespmem:$0x1FF30]  }
0x96: {  	s14 =	simm.s32 $0x10;
	s25 =	simm.s32 $0x12;
	v52 =	vmov s16;
	v0 =	vmov s31;
	v2 =	vmov s7  }
0x97: {  	v13 =	vmov v63;
	v55 =	vmov s25;
	s25 =	simm.s32 $0x18;
	v63 =	vld [tilespmem:s30+$0xFFFFFF30];
	v61 =	vmov s14;
	[tilespmem:v47+s20+$0x0] =	vst.idx.msk $0xffff, v54  }
0x98: {  	s2 =	simm.s32 $0x14;
	v53 =	vmov s25;
	v55 =	vshrl.u32 v55, $0x3;
	s14 =	simm.s32 $0x16;
	v61 =	vshrl.u32 v61, $0x3;
	v17 =	vld [tilespmem:$0x1FF70];
	[tilespmem:v42+s20+$0x0] =	vst.idx.msk $0xffff, v56  }
0x99: {  	s16 =	simm.s32 $0x1C;
	v43 =	vmov s14;
	v44 =	vmov s2;
	v4 =	vadd.s32 v31, v6;
	v6 =	vld [tilespmem:s30+$0xFFFFFF70];
	[tilespmem:v40+s20+$0x0] =	vst.idx.msk $0xffff, v59  }
0x9a: {  	s25 =	simm.s32 $0x1D;
	s14 =	simm.s32 $0x1B;
	v38 =	vshrl.u32 v44, $0x3;
	v51 =	vmov s16;
	v7 =	vadd.s32 v20, v7;
	v15 =	vld [tilespmem:$0x1FE20]  }
0x9b: {  	s31 =	simm.s32 $0x19;
	s7 =	simm.s32 $0x1A;
	v58 =	vld [tilespmem:s30+$0xFFFFFFF0];
	v48 =	vmov s25;
	v39 =	vshrl.u32 v43, $0x3;
	v50 =	vmov s14  }
0x9c: {  	v57 =	vld [tilespmem:s30+$0xFFFFFFB0];
	v41 =	vshrl.u32 v2, $0x3;
	v46 =	vmov s7;
	v45 =	vmov s31;
	s31 =	simm.s32 $0x1E  }
0x9d: {  	v43 =	vld [tilespmem:s30+$0xB0];
	v44 =	vadd.s32 v23, v11;
	v49 =	vmov s31;
	v54 =	vshll.u32 v61, v1  }
0x9e: {  	v61 =	vadd.s32 v21, v8;
	v56 =	vshrl.u32 v62, $0x3;
	v42 =	vld [tilespmem:s30+$0x70];
	[tilespmem:v4+s20+$0x0] =	vst.idx.msk $0xffff, v63;
	v63 =	vadd.s32 v19, v10  }
0x9f: {  	s29 =	sshll.u32 s28, $0xA;
	s0 =	simm.s32 $0x1F;
	s2 =	simm.s32 $0x20;
	v59 =	vld [tilespmem:s30+$0x30];
	v40 =	vshrl.u32 v0, $0x3;
	[tilespmem:v7+s20+$0x0] =	vst.idx.msk $0xffff, v6;
	v60 =	vadd.s32 v17, v5;
	v62 =	vadd.s32 v15, v9  }
.LBB2_3:
0xa0: {  	v10 =	vld [tilespmem:s30+$0xF0]  }
0xa1: {  	v11 =	vld [tilespmem:s30+$0x130]  }
0xa2: {  	v5 =	vld [tilespmem:s30+$0x170]  }
0xa3: {  	v6 =	vshll.u32 v56, v1;
	v56 =	vld [tilespmem:s30+$0xFFFFFE30]  }
0xa4: {  	v0 =	vld [tilespmem:$0x1FFB0]  }
0xa5: {  	v9 =	vmov s0;
	v2 =	vld [tilespmem:$0x1FFC0]  }
0xa6: {  	v47 =	vshrl.u32 v52, $0x3;
	v3 =	vld [tilespmem:$0x1FFD0];
	v52 =	vshrl.u32 v9, $0x3  }
0xa7: {  	v34 =	vadd.s32 v27, v34;
	v4 =	vshll.u32 v52, v1;
	[tilespmem:v63+s20+$0x0] =	vst.idx.msk $0xffff, v42;
	v42 =	vld [tilespmem:s30+$0x1B0]  }
0xa8: {  	[tilespmem:v61+s20+$0x0] =	vst.idx.msk $0xffff, v58;
	v61 =	vbroadcast v4, $0x0;
	v4 =	vld [tilespmem:$0x1FFE0]  }
0xa9: {  	v7 =	vshll.u32 v55, v1;
	[tilespmem:v60+s20+$0x0] =	vst.idx.msk $0xffff, v57;
	v60 =	vshrl.u32 v45, $0x3;
	v45 =	vbroadcast v6, $0x0;
	v6 =	vld [tilespmem:$0x1FF80]  }
0xaa: {  	v36 =	vadd.s32 v20, v36;
	[tilespmem:v62+s20+$0x0] =	vst.idx.msk $0xffff, v59;
	v59 =	vshrl.u32 v46, $0x3;
	s30 =	sadd.s32 $0x400, s30;
	v46 =	vbroadcast v7, $0x0;
	v7 =	vld [tilespmem:$0x1FF00]  }
0xab: {  	v35 =	vadd.s32 v31, v35;
	[tilespmem:v44+s20+$0x0] =	vst.idx.msk $0xffff, v43;
	v44 =	vld [tilespmem:s30+$0x1C0]  }
0xac: {  	v37 =	vadd.s32 v17, v37;
	[tilespmem:v34+s20+$0x0] =	vst.idx.msk $0xffff, v10;
	v34 =	vld [tilespmem:s30+$0xFFFFFE00]  }
0xad: {  	v62 =	vadd.s32 v15, v33;
	v33 =	vbroadcast v54, $0x0;
	v63 =	vld [tilespmem:s30+$0xFFFFFE40]  }
0xae: {  	v10 =	vld [tilespmem:s30+$0xFFFFFE80];
	v54 =	vadd.s32 v0, v61  }
0xaf: {  	[tilespmem:v36+s20+$0x0] =	vst.idx.msk $0xffff, v5;
	v5 =	vld [tilespmem:$0x1FFF0];
	v8 =	vadd.s32 v12, v33  }
0xb0: {  	v40 =	vshll.u32 v40, v1;
	[tilespmem:v35+s20+$0x0] =	vst.idx.msk $0xffff, v11;
	v35 =	vld [tilespmem:s30+$0xFFFFFF40];
	v11 =	vadd.s32 v3, v46  }
0xb1: {  	v53 =	vshrl.u32 v53, $0x3;
	v41 =	vshll.u32 v41, v1;
	v40 =	vbroadcast v40, $0x0;
	v36 =	vld [tilespmem:s30+$0xFFFFFF80];
	[tilespmem:v37+s20+$0x0] =	vst.idx.msk $0xffff, v42  }
0xb2: {  	v38 =	vshll.u32 v38, v1;
	v41 =	vbroadcast v41, $0x0;
	v9 =	vadd.s32 v2, v45;
	v37 =	vld [tilespmem:s30+$0xFFFFFEC0];
	[tilespmem:v62+s20+$0x0] =	vst.idx.msk $0xffff, v56  }
0xb3: {  	v50 =	vshrl.u32 v50, $0x3;
	v38 =	vbroadcast v38, $0x0;
	v57 =	vadd.s32 v4, v40;
	v56 =	vld [tilespmem:s30+$0xFFFFFF00];
	[tilespmem:v54+s20+$0x0] =	vst.idx.msk $0xffff, v44  }
0xb4: {  	v51 =	vshrl.u32 v51, $0x3;
	v62 =	vadd.s32 v7, v41;
	[tilespmem:v8+s20+$0x0] =	vst.idx.msk $0xffff, v34;
	v44 =	vshll.u32 v47, v1;
	v8 =	vld [tilespmem:$0x1FF40]  }
0xb5: {  	v39 =	vshll.u32 v39, v1;
	v58 =	vadd.s32 v5, v38;
	[tilespmem:v11+s20+$0x0] =	vst.idx.msk $0xffff, v10;
	v10 =	vld [tilespmem:s30+$0x40];
	v42 =	vbroadcast v44, $0x0  }
0xb6: {  	v48 =	vshrl.u32 v48, $0x3;
	v60 =	vshll.u32 v60, v1;
	v55 =	vadd.s32 v6, v61;
	v54 =	vld [tilespmem:s30+$0x1D0]  }
0xb7: {  	v49 =	vshrl.u32 v49, $0x3;
	[tilespmem:v9+s20+$0x0] =	vst.idx.msk $0xffff, v63;
	v44 =	vbroadcast v60, $0x0;
	v63 =	vadd.s32 v0, v42;
	v0 =	vld [tilespmem:$0x1FF90]  }
0xb8: {  	v39 =	vbroadcast v39, $0x0;
	v47 =	vshll.u32 v53, v1;
	v9 =	vshll.u32 v59, v1;
	[tilespmem:v57+s20+$0x0] =	vst.idx.msk $0xffff, v37;
	v37 =	vld [tilespmem:s30+$0xFFFFFFC0]  }
0xb9: {  	v43 =	vbroadcast v47, $0x0;
	v11 =	vadd.s32 v2, v44;
	[tilespmem:v62+s20+$0x0] =	vst.idx.msk $0xffff, v35;
	v62 =	vshll.u32 v48, v1;
	v48 =	vld [tilespmem:s30+$0xC0]  }
0xba: {  	v50 =	vshll.u32 v50, v1;
	v47 =	vbroadcast v9, $0x0;
	v2 =	vld [tilespmem:$0x1FE50];
	[tilespmem:v58+s20+$0x0] =	vst.idx.msk $0xffff, v56;
	v52 =	vadd.s32 v8, v39  }
0xbb: {  	v34 =	vbroadcast v50, $0x0;
	v60 =	vshll.u32 v51, v1;
	v57 =	vadd.s32 v12, v43;
	v56 =	vld [tilespmem:s30+$0x0];
	[tilespmem:v55+s20+$0x0] =	vst.idx.msk $0xffff, v54  }
0xbc: {  	v35 =	vbroadcast v60, $0x0;
	v54 =	vadd.s32 v3, v47;
	v50 =	vld [tilespmem:s30+$0x1E0];
	v51 =	vadd.s32 v0, v61  }
0xbd: {  	v3 =	vld [tilespmem:$0x1FE70];
	[tilespmem:v63+s20+$0x0] =	vst.idx.msk $0xffff, v37;
	v63 =	vadd.s32 v4, v34;
	v4 =	vshll.u32 v49, v1  }
0xbe: {  	v55 =	vadd.s32 v5, v35;
	v49 =	vld [tilespmem:s30+$0x100];
	[tilespmem:v11+s20+$0x0] =	vst.idx.msk $0xffff, v10;
	v37 =	vbroadcast v4, $0x0  }
0xbf: {  	[tilespmem:v52+s20+$0x0] =	vst.idx.msk $0xffff, v36;
	v52 =	vld [tilespmem:s30+$0x80];
	v36 =	vbroadcast v62, $0x0  }
0xc0: {  	v11 =	vld [tilespmem:s30+$0x180];
	[tilespmem:v57+s20+$0x0] =	vst.idx.msk $0xffff, v56;
	v60 =	vadd.s32 v8, v37  }
0xc1: {  	v9 =	vld [tilespmem:s30+$0x140];
	v10 =	vadd.s32 v7, v36;
	[tilespmem:v51+s20+$0x0] =	vst.idx.msk $0xffff, v50  }
0xc2: {  	v8 =	vadd.s32 v25, v40;
	v7 =	vld [tilespmem:s30+$0xFFFFFED0];
	[tilespmem:v63+s20+$0x0] =	vst.idx.msk $0xffff, v48  }
0xc3: {  	v62 =	vadd.s32 v2, v45;
	v51 =	vadd.s32 v21, v61;
	v61 =	vld [tilespmem:s30+$0xFFFFFE50];
	[tilespmem:v55+s20+$0x0] =	vst.idx.msk $0xffff, v49  }
0xc4: {  	v5 =	vadd.s32 v3, v46;
	v63 =	vld [tilespmem:s30+$0xFFFFFE90];
	[tilespmem:v54+s20+$0x0] =	vst.idx.msk $0xffff, v52  }
0xc5: {  	v50 =	vld [tilespmem:s30+$0x1F0];
	[tilespmem:v60+s20+$0x0] =	vst.idx.msk $0xffff, v11  }
0xc6: {  	v11 =	vld [tilespmem:s30+$0xFFFFFF50];
	v60 =	vadd.s32 v32, v41;
	[tilespmem:v10+s20+$0x0] =	vst.idx.msk $0xffff, v9  }
0xc7: {  	v9 =	vld [tilespmem:s30+$0xFFFFFF10];
	v10 =	vadd.s32 v29, v38;
	[tilespmem:v8+s20+$0x0] =	vst.idx.msk $0xffff, v7  }
0xc8: {  	v7 =	vld [tilespmem:s30+$0x50];
	v8 =	vadd.s32 v2, v44;
	[tilespmem:v62+s20+$0x0] =	vst.idx.msk $0xffff, v61  }
0xc9: {  	v61 =	vld [tilespmem:s30+$0xFFFFFF90];
	v62 =	vadd.s32 v28, v39;
	[tilespmem:v5+s20+$0x0] =	vst.idx.msk $0xffff, v63  }
0xca: {  	v4 =	vadd.s32 v6, v42;
	v63 =	vld [tilespmem:s30+$0xFFFFFFD0];
	[tilespmem:v51+s20+$0x0] =	vst.idx.msk $0xffff, v50  }
0xcb: {  	v6 =	vadd.s32 v13, v43;
	v5 =	vld [tilespmem:s30+$0x10];
	[tilespmem:v60+s20+$0x0] =	vst.idx.msk $0xffff, v11  }
0xcc: {  	v11 =	vld [tilespmem:s30+$0xD0];
	v60 =	vadd.s32 v25, v34;
	[tilespmem:v10+s20+$0x0] =	vst.idx.msk $0xffff, v9  }
0xcd: {  	v9 =	vld [tilespmem:s30+$0x90];
	v10 =	vadd.s32 v3, v47;
	[tilespmem:v8+s20+$0x0] =	vst.idx.msk $0xffff, v7  }
0xce: {  	v7 =	vld [tilespmem:s30+$0xFFFFFE10];
	v8 =	vadd.s32 v13, v33;
	[tilespmem:v62+s20+$0x0] =	vst.idx.msk $0xffff, v61  }
0xcf: {  	[tilespmem:v4+s20+$0x0] =	vst.idx.msk $0xffff, v63;
	v61 =	vld [tilespmem:s30+$0x110];
	v62 =	vadd.s32 v29, v35  }
0xd0: {  	[tilespmem:v6+s20+$0x0] =	vst.idx.msk $0xffff, v5;
	v63 =	vld [tilespmem:s30+$0x150];
	v4 =	vadd.s32 v32, v36  }
0xd1: {  	v5 =	vld [tilespmem:s30+$0x190];
	v6 =	vadd.s32 v28, v37;
	[tilespmem:v60+s20+$0x0] =	vst.idx.msk $0xffff, v11  }
0xd2: {  	v11 =	vld [tilespmem:s30+$0xFFFFFEA0];
	v60 =	vadd.s32 v22, v46;
	[tilespmem:v10+s20+$0x0] =	vst.idx.msk $0xffff, v9  }
0xd3: {  	v9 =	vld [tilespmem:s30+$0xFFFFFE60];
	v10 =	vadd.s32 v18, v45;
	[tilespmem:v8+s20+$0x0] =	vst.idx.msk $0xffff, v7  }
0xd4: {  	v7 =	vld [tilespmem:s30+$0xFFFFFFA0];
	v8 =	vadd.s32 v24, v39;
	[tilespmem:v62+s20+$0x0] =	vst.idx.msk $0xffff, v61  }
0xd5: {  	v61 =	vld [tilespmem:s30+$0xFFFFFEE0];
	v62 =	vadd.s32 v26, v40;
	[tilespmem:v4+s20+$0x0] =	vst.idx.msk $0xffff, v63  }
0xd6: {  	v63 =	vld [tilespmem:s30+$0xFFFFFF20];
	v4 =	vadd.s32 v30, v38;
	[tilespmem:v6+s20+$0x0] =	vst.idx.msk $0xffff, v5  }
0xd7: {  	v5 =	vld [tilespmem:s30+$0xFFFFFF60];
	v6 =	vadd.s32 v16, v41;
	[tilespmem:v60+s20+$0x0] =	vst.idx.msk $0xffff, v11  }
0xd8: {  	v59 =	vadd.s32 v24, v37;
	v49 =	vld [tilespmem:s30+$0x1A0];
	[tilespmem:v10+s20+$0x0] =	vst.idx.msk $0xffff, v9  }
0xd9: {  	v11 =	vld [tilespmem:s30+$0x20];
	v60 =	vadd.s32 v14, v43;
	[tilespmem:v8+s20+$0x0] =	vst.idx.msk $0xffff, v7  }
0xda: {  	v9 =	vld [tilespmem:s30+$0xFFFFFFE0];
	v10 =	vadd.s32 v0, v42;
	[tilespmem:v62+s20+$0x0] =	vst.idx.msk $0xffff, v61  }
0xdb: {  	[tilespmem:v4+s20+$0x0] =	vst.idx.msk $0xffff, v63;
	v61 =	vld [tilespmem:s30+$0x60];
	v62 =	vadd.s32 v18, v44  }
0xdc: {  	[tilespmem:v6+s20+$0x0] =	vst.idx.msk $0xffff, v5;
	v4 =	vld [tilespmem:s30+$0xA0];
	v5 =	vadd.s32 v22, v47  }
0xdd: {  	v7 =	vadd.s32 v26, v34;
	v6 =	vld [tilespmem:s30+$0xE0];
	[tilespmem:v59+s20+$0x0] =	vst.idx.msk $0xffff, v49  }
0xde: {  	s7 =	sadd.s32 $0x2, s2;
	v2 =	vadd.s32 v19, v45;
	v54 =	vld [tilespmem:s30+$0xFFFFFE70];
	[tilespmem:v60+s20+$0x0] =	vst.idx.msk $0xffff, v11  }
0xdf: {  	v55 =	vmov s7;
	v8 =	vld [tilespmem:s30+$0x120];
	[tilespmem:v10+s20+$0x0] =	vst.idx.msk $0xffff, v9;
	v9 =	vadd.s32 v30, v35  }
0xe0: {  	s16 =	sadd.s32 $0x4, s2;
	v55 =	vshrl.u32 v55, $0x3;
	v63 =	vmov s2;
	v11 =	vadd.s32 v16, v36;
	v10 =	vld [tilespmem:s30+$0x160];
	[tilespmem:v62+s20+$0x0] =	vst.idx.msk $0xffff, v61  }
0xe1: {  	s7 =	sadd.s32 $0x7, s2;
	v3 =	vmov s16;
	s16 =	sadd.s32 $0x8, s2;
	v60 =	vld [tilespmem:s30+$0xFFFFFE20];
	v61 =	vshrl.u32 v63, $0x3;
	v63 =	vadd.s32 v14, v33;
	[tilespmem:v5+s20+$0x0] =	vst.idx.msk $0xffff, v4  }
0xe2: {  	v52 =	vmov s7;
	s7 =	sadd.s32 $0xB, s2;
	v53 =	vmov s16;
	s16 =	sadd.s32 $0xC, s2;
	v56 =	vld [tilespmem:s30+$0xFFFFFEB0];
	[tilespmem:v7+s20+$0x0] =	vst.idx.msk $0xffff, v6;
	v5 =	vadd.s32 v23, v46  }
0xe3: {  	s31 =	sadd.s32 $0x1, s2;
	s14 =	sadd.s32 $0x3, s2;
	v50 =	vmov s7;
	v51 =	vmov s16;
	v40 =	vadd.s32 v27, v40;
	v7 =	vld [tilespmem:s30+$0xFFFFFEF0];
	[tilespmem:v2+s20+$0x0] =	vst.idx.msk $0xffff, v54  }
0xe4: {  	s25 =	sadd.s32 $0x5, s2;
	v0 =	vmov s14;
	v62 =	vmov s31;
	s31 =	sadd.s32 $0x6, s2;
	[tilespmem:v9+s20+$0x0] =	vst.idx.msk $0xffff, v8;
	v8 =	vld [tilespmem:s30+$0xFFFFFF30];
	v9 =	vadd.s32 v31, v38  }
0xe5: {  	p1 =	slt.u32 s2, $0x70;
	v4 =	vmov s25;
	s25 =	sadd.s32 $0x9, s2;
	v6 =	vmov s31;
	s31 =	sadd.s32 $0xA, s2;
	[tilespmem:v11+s20+$0x0] =	vst.idx.msk $0xffff, v10;
	v10 =	vld [tilespmem:s30+$0xFFFFFF70];
	v11 =	vadd.s32 v20, v41  }
.Ltmp2:
0xe6: {  	v57 =	vld [tilespmem:s30+$0xFFFFFFB0];
	v45 =	vmov s25;
	s25 =	sadd.s32 $0xD, s2;
	v54 =	vshll.u32 v61, v1;
	v46 =	vmov s31;
	s31 =	sadd.s32 $0xE, s2;
	[tilespmem:v63+s20+$0x0] =	vst.idx.msk $0xffff, v60;
	(pc) =	sbr.rel @p1 .LBB2_3-.Ltmp2, $4  }
0xe7: {  	v59 =	vld [tilespmem:s30+$0x30];
	v61 =	vadd.s32 v21, v42;
	v48 =	vmov s25;
	v49 =	vmov s31;
	[tilespmem:v5+s20+$0x0] =	vst.idx.msk $0xffff, v56  }
0xe8: {  	v58 =	vld [tilespmem:s30+$0xFFFFFFF0];
	v38 =	vshrl.u32 v3, $0x3;
	v41 =	vshrl.u32 v4, $0x3;
	v60 =	vadd.s32 v17, v39;
	[tilespmem:v40+s20+$0x0] =	vst.idx.msk $0xffff, v7  }
0xe9: {  	v42 =	vld [tilespmem:s30+$0x70];
	v56 =	vshrl.u32 v62, $0x3;
	v62 =	vadd.s32 v15, v43;
	v40 =	vshrl.u32 v0, $0x3;
	[tilespmem:v9+s20+$0x0] =	vst.idx.msk $0xffff, v8  }
0xea: {  	s0 =	sadd.s32 $0xF, s2;
	s2 =	sadd.s32 $0x10, s2;
	v63 =	vadd.s32 v19, v44;
	v39 =	vshrl.u32 v6, $0x3;
	v43 =	vld [tilespmem:s30+$0xB0];
	v44 =	vadd.s32 v23, v47;
	[tilespmem:v11+s20+$0x0] =	vst.idx.msk $0xffff, v10  }
0xeb: {  	_ =	sdelay $0x3  }
0xec: {  	[tilespmem:v60+s20+$0x0] =	vst.idx.msk $0xffff, v57;
	v3 =	vld [tilespmem:s30+$0xF0];
	v4 =	vadd.s32 v27, v34  }
0xed: {  	v6 =	vld [tilespmem:s30+$0x130];
	v7 =	vadd.s32 v31, v35;
	[tilespmem:v62+s20+$0x0] =	vst.idx.msk $0xffff, v59  }
0xee: {  	[tilespmem:v61+s20+$0x0] =	vst.idx.msk $0xffff, v58  }
0xef: {  	[tilespmem:v63+s20+$0x0] =	vst.idx.msk $0xffff, v42  }
0xf0: {  	v9 =	vld [tilespmem:s30+$0x170];
	[tilespmem:v44+s20+$0x0] =	vst.idx.msk $0xffff, v43  }
0xf1: {  	v60 =	vshll.u32 v56, v1;
	v56 =	vld [tilespmem:$0x1FFB0];
	[tilespmem:v4+s20+$0x0] =	vst.idx.msk $0xffff, v3  }
0xf2: {  	v2 =	vmov s0;
	v10 =	vadd.s32 v20, v36;
	v61 =	vld [tilespmem:s30+$0xFFFFFE30];
	[tilespmem:v7+s20+$0x0] =	vst.idx.msk $0xffff, v6  }
0xf3: {  	v8 =	vshrl.u32 v45, $0x3;
	v2 =	vshrl.u32 v2, $0x3;
	v57 =	vld [tilespmem:$0x1FFC0]  }
0xf4: {  	v45 =	vadd.s32 v17, v37;
	v34 =	vbroadcast v54, $0x0;
	s14 =	sadd.s32 $0x400, s30;
	v2 =	vshll.u32 v2, v1;
	v42 =	vld [tilespmem:s30+$0x1B0]  }
0xf5: {  	v47 =	vadd.s32 v15, v33;
	v2 =	vbroadcast v2, $0x0;
	v43 =	vld [tilespmem:s14+$0x1C0]  }
0xf6: {  	v33 =	vbroadcast v60, $0x0;
	v3 =	vld [tilespmem:s14+$0xFFFFFE00];
	v4 =	vadd.s32 v12, v34  }
0xf7: {  	v6 =	vld [tilespmem:s14+$0xFFFFFE40];
	[tilespmem:v10+s20+$0x0] =	vst.idx.msk $0xffff, v9;
	v44 =	vadd.s32 v56, v2  }
0xf8: {  	v54 =	vld [tilespmem:$0x1FFD0];
	v7 =	vadd.s32 v57, v33  }
0xf9: {  	[tilespmem:v45+s20+$0x0] =	vst.idx.msk $0xffff, v42  }
0xfa: {  	v62 =	vshll.u32 v55, v1;
	v59 =	vld [tilespmem:$0x1FFE0];
	[tilespmem:v47+s20+$0x0] =	vst.idx.msk $0xffff, v61  }
0xfb: {  	v35 =	vbroadcast v62, $0x0;
	v61 =	vld [tilespmem:$0x1FFF0];
	[tilespmem:v4+s20+$0x0] =	vst.idx.msk $0xffff, v3  }
0xfc: {  	v58 =	vshll.u32 v41, v1;
	v63 =	vshll.u32 v40, v1;
	v9 =	vld [tilespmem:s14+$0xFFFFFE80];
	[tilespmem:v44+s20+$0x0] =	vst.idx.msk $0xffff, v43  }
0xfd: {  	v40 =	vshll.u32 v38, v1;
	v38 =	vbroadcast v58, $0x0;
	v10 =	vadd.s32 v54, v35;
	v58 =	vld [tilespmem:$0x1FF80];
	[tilespmem:v7+s20+$0x0] =	vst.idx.msk $0xffff, v6  }
0xfe: {  	v36 =	vbroadcast v63, $0x0;
	v55 =	vld [tilespmem:$0x1FF00]  }
0xff: {  	v11 =	vshrl.u32 v46, $0x3;
	v46 =	vld [tilespmem:s14+$0xFFFFFF00];
	v37 =	vbroadcast v40, $0x0  }
0x100: {  	v42 =	vld [tilespmem:s14+$0xFFFFFEC0];
	v45 =	vadd.s32 v59, v36  }
0x101: {  	v47 =	vadd.s32 v61, v37;
	v3 =	vld [tilespmem:s14+$0x1D0]  }
0x102: {  	v6 =	vld [tilespmem:s14+$0xFFFFFF40];
	[tilespmem:v10+s20+$0x0] =	vst.idx.msk $0xffff, v9;
	v4 =	vadd.s32 v58, v2  }
0x103: {  	v60 =	vld [tilespmem:$0x1FF40];
	v7 =	vadd.s32 v55, v38;
	_ =	sdelay $0x1  }
0x104: {  	v39 =	vshll.u32 v39, v1;
	[tilespmem:v45+s20+$0x0] =	vst.idx.msk $0xffff, v42  }
0x105: {  	v0 =	vshrl.u32 v52, $0x3;
	v39 =	vbroadcast v39, $0x0;
	[tilespmem:v47+s20+$0x0] =	vst.idx.msk $0xffff, v46  }
0x106: {  	v5 =	vshrl.u32 v53, $0x3;
	v50 =	vshrl.u32 v50, $0x3;
	v0 =	vshll.u32 v0, v1;
	[tilespmem:v4+s20+$0x0] =	vst.idx.msk $0xffff, v3  }
0x107: {  	v40 =	vbroadcast v0, $0x0;
	v0 =	vshll.u32 v5, v1;
	v5 =	vld [tilespmem:s14+$0xFFFFFF80];
	v63 =	vadd.s32 v60, v39;
	[tilespmem:v7+s20+$0x0] =	vst.idx.msk $0xffff, v6  }
0x108: {  	v62 =	vshll.u32 v50, v1;
	v41 =	vbroadcast v0, $0x0;
	v0 =	vshll.u32 v8, v1;
	v50 =	vld [tilespmem:$0x1FF90]  }
0x109: {  	v11 =	vshll.u32 v11, v1;
	v8 =	vld [tilespmem:s14+$0xFFFFFFC0];
	v10 =	vadd.s32 v56, v40;
	v42 =	vbroadcast v0, $0x0  }
0x10a: {  	v43 =	vbroadcast v11, $0x0;
	v0 =	vshrl.u32 v48, $0x3;
	v48 =	vadd.s32 v12, v41;
	v47 =	vld [tilespmem:s14+$0x0]  }
0x10b: {  	v52 =	vld [tilespmem:s14+$0x40];
	v53 =	vadd.s32 v57, v42  }
0x10c: {  	v51 =	vshrl.u32 v51, $0x3;
	v44 =	vbroadcast v62, $0x0;
	v62 =	vadd.s32 v54, v43;
	[tilespmem:v63+s20+$0x0] =	vst.idx.msk $0xffff, v5;
	v63 =	vld [tilespmem:s14+$0x80]  }
0x10d: {  	v49 =	vshrl.u32 v49, $0x3;
	v3 =	vshll.u32 v51, v1;
	v4 =	vld [tilespmem:s14+$0x1E0];
	v6 =	vadd.s32 v50, v2  }
0x10e: {  	v0 =	vshll.u32 v0, v1;
	v45 =	vbroadcast v3, $0x0;
	v3 =	vld [tilespmem:s14+$0xC0];
	[tilespmem:v10+s20+$0x0] =	vst.idx.msk $0xffff, v8;
	v8 =	vadd.s32 v59, v44  }
0x10f: {  	v9 =	vld [tilespmem:s14+$0x100];
	v46 =	vbroadcast v0, $0x0;
	v0 =	vshll.u32 v49, v1;
	[tilespmem:v48+s20+$0x0] =	vst.idx.msk $0xffff, v47  }
0x110: {  	v47 =	vbroadcast v0, $0x0;
	[tilespmem:v53+s20+$0x0] =	vst.idx.msk $0xffff, v52;
	v0 =	vld [tilespmem:s14+$0x140];
	v10 =	vadd.s32 v61, v45  }
0x111: {  	v11 =	vadd.s32 v55, v46;
	v48 =	vld [tilespmem:s14+$0x180];
	[tilespmem:v62+s20+$0x0] =	vst.idx.msk $0xffff, v63  }
0x112: {  	v52 =	vld [tilespmem:s14+$0xFFFFFF50];
	[tilespmem:v6+s20+$0x0] =	vst.idx.msk $0xffff, v4  }
0x113: {  	v49 =	vadd.s32 v60, v47;
	v62 =	vld [tilespmem:$0x1FE50];
	[tilespmem:v8+s20+$0x0] =	vst.idx.msk $0xffff, v3  }
0x114: {  	v53 =	vadd.s32 v32, v38;
	v51 =	vld [tilespmem:$0x1FE70]  }
0x115: {  	v2 =	vadd.s32 v21, v2;
	v4 =	vld [tilespmem:s14+$0x1F0];
	[tilespmem:v10+s20+$0x0] =	vst.idx.msk $0xffff, v9  }
0x116: {  	[tilespmem:v11+s20+$0x0] =	vst.idx.msk $0xffff, v0;
	v0 =	vld [tilespmem:s14+$0xFFFFFF10];
	v10 =	vadd.s32 v29, v37  }
0x117: {  	v8 =	vld [tilespmem:s14+$0xFFFFFED0];
	v9 =	vadd.s32 v25, v36  }
0x118: {  	v5 =	vld [tilespmem:s14+$0xFFFFFE50];
	[tilespmem:v49+s20+$0x0] =	vst.idx.msk $0xffff, v48;
	v63 =	vadd.s32 v62, v33  }
0x119: {  	v3 =	vld [tilespmem:s14+$0xFFFFFE90];
	[tilespmem:v53+s20+$0x0] =	vst.idx.msk $0xffff, v52;
	v7 =	vadd.s32 v51, v35  }
0x11a: {  	v11 =	vld [tilespmem:s14+$0xFFFFFE10];
	v48 =	vadd.s32 v13, v34;
	[tilespmem:v2+s20+$0x0] =	vst.idx.msk $0xffff, v4  }
0x11b: {  	v49 =	vadd.s32 v62, v42;
	[tilespmem:v10+s20+$0x0] =	vst.idx.msk $0xffff, v0;
	v0 =	vld [tilespmem:s14+$0x50]  }
0x11c: {  	v52 =	vld [tilespmem:s14+$0x90];
	[tilespmem:v9+s20+$0x0] =	vst.idx.msk $0xffff, v8;
	v53 =	vadd.s32 v51, v43  }
0x11d: {  	v2 =	vld [tilespmem:s14+$0xFFFFFF90];
	[tilespmem:v63+s20+$0x0] =	vst.idx.msk $0xffff, v5;
	v63 =	vadd.s32 v28, v39  }
0x11e: {  	v5 =	vadd.s32 v58, v40;
	[tilespmem:v7+s20+$0x0] =	vst.idx.msk $0xffff, v3;
	v3 =	vld [tilespmem:s14+$0xFFFFFFD0]  }
0x11f: {  	v6 =	vld [tilespmem:s14+$0x10];
	[tilespmem:v48+s20+$0x0] =	vst.idx.msk $0xffff, v11;
	v7 =	vadd.s32 v13, v41  }
0x120: {  	v8 =	vadd.s32 v28, v47;
	[tilespmem:v49+s20+$0x0] =	vst.idx.msk $0xffff, v0;
	v0 =	vld [tilespmem:s14+$0x190]  }
0x121: {  	[tilespmem:v53+s20+$0x0] =	vst.idx.msk $0xffff, v52;
	v52 =	vld [tilespmem:s14+$0xFFFFFE60];
	v53 =	vadd.s32 v18, v33  }
0x122: {  	[tilespmem:v63+s20+$0x0] =	vst.idx.msk $0xffff, v2;
	v2 =	vld [tilespmem:s14+$0xD0];
	v63 =	vadd.s32 v25, v44  }
0x123: {  	[tilespmem:v5+s20+$0x0] =	vst.idx.msk $0xffff, v3;
	v3 =	vld [tilespmem:s14+$0x110];
	v5 =	vadd.s32 v29, v45  }
0x124: {  	[tilespmem:v7+s20+$0x0] =	vst.idx.msk $0xffff, v6;
	v6 =	vld [tilespmem:s14+$0x150];
	v7 =	vadd.s32 v32, v46  }
0x125: {  	[tilespmem:v8+s20+$0x0] =	vst.idx.msk $0xffff, v0;
	v0 =	vld [tilespmem:s14+$0xFFFFFF60];
	v8 =	vadd.s32 v16, v38  }
0x126: {  	[tilespmem:v53+s20+$0x0] =	vst.idx.msk $0xffff, v52;
	v52 =	vld [tilespmem:s14+$0xFFFFFFA0];
	v53 =	vadd.s32 v24, v39  }
0x127: {  	[tilespmem:v63+s20+$0x0] =	vst.idx.msk $0xffff, v2;
	v2 =	vld [tilespmem:s14+$0xFFFFFEA0];
	v63 =	vadd.s32 v22, v35  }
0x128: {  	[tilespmem:v5+s20+$0x0] =	vst.idx.msk $0xffff, v3;
	v3 =	vld [tilespmem:s14+$0xFFFFFEE0];
	v5 =	vadd.s32 v26, v36  }
0x129: {  	v49 =	vadd.s32 v30, v37;
	[tilespmem:v7+s20+$0x0] =	vst.idx.msk $0xffff, v6;
	v6 =	vld [tilespmem:s14+$0xFFFFFF20]  }
0x12a: {  	[tilespmem:v8+s20+$0x0] =	vst.idx.msk $0xffff, v0;
	v0 =	vld [tilespmem:s14+$0xA0];
	v8 =	vadd.s32 v22, v43  }
0x12b: {  	[tilespmem:v53+s20+$0x0] =	vst.idx.msk $0xffff, v52;
	v52 =	vld [tilespmem:s14+$0xE0];
	v53 =	vadd.s32 v26, v44  }
0x12c: {  	[tilespmem:v63+s20+$0x0] =	vst.idx.msk $0xffff, v2;
	v2 =	vld [tilespmem:s14+$0xFFFFFFE0];
	v63 =	vadd.s32 v50, v40  }
0x12d: {  	[tilespmem:v5+s20+$0x0] =	vst.idx.msk $0xffff, v3;
	v3 =	vld [tilespmem:s14+$0x20];
	v5 =	vadd.s32 v14, v41  }
0x12e: {  	v48 =	vld [tilespmem:s14+$0x60];
	[tilespmem:v49+s20+$0x0] =	vst.idx.msk $0xffff, v6;
	v49 =	vadd.s32 v18, v42  }
0x12f: {  	v7 =	vadd.s32 v24, v47;
	v6 =	vld [tilespmem:s14+$0x1A0];
	[tilespmem:v8+s20+$0x0] =	vst.idx.msk $0xffff, v0  }
0x130: {  	[tilespmem:v53+s20+$0x0] =	vst.idx.msk $0xffff, v52;
	v52 =	vld [tilespmem:s14+$0xFFFFFEB0];
	v53 =	vadd.s32 v23, v35  }
0x131: {  	[tilespmem:v63+s20+$0x0] =	vst.idx.msk $0xffff, v2  }
0x132: {  	v2 =	vld [tilespmem:s14+$0x120];
	v63 =	vadd.s32 v30, v45;
	[tilespmem:v5+s20+$0x0] =	vst.idx.msk $0xffff, v3  }
0x133: {  	v43 =	vadd.s32 v23, v43;
	v3 =	vld [tilespmem:s14+$0x160];
	v5 =	vadd.s32 v16, v46;
	[tilespmem:v49+s20+$0x0] =	vst.idx.msk $0xffff, v48  }
0x134: {  	v11 =	vld [tilespmem:s14+$0xFFFFFE20];
	v48 =	vadd.s32 v14, v34;
	v49 =	vadd.s32 v19, v33;
	[tilespmem:v7+s20+$0x0] =	vst.idx.msk $0xffff, v6  }
0x135: {  	v0 =	vld [tilespmem:s14+$0xFFFFFE70];
	v33 =	vadd.s32 v31, v37;
	v37 =	vadd.s32 v17, v39;
	[tilespmem:v53+s20+$0x0] =	vst.idx.msk $0xffff, v52  }
0x136: {  	v39 =	vadd.s32 v21, v40;
	v40 =	vadd.s32 v15, v41;
	v41 =	vadd.s32 v19, v42;
	v42 =	vld [tilespmem:s14+$0xB0]  }
0x137: {  	[tilespmem:v63+s20+$0x0] =	vst.idx.msk $0xffff, v2;
	v2 =	vld [tilespmem:s14+$0xFFFFFEF0];
	v63 =	vadd.s32 v27, v36  }
0x138: {  	[tilespmem:v5+s20+$0x0] =	vst.idx.msk $0xffff, v3;
	v3 =	vld [tilespmem:s14+$0xFFFFFF30]  }
0x139: {  	v35 =	vld [tilespmem:s14+$0xFFFFFF70];
	v36 =	vadd.s32 v20, v38;
	[tilespmem:v48+s20+$0x0] =	vst.idx.msk $0xffff, v11  }
0x13a: {  	v38 =	vld [tilespmem:s14+$0xFFFFFFF0];
	[tilespmem:v49+s20+$0x0] =	vst.idx.msk $0xffff, v0  }
0x13b: {  	v0 =	vld [tilespmem:s14+$0xFFFFFFB0];
	[tilespmem:v43+s20+$0x0] =	vst.idx.msk $0xffff, v42  }
0x13c: {  	[tilespmem:v63+s20+$0x0] =	vst.idx.msk $0xffff, v2;
	v2 =	vld [tilespmem:s14+$0x30]  }
0x13d: {  	[tilespmem:v33+s20+$0x0] =	vst.idx.msk $0xffff, v3;
	v3 =	vld [tilespmem:s14+$0x70]  }
0x13e: {  	v48 =	vld [tilespmem:s14+$0x130];
	v49 =	vadd.s32 v31, v45;
	[tilespmem:v36+s20+$0x0] =	vst.idx.msk $0xffff, v35  }
0x13f: {  	v11 =	vld [tilespmem:s14+$0xFFFFFE30];
	[tilespmem:v39+s20+$0x0] =	vst.idx.msk $0xffff, v38;
	v63 =	vadd.s32 v15, v34  }
0x140: {  	v44 =	vadd.s32 v27, v44;
	[tilespmem:v37+s20+$0x0] =	vst.idx.msk $0xffff, v0;
	v0 =	vld [tilespmem:s14+$0xF0]  }
0x141: {  	v52 =	vadd.s32 v20, v46;
	[tilespmem:v40+s20+$0x0] =	vst.idx.msk $0xffff, v2;
	v2 =	vld [tilespmem:s14+$0x170]  }
0x142: {  	v53 =	vadd.s32 v17, v47;
	[tilespmem:v41+s20+$0x0] =	vst.idx.msk $0xffff, v3;
	v3 =	vld [tilespmem:s14+$0x1B0]  }
0x143: {  	[tilespmem:v49+s20+$0x0] =	vst.idx.msk $0xffff, v48  }
0x144: {  	[tilespmem:v63+s20+$0x0] =	vst.idx.msk $0xffff, v11  }
0x145: {  	s16 =	sshll.u32 s28, $0x10;
	[tilespmem:v44+s20+$0x0] =	vst.idx.msk $0xffff, v0  }
0x146: {  	s30 =	sor.u32 s9, s16;
	[tilespmem:v52+s20+$0x0] =	vst.idx.msk $0xffff, v2  }
0x147: {  	s25 =	simm.s32 $0x7200;
	s2 =	sadd.s32 s1, s30;
	[tilespmem:v53+s20+$0x0] =	vst.idx.msk $0xffff, v3  }
0x148: {  	[hbm4b:s2+s4] =	stream.linear.scatter [tilespmem:s25], [sflag:$0x3], $0x80, $0x38;
	[tilespmem:$0xB600] =	vst v63  }
0x149: {  	s7 =	simm.s32 $0x7288;
	s14 =	sadd.s32 $0x10, s2  }
0x14a: {  	[hbm4b:s14+s4] =	stream.linear.scatter [tilespmem:s7], [sflag:$0x3], $0x80, $0x38;
	[tilespmem:$0xB600] =	vst v63  }
0x14b: {  	s16 =	sadd.s32 $0x20, s2;
	s14 =	simm.s32 $0x7310  }
0x14c: {  	[hbm4b:s16+s4] =	stream.linear.scatter [tilespmem:s14], [sflag:$0x3], $0x80, $0x38;
	[tilespmem:$0xB600] =	vst v63  }
0x14d: {  	s25 =	simm.s32 $0x7398;
	s7 =	sadd.s32 $0x30, s2  }
0x14e: {  	[hbm4b:s7+s4] =	stream.linear.scatter [tilespmem:s25], [sflag:$0x3], $0x80, $0x38;
	[tilespmem:$0xB600] =	vst v63  }
0x14f: {  	s14 =	simm.s32 $0x7420;
	s16 =	sadd.s32 $0x40, s2  }
0x150: {  	[hbm4b:s16+s4] =	stream.linear.scatter [tilespmem:s14], [sflag:$0x3], $0x80, $0x38;
	[tilespmem:$0xB600] =	vst v63  }
0x151: {  	s0 =	simm.s32 $0x440;
	s25 =	simm.s32 $0x74A8;
	s7 =	sadd.s32 $0x50, s2  }
0x152: {  	[hbm4b:s7+s4] =	stream.linear.scatter [tilespmem:s25], [sflag:$0x3], $0x80, $0x38;
	[tilespmem:$0xB600] =	vst v63  }
0x153: {  	s31 =	simm.s32 $0x2200;
	s16 =	simm.s32 $0x7530;
	s25 =	sadd.s32 $0x60, s2  }
0x154: {  	v21 =	vmov v51;
	v53 =	vmov v54;
	v54 =	vmov v55;
	[hbm4b:s25+s4] =	stream.linear.scatter [tilespmem:s16], [sflag:$0x3], $0x80, $0x38;
	[tilespmem:$0xB600] =	vst v63  }
0x155: {  	v55 =	vmovc v60;
	v60 =	vmovc v17;
	v17 =	vmov v56;
	v56 =	vmov v58;
	v58 =	vmov v50;
	s14 =	sadd.s32 $0x70, s2;
	s2 =	sadd.s32 $0x1000, s2;
	s25 =	simm.s32 $0x75B8  }
.LBB2_5:
0x156: {  	[hbm4b:s14+s4] =	stream.linear.scatter [tilespmem:s25], [sflag:$0x3], $0x80, $0x38;
	[tilespmem:$0xB600] =	vst v63  }
0x157: {  	s14 =	smov.u32 s0;
	s0 =	smov.u32 s31  }
0x158: {  	s16 =	sadd.s32 $0x1100, s31;
	s0 =	sshra.s32 s0, $0x2;
	s25 =	sadd.s32 $0x7200, s14  }
0x159: {  	[hbm4b:s2+s4] =	stream.linear.scatter [tilespmem:s25], [sflag:$0x3], $0x80, $0x38;
	[tilespmem:$0xB600] =	vst v63  }
0x15a: {  	p1 =	sne.s32 s31, $0x7700;
	s31 =	sadd.s32 $0x10, s2;
	s25 =	sadd.s32 $0x7288, s14  }
0x15b: {  	[hbm4b:s31+s4] =	stream.linear.scatter [tilespmem:s25], [sflag:$0x3], $0x80, $0x38;
	[tilespmem:$0xB600] =	vst v63  }
0x15c: {  	s25 =	sadd.s32 $0x7310, s14;
	s31 =	sadd.s32 $0x20, s2  }
0x15d: {  	[hbm4b:s31+s4] =	stream.linear.scatter [tilespmem:s25], [sflag:$0x3], $0x80, $0x38;
	[tilespmem:$0xB600] =	vst v63  }
0x15e: {  	s25 =	sadd.s32 $0x7398, s14;
	s31 =	sadd.s32 $0x30, s2  }
0x15f: {  	[hbm4b:s31+s4] =	stream.linear.scatter [tilespmem:s25], [sflag:$0x3], $0x80, $0x38;
	[tilespmem:$0xB600] =	vst v63  }
0x160: {  	s25 =	sadd.s32 $0x7420, s14;
	s31 =	sadd.s32 $0x40, s2  }
0x161: {  	[hbm4b:s31+s4] =	stream.linear.scatter [tilespmem:s25], [sflag:$0x3], $0x80, $0x38;
	[tilespmem:$0xB600] =	vst v63  }
0x162: {  	s25 =	sadd.s32 $0x74A8, s14;
	s31 =	sadd.s32 $0x50, s2  }
0x163: {  	[hbm4b:s31+s4] =	stream.linear.scatter [tilespmem:s25], [sflag:$0x3], $0x80, $0x38;
	[tilespmem:$0xB600] =	vst v63  }
.Ltmp3:
0x164: {  	_ = 	snop;
	(pc) =	sbr.rel @p1 .LBB2_5-.Ltmp3, $4  }
0x165: {  	s25 =	sadd.s32 $0x7530, s14;
	s31 =	sadd.s32 $0x60, s2  }
0x166: {  	[hbm4b:s31+s4] =	stream.linear.scatter [tilespmem:s25], [sflag:$0x3], $0x80, $0x38;
	[tilespmem:$0xB600] =	vst v63  }
0x167: {  	s25 =	sadd.s32 $0x75B8, s14  }
0x168: {  	s14 =	sadd.s32 $0x70, s2;
	s2 =	sadd.s32 $0x1000, s2;
	s31 =	smov.u32 s16  }
0x169: {  	[hbm4b:s14+s4] =	stream.linear.scatter [tilespmem:s25], [sflag:$0x3], $0x80, $0x38;
	[tilespmem:$0xB600] =	vst v63  }
0x16a: {  	s16 =	sadd.s32 $0x7200, s0  }
0x16b: {  	[hbm4b:s2+s4] =	stream.linear.scatter [tilespmem:s16], [sflag:$0x3], $0x80, $0x38;
	[tilespmem:$0xB600] =	vst v63  }
0x16c: {  	s25 =	sadd.s32 $0x7288, s0;
	s16 =	sadd.s32 $0x10, s2  }
0x16d: {  	[hbm4b:s16+s4] =	stream.linear.scatter [tilespmem:s25], [sflag:$0x3], $0x80, $0x38;
	[tilespmem:$0xB600] =	vst v63  }
0x16e: {  	s31 =	sadd.s32 $0x7310, s0;
	s7 =	sadd.s32 $0x20, s2  }
0x16f: {  	[hbm4b:s7+s4] =	stream.linear.scatter [tilespmem:s31], [sflag:$0x3], $0x80, $0x38;
	[tilespmem:$0xB600] =	vst v63  }
0x170: {  	s16 =	sadd.s32 $0x7398, s0;
	s25 =	sadd.s32 $0x30, s2  }
0x171: {  	[hbm4b:s25+s4] =	stream.linear.scatter [tilespmem:s16], [sflag:$0x3], $0x80, $0x38;
	[tilespmem:$0xB600] =	vst v63  }
0x172: {  	s31 =	sadd.s32 $0x7420, s0;
	s7 =	sadd.s32 $0x40, s2  }
0x173: {  	[hbm4b:s7+s4] =	stream.linear.scatter [tilespmem:s31], [sflag:$0x3], $0x80, $0x38;
	[tilespmem:$0xB600] =	vst v63  }
0x174: {  	p1 =	sne.s32 s28, $0x18;
	s16 =	sadd.s32 $0x74A8, s0;
	s25 =	sadd.s32 $0x50, s2  }
0x175: {  	[hbm4b:s25+s4] =	stream.linear.scatter [tilespmem:s16], [sflag:$0x3], $0x80, $0x38;
	[tilespmem:$0xB600] =	vst v63  }
.Ltmp4:
0x176: {  	_ = 	snop;
	(pc) =	sbr.rel @p1 .LBB2_8-.Ltmp4, $4  }
0x177: {  	s31 =	sadd.s32 $0x7530, s0;
	s7 =	sadd.s32 $0x60, s2  }
0x178: {  	[hbm4b:s7+s4] =	stream.linear.scatter [tilespmem:s31], [sflag:$0x3], $0x80, $0x38;
	[tilespmem:$0xB600] =	vst v63  }
0x179: {  	s25 =	sadd.s32 $0x75B8, s0;
	s31 =	sadd.s32 $0x70, s2  }
0x17a: {  	[hbm4b:s31+s4] =	stream.linear.scatter [tilespmem:s25], [sflag:$0x3], $0x80, $0x38;
	[tilespmem:$0xB600] =	vst v63  }
.Ltmp5:
0x17b: {  	(pc) =	sbr.rel .LBB2_9-.Ltmp5, $4  }
0x17c: {  	_ = 	snop  }
0x17d: {  	_ =	swait.ge [sflag:s21], $0x2000  }
0x17e: {  	[sflag:s21] =	ssyncset.done $0x0  }
0x17f: {  	[sflag:s21] =	ssyncadd.s32 $0xFFFFE000  }
.LBB2_8:
0x180: {  	s0 =	sshrl.u32 s29, $0x2  }
.Ltmp6:
0x181: {  	s0 =	sadd.s32 $0x100, s0;
	(pc) =	sbr.rel @p0 .LBB2_10-.Ltmp6, $4  }
0x182: {  	[tilespmem:s17], [sflag:$0x1] =	stream.indirect.gather [hbm4b:s5+s13], $0x40, s0, s13, $0xb8;
	[tilespmem:$0xB600] =	vst v63  }
0x183: {  	_ =	swait.ge [sflag:s21], $0x2000  }
0x184: {  	[sflag:s21] =	ssyncset.done $0x0  }
0x185: {  	[sflag:s21] =	ssyncadd.s32 $0xFFFFE000  }
.LBB2_9:
0x186: {  	_ =	swait.ge [sflag:s22], $0x2000  }
0x187: {  	[sflag:s22] =	ssyncset.done $0x0  }
0x188: {  	[sflag:s22] =	ssyncadd.s32 $0xFFFFE000  }
.LBB2_10:
0x189: {  	s0 =	simm.s32 $0x0;
	s2 =	simm.s32 $0x1  }
0x18a: {  	s7 =	simm.s32 $0x2;
	s14 =	simm.s32 $0x4;
	s16 =	simm.s32 $0x5;
	v0 =	vmov s0;
	v2 =	vmov s2  }
0x18b: {  	s25 =	simm.s32 $0x6;
	s2 =	simm.s32 $0x3;
	v3 =	vmov s7;
	v5 =	vmov s14;
	v6 =	vmov s16  }
0x18c: {  	s7 =	simm.s32 $0x7;
	v7 =	vmov s25;
	s16 =	simm.s32 $0x8;
	s25 =	simm.s32 $0x9;
	v0 =	vshrl.u32 v0, $0x3;
	v4 =	vmov s2  }
0x18d: {  	v8 =	vmov s7;
	v9 =	vmov s16;
	v10 =	vmov s25;
	s16 =	simm.s32 $0xB  }
0x18e: {  	v2 =	vshrl.u32 v2, $0x3;
	v3 =	vshrl.u32 v3, $0x3;
	v34 =	vmov s16;
	s16 =	simm.s32 $0xF  }
0x18f: {  	s7 =	simm.s32 $0xA;
	v5 =	vshrl.u32 v5, $0x3;
	v6 =	vshrl.u32 v6, $0x3;
	v33 =	vmov s16  }
0x190: {  	s25 =	simm.s32 $0xC;
	v7 =	vshrl.u32 v7, $0x3;
	v11 =	vmov s7;
	v33 =	vshrl.u32 v33, $0x3  }
0x191: {  	v35 =	vmov s25;
	v0 =	vshll.u32 v0, v1;
	v33 =	vshll.u32 v33, v1  }
0x192: {  	v4 =	vshrl.u32 v4, $0x3;
	v8 =	vshrl.u32 v8, $0x3;
	v48 =	vbroadcast v33, $0x0  }
0x193: {  	s31 =	simm.s32 $0x5400;
	v9 =	vshrl.u32 v9, $0x3;
	v33 =	vbroadcast v0, $0x0;
	v0 =	vshll.u32 v2, v1  }
0x194: {  	v2 =	vld [tilespmem:s31+$0x1C0];
	v47 =	vbroadcast v0, $0x0;
	v0 =	vshll.u32 v3, v1;
	v3 =	vadd.s32 v17, v48  }
0x195: {  	v38 =	vld [tilespmem:s31+$0xFFFFFE00];
	v41 =	vadd.s32 v12, v33;
	v46 =	vbroadcast v0, $0x0;
	v0 =	vshll.u32 v4, v1  }
0x196: {  	v4 =	vld [tilespmem:s31+$0xFFFFFE40];
	v42 =	vadd.s32 v57, v47;
	v45 =	vbroadcast v0, $0x0;
	v0 =	vshll.u32 v5, v1  }
0x197: {  	v63 =	vld [tilespmem:s31+$0xFFFFFE80];
	v10 =	vshrl.u32 v10, $0x3;
	v43 =	vadd.s32 v53, v46;
	v39 =	vbroadcast v0, $0x0  }
0x198: {  	v6 =	vshll.u32 v6, v1;
	v0 =	vshrl.u32 v34, $0x3;
	v34 =	vld [tilespmem:s31+$0xFFFFFEC0];
	v44 =	vadd.s32 v59, v45  }
0x199: {  	v49 =	vld [tilespmem:s31+$0xFFFFFF00];
	v52 =	vshll.u32 v7, v1;
	v40 =	vbroadcast v6, $0x0;
	v50 =	vadd.s32 v61, v39;
	[tilespmem:v3+s23+$0x0] =	vst.idx.msk $0xffff, v2  }
0x19a: {  	v6 =	vadd.s32 v56, v48;
	[tilespmem:v41+s23+$0x0] =	vst.idx.msk $0xffff, v38;
	v38 =	vbroadcast v52, $0x0;
	v2 =	vshll.u32 v8, v1;
	v3 =	vld [tilespmem:s31+$0x1D0]  }
0x19b: {  	v7 =	vadd.s32 v54, v40;
	[tilespmem:v42+s23+$0x0] =	vst.idx.msk $0xffff, v4;
	v4 =	vld [tilespmem:s31+$0xFFFFFF40];
	v41 =	vbroadcast v2, $0x0;
	v2 =	vshll.u32 v9, v1  }
0x19c: {  	v5 =	vld [tilespmem:s31+$0xFFFFFF80];
	[tilespmem:v43+s23+$0x0] =	vst.idx.msk $0xffff, v63;
	v63 =	vadd.s32 v55, v38;
	v42 =	vbroadcast v2, $0x0;
	v2 =	vshll.u32 v10, v1  }
0x19d: {  	s7 =	simm.s32 $0xD;
	v11 =	vshrl.u32 v11, $0x3;
	v9 =	vld [tilespmem:s31+$0xFFFFFFC0];
	[tilespmem:v44+s23+$0x0] =	vst.idx.msk $0xffff, v34;
	v10 =	vadd.s32 v17, v41;
	v43 =	vbroadcast v2, $0x0  }
0x19e: {  	v36 =	vmov s7;
	v11 =	vshll.u32 v11, v1;
	[tilespmem:v50+s23+$0x0] =	vst.idx.msk $0xffff, v49;
	v49 =	vld [tilespmem:s31+$0x0];
	v50 =	vadd.s32 v12, v42  }
0x19f: {  	v51 =	vld [tilespmem:s31+$0x40];
	v35 =	vshrl.u32 v35, $0x3;
	v44 =	vbroadcast v11, $0x0;
	v52 =	vadd.s32 v57, v43;
	[tilespmem:v6+s23+$0x0] =	vst.idx.msk $0xffff, v3  }
0x1a0: {  	v0 =	vshll.u32 v0, v1;
	v2 =	vshrl.u32 v36, $0x3;
	[tilespmem:v7+s23+$0x0] =	vst.idx.msk $0xffff, v4;
	v4 =	vadd.s32 v58, v48;
	v3 =	vld [tilespmem:s31+$0x1E0]  }
0x1a1: {  	s14 =	simm.s32 $0xE;
	v34 =	vbroadcast v0, $0x0;
	v0 =	vshll.u32 v35, v1;
	[tilespmem:v63+s23+$0x0] =	vst.idx.msk $0xffff, v5;
	v5 =	vld [tilespmem:s31+$0x80];
	v63 =	vadd.s32 v53, v44  }
0x1a2: {  	v37 =	vmov s14;
	v35 =	vbroadcast v0, $0x0;
	v0 =	vshll.u32 v2, v1;
	[tilespmem:v10+s23+$0x0] =	vst.idx.msk $0xffff, v9  }
0x1a3: {  	v37 =	vshrl.u32 v37, $0x3;
	v2 =	vld [tilespmem:s31+$0xC0];
	v36 =	vbroadcast v0, $0x0;
	v7 =	vadd.s32 v59, v34;
	[tilespmem:v50+s23+$0x0] =	vst.idx.msk $0xffff, v49  }
0x1a4: {  	v8 =	vld [tilespmem:s31+$0x100];
	v0 =	vshll.u32 v37, v1;
	v9 =	vadd.s32 v61, v35;
	[tilespmem:v52+s23+$0x0] =	vst.idx.msk $0xffff, v51  }
0x1a5: {  	v37 =	vbroadcast v0, $0x0;
	v0 =	vld [tilespmem:s31+$0x140];
	v53 =	vadd.s32 v54, v36;
	[tilespmem:v4+s23+$0x0] =	vst.idx.msk $0xffff, v3  }
0x1a6: {  	v54 =	vld [tilespmem:s31+$0x180];
	[tilespmem:v63+s23+$0x0] =	vst.idx.msk $0xffff, v5  }
0x1a7: {  	v55 =	vadd.s32 v55, v37;
	v63 =	vld [tilespmem:$0x1FFA0]  }
0x1a8: {  	[tilespmem:v7+s23+$0x0] =	vst.idx.msk $0xffff, v2;
	v2 =	vld [tilespmem:s31+$0xFFFFFE90];
	v7 =	vadd.s32 v21, v46  }
0x1a9: {  	v52 =	vadd.s32 v25, v45;
	[tilespmem:v9+s23+$0x0] =	vst.idx.msk $0xffff, v8;
	v8 =	vld [tilespmem:s31+$0xFFFFFED0]  }
0x1aa: {  	[tilespmem:v53+s23+$0x0] =	vst.idx.msk $0xffff, v0;
	v0 =	vld [tilespmem:s31+$0xFFFFFF10];
	v53 =	vadd.s32 v29, v39  }
0x1ab: {  	v59 =	vadd.s32 v62, v47;
	v5 =	vld [tilespmem:s31+$0xFFFFFE50]  }
0x1ac: {  	[tilespmem:v55+s23+$0x0] =	vst.idx.msk $0xffff, v54;
	v54 =	vld [tilespmem:s31+$0xFFFFFF50];
	v55 =	vadd.s32 v32, v40  }
0x1ad: {  	v3 =	vld [tilespmem:s31+$0x1F0];
	v4 =	vadd.s32 v63, v48;
	[tilespmem:v7+s23+$0x0] =	vst.idx.msk $0xffff, v2  }
0x1ae: {  	v49 =	vadd.s32 v56, v41;
	v2 =	vld [tilespmem:s31+$0xFFFFFFD0];
	[tilespmem:v52+s23+$0x0] =	vst.idx.msk $0xffff, v8  }
0x1af: {  	[tilespmem:v53+s23+$0x0] =	vst.idx.msk $0xffff, v0;
	v0 =	vld [tilespmem:s31+$0x50];
	v52 =	vadd.s32 v62, v43  }
0x1b0: {  	v50 =	vld [tilespmem:s31+$0x10];
	v51 =	vadd.s32 v13, v42;
	[tilespmem:v59+s23+$0x0] =	vst.idx.msk $0xffff, v5  }
0x1b1: {  	[tilespmem:v55+s23+$0x0] =	vst.idx.msk $0xffff, v54;
	v53 =	vld [tilespmem:s31+$0x90];
	v54 =	vadd.s32 v21, v44  }
0x1b2: {  	v59 =	vadd.s32 v28, v38;
	[tilespmem:v4+s23+$0x0] =	vst.idx.msk $0xffff, v3;
	v3 =	vld [tilespmem:s31+$0xFFFFFF90]  }
0x1b3: {  	v56 =	vadd.s32 v29, v35;
	[tilespmem:v49+s23+$0x0] =	vst.idx.msk $0xffff, v2;
	v2 =	vld [tilespmem:s31+$0x110]  }
0x1b4: {  	v8 =	vadd.s32 v28, v37;
	[tilespmem:v52+s23+$0x0] =	vst.idx.msk $0xffff, v0;
	v0 =	vld [tilespmem:s31+$0x190]  }
0x1b5: {  	v11 =	vld [tilespmem:s31+$0xFFFFFE10];
	[tilespmem:v51+s23+$0x0] =	vst.idx.msk $0xffff, v50;
	v52 =	vadd.s32 v13, v33  }
0x1b6: {  	[tilespmem:v54+s23+$0x0] =	vst.idx.msk $0xffff, v53;
	v53 =	vld [tilespmem:s31+$0xFFFFFE60];
	v54 =	vadd.s32 v18, v47  }
0x1b7: {  	v55 =	vadd.s32 v25, v34;
	[tilespmem:v59+s23+$0x0] =	vst.idx.msk $0xffff, v3;
	v3 =	vld [tilespmem:s31+$0xD0]  }
0x1b8: {  	v6 =	vld [tilespmem:s31+$0x150];
	v59 =	vadd.s32 v32, v36;
	[tilespmem:v56+s23+$0x0] =	vst.idx.msk $0xffff, v2  }
0x1b9: {  	v2 =	vld [tilespmem:s31+$0xFFFFFEE0];
	v56 =	vadd.s32 v26, v45;
	[tilespmem:v8+s23+$0x0] =	vst.idx.msk $0xffff, v0  }
0x1ba: {  	v50 =	vadd.s32 v16, v40;
	[tilespmem:v52+s23+$0x0] =	vst.idx.msk $0xffff, v11;
	v0 =	vld [tilespmem:s31+$0xFFFFFF60]  }
0x1bb: {  	[tilespmem:v54+s23+$0x0] =	vst.idx.msk $0xffff, v53;
	v52 =	vadd.s32 v24, v38;
	v51 =	vld [tilespmem:s31+$0xFFFFFFA0]  }
0x1bc: {  	[tilespmem:v55+s23+$0x0] =	vst.idx.msk $0xffff, v3;
	v3 =	vld [tilespmem:s31+$0xFFFFFEA0];
	v55 =	vadd.s32 v22, v46  }
0x1bd: {  	v49 =	vadd.s32 v30, v39;
	[tilespmem:v59+s23+$0x0] =	vst.idx.msk $0xffff, v6;
	v59 =	vld [tilespmem:s31+$0xFFFFFF20]  }
0x1be: {  	v54 =	vadd.s32 v14, v42;
	[tilespmem:v56+s23+$0x0] =	vst.idx.msk $0xffff, v2;
	v2 =	vld [tilespmem:s31+$0x20]  }
0x1bf: {  	v8 =	vadd.s32 v22, v44;
	[tilespmem:v50+s23+$0x0] =	vst.idx.msk $0xffff, v0;
	v0 =	vld [tilespmem:s31+$0xA0]  }
0x1c0: {  	v7 =	vadd.s32 v24, v37;
	v6 =	vld [tilespmem:s31+$0x1A0];
	[tilespmem:v52+s23+$0x0] =	vst.idx.msk $0xffff, v51  }
0x1c1: {  	v53 =	vadd.s32 v58, v41;
	[tilespmem:v55+s23+$0x0] =	vst.idx.msk $0xffff, v3;
	v3 =	vld [tilespmem:s31+$0xFFFFFFE0]  }
0x1c2: {  	v58 =	vadd.s32 v26, v34;
	v9 =	vld [tilespmem:s31+$0xE0];
	[tilespmem:v49+s23+$0x0] =	vst.idx.msk $0xffff, v59  }
0x1c3: {  	v17 =	vmov v62;
	v5 =	vadd.s32 v16, v36;
	v56 =	vadd.s32 v18, v43;
	v55 =	vld [tilespmem:s31+$0x60];
	[tilespmem:v54+s23+$0x0] =	vst.idx.msk $0xffff, v2  }
0x1c4: {  	v28 =	vmov v61;
	v61 =	vadd.s32 v63, v41;
	v62 =	vadd.s32 v15, v42;
	v2 =	vld [tilespmem:s31+$0x160];
	[tilespmem:v8+s23+$0x0] =	vst.idx.msk $0xffff, v0  }
0x1c5: {  	v63 =	vadd.s32 v19, v43;
	v48 =	vld [tilespmem:s31+$0xFFFFFE20];
	v49 =	vadd.s32 v14, v33;
	[tilespmem:v7+s23+$0x0] =	vst.idx.msk $0xffff, v6  }
0x1c6: {  	v4 =	vadd.s32 v30, v35;
	v47 =	vadd.s32 v19, v47;
	[tilespmem:v53+s23+$0x0] =	vst.idx.msk $0xffff, v3;
	v3 =	vld [tilespmem:s31+$0x120]  }
0x1c7: {  	s25 =	simm.s32 $0x10;
	v39 =	vadd.s32 v31, v39;
	v24 =	vmov v60;
	v60 =	vadd.s32 v60, v38;
	v54 =	vld [tilespmem:s31+$0xFFFFFE70];
	[tilespmem:v58+s23+$0x0] =	vst.idx.msk $0xffff, v9  }
0x1c8: {  	s14 =	simm.s32 $0x13;
	s7 =	simm.s32 $0x12;
	v44 =	vadd.s32 v23, v44;
	v59 =	vmov s25;
	v6 =	vld [tilespmem:s31+$0xFFFFFF70];
	v7 =	vadd.s32 v20, v40;
	[tilespmem:v56+s23+$0x0] =	vst.idx.msk $0xffff, v55  }
0x1c9: {  	s16 =	simm.s32 $0x14;
	v0 =	vmov s7;
	v8 =	vmov s14;
	s25 =	simm.s32 $0x15;
	v58 =	vadd.s32 v23, v46;
	v56 =	vld [tilespmem:s31+$0xFFFFFEB0];
	[tilespmem:v5+s23+$0x0] =	vst.idx.msk $0xffff, v2  }
0x1ca: {  	s14 =	simm.s32 $0x17;
	v11 =	vshrl.u32 v59, $0x3;
	v9 =	vmov s16;
	v10 =	vmov s25;
	v2 =	vld [tilespmem:s31+$0xFFFFFF30];
	[tilespmem:v49+s23+$0x0] =	vst.idx.msk $0xffff, v48  }
0x1cb: {  	v52 =	vmov s14;
	s25 =	simm.s32 $0x19;
	v59 =	vadd.s32 v27, v45;
	s14 =	simm.s32 $0x1C;
	v40 =	vshrl.u32 v8, $0x3;
	[tilespmem:v4+s23+$0x0] =	vst.idx.msk $0xffff, v3;
	v4 =	vld [tilespmem:s31+$0xFFFFFEF0]  }
0x1cc: {  	s2 =	simm.s32 $0x11;
	v16 =	vmovc v57;
	v57 =	vld [tilespmem:s31+$0xFFFFFFB0];
	s16 =	simm.s32 $0x18;
	v45 =	vmov s25;
	v51 =	vmov s14;
	v38 =	vshrl.u32 v9, $0x3;
	[tilespmem:v47+s23+$0x0] =	vst.idx.msk $0xffff, v54  }
0x1cd: {  	v43 =	vld [tilespmem:s31+$0xB0];
	s25 =	simm.s32 $0x1E;
	v41 =	vshrl.u32 v10, $0x3;
	v55 =	vmov s2;
	v53 =	vmov s16;
	s2 =	simm.s32 $0x1A;
	[tilespmem:v7+s23+$0x0] =	vst.idx.msk $0xffff, v6  }
0x1ce: {  	s7 =	simm.s32 $0x16;
	s16 =	simm.s32 $0x1D;
	v54 =	vshll.u32 v11, v1;
	v49 =	vmov s25;
	v46 =	vmov s2;
	v42 =	vld [tilespmem:s31+$0x70];
	[tilespmem:v58+s23+$0x0] =	vst.idx.msk $0xffff, v56  }
0x1cf: {  	v48 =	vmov s16;
	v3 =	vmov s7;
	s7 =	simm.s32 $0x1B;
	v58 =	vld [tilespmem:s31+$0xFFFFFFF0];
	v56 =	vshrl.u32 v55, $0x3;
	[tilespmem:v39+s23+$0x0] =	vst.idx.msk $0xffff, v2  }
0x1d0: {  	s0 =	simm.s32 $0x1F;
	s2 =	simm.s32 $0x20;
	v55 =	vshrl.u32 v0, $0x3;
	v50 =	vmov s7;
	v39 =	vshrl.u32 v3, $0x3;
	[tilespmem:v59+s23+$0x0] =	vst.idx.msk $0xffff, v4;
	v59 =	vld [tilespmem:s31+$0x30]  }
.LBB2_11:
0x1d1: {  	v3 =	vld [tilespmem:s31+$0xF0]  }
0x1d2: {  	v6 =	vld [tilespmem:s31+$0x130]  }
0x1d3: {  	v9 =	vld [tilespmem:s31+$0x170]  }
0x1d4: {  	v4 =	vadd.s32 v27, v34;
	v34 =	vld [tilespmem:s31+$0x1B0]  }
0x1d5: {  	v7 =	vadd.s32 v31, v35;
	v35 =	vadd.s32 v24, v37;
	v37 =	vld [tilespmem:s31+$0xFFFFFE30]  }
0x1d6: {  	v0 =	vshrl.u32 v52, $0x3;
	s31 =	sadd.s32 $0x400, s31;
	v52 =	vld [tilespmem:$0x1FFB0]  }
0x1d7: {  	[tilespmem:v44+s23+$0x0] =	vst.idx.msk $0xffff, v43;
	v43 =	vld [tilespmem:s31+$0x1C0]  }
0x1d8: {  	[tilespmem:v62+s23+$0x0] =	vst.idx.msk $0xffff, v59;
	v62 =	vshll.u32 v56, v1;
	v56 =	vld [tilespmem:$0x1FFD0]  }
0x1d9: {  	v2 =	vmov s0;
	[tilespmem:v60+s23+$0x0] =	vst.idx.msk $0xffff, v57;
	v57 =	vld [tilespmem:$0x1FFE0]  }
0x1da: {  	v2 =	vshrl.u32 v2, $0x3;
	[tilespmem:v63+s23+$0x0] =	vst.idx.msk $0xffff, v42;
	v63 =	vshll.u32 v55, v1;
	v55 =	vld [tilespmem:$0x1FF80]  }
0x1db: {  	v2 =	vshll.u32 v2, v1;
	v42 =	vadd.s32 v15, v33;
	v33 =	vbroadcast v54, $0x0;
	v54 =	vld [tilespmem:$0x1FF00]  }
0x1dc: {  	v5 =	vshrl.u32 v53, $0x3;
	v10 =	vadd.s32 v20, v36;
	v2 =	vbroadcast v2, $0x0;
	[tilespmem:v4+s23+$0x0] =	vst.idx.msk $0xffff, v3;
	v3 =	vld [tilespmem:s31+$0xFFFFFE00]  }
0x1dd: {  	v8 =	vshrl.u32 v45, $0x3;
	v11 =	vshrl.u32 v46, $0x3;
	v36 =	vshrl.u32 v50, $0x3;
	[tilespmem:v7+s23+$0x0] =	vst.idx.msk $0xffff, v6;
	v6 =	vld [tilespmem:s31+$0xFFFFFE40]  }
0x1de: {  	[tilespmem:v61+s23+$0x0] =	vst.idx.msk $0xffff, v58;
	v60 =	vshll.u32 v40, v1;
	v45 =	vbroadcast v62, $0x0;
	v44 =	vadd.s32 v52, v2;
	v62 =	vld [tilespmem:s31+$0xFFFFFE80]  }
0x1df: {  	v61 =	vshll.u32 v38, v1;
	v40 =	vbroadcast v60, $0x0;
	[tilespmem:v35+s23+$0x0] =	vst.idx.msk $0xffff, v34;
	v34 =	vld [tilespmem:s31+$0xFFFFFEC0];
	v53 =	vadd.s32 v12, v33  }
0x1e0: {  	v50 =	vshrl.u32 v51, $0x3;
	v38 =	vbroadcast v61, $0x0;
	v60 =	vld [tilespmem:s31+$0xFFFFFF00];
	v7 =	vadd.s32 v16, v45  }
0x1e1: {  	v0 =	vshll.u32 v0, v1;
	v46 =	vbroadcast v63, $0x0;
	[tilespmem:v10+s23+$0x0] =	vst.idx.msk $0xffff, v9;
	v51 =	vld [tilespmem:s31+$0x40];
	v59 =	vadd.s32 v57, v40  }
0x1e2: {  	v47 =	vadd.s32 v28, v38;
	[tilespmem:v42+s23+$0x0] =	vst.idx.msk $0xffff, v37;
	v42 =	vbroadcast v0, $0x0;
	v0 =	vshll.u32 v5, v1;
	v37 =	vld [tilespmem:s31+$0x0]  }
0x1e3: {  	v63 =	vadd.s32 v56, v46;
	[tilespmem:v44+s23+$0x0] =	vst.idx.msk $0xffff, v43;
	v43 =	vbroadcast v0, $0x0;
	v0 =	vshll.u32 v8, v1;
	v8 =	vld [tilespmem:s31+$0xFFFFFFC0]  }
0x1e4: {  	v41 =	vshll.u32 v41, v1;
	v4 =	vadd.s32 v55, v2;
	[tilespmem:v53+s23+$0x0] =	vst.idx.msk $0xffff, v3;
	v3 =	vld [tilespmem:s31+$0x1D0];
	v44 =	vbroadcast v0, $0x0  }
0x1e5: {  	v41 =	vbroadcast v41, $0x0;
	v53 =	vld [tilespmem:$0x1FF40];
	[tilespmem:v7+s23+$0x0] =	vst.idx.msk $0xffff, v6;
	v58 =	vadd.s32 v12, v43  }
0x1e6: {  	v0 =	vshrl.u32 v48, $0x3;
	v48 =	vld [tilespmem:s31+$0x180];
	[tilespmem:v59+s23+$0x0] =	vst.idx.msk $0xffff, v34;
	v59 =	vadd.s32 v16, v44  }
0x1e7: {  	v39 =	vshll.u32 v39, v1;
	v49 =	vshrl.u32 v49, $0x3;
	v61 =	vadd.s32 v54, v41;
	v6 =	vld [tilespmem:s31+$0xFFFFFF40];
	[tilespmem:v47+s23+$0x0] =	vst.idx.msk $0xffff, v60  }
0x1e8: {  	v39 =	vbroadcast v39, $0x0;
	v60 =	vshll.u32 v36, v1;
	v0 =	vshll.u32 v0, v1;
	[tilespmem:v63+s23+$0x0] =	vst.idx.msk $0xffff, v62;
	v62 =	vld [tilespmem:s31+$0xFFFFFF80]  }
0x1e9: {  	v36 =	vbroadcast v0, $0x0;
	v0 =	vshll.u32 v49, v1;
	[tilespmem:v4+s23+$0x0] =	vst.idx.msk $0xffff, v3;
	v3 =	vshll.u32 v50, v1;
	v50 =	vld [tilespmem:$0x1FF90]  }
0x1ea: {  	v63 =	vadd.s32 v53, v39;
	v4 =	vld [tilespmem:s31+$0x1E0];
	[tilespmem:v58+s23+$0x0] =	vst.idx.msk $0xffff, v37;
	v37 =	vbroadcast v0, $0x0  }
0x1eb: {  	v11 =	vshll.u32 v11, v1;
	v0 =	vld [tilespmem:s31+$0x140];
	[tilespmem:v59+s23+$0x0] =	vst.idx.msk $0xffff, v51;
	v59 =	vadd.s32 v54, v36  }
0x1ec: {  	v10 =	vadd.s32 v52, v42;
	v35 =	vbroadcast v3, $0x0;
	v3 =	vld [tilespmem:s31+$0xC0];
	v52 =	vadd.s32 v53, v37  }
0x1ed: {  	v47 =	vbroadcast v11, $0x0;
	v34 =	vbroadcast v60, $0x0;
	[tilespmem:v61+s23+$0x0] =	vst.idx.msk $0xffff, v6;
	v53 =	vld [tilespmem:s31+$0xFFFFFE50];
	v54 =	vadd.s32 v17, v45  }
0x1ee: {  	v60 =	vld [tilespmem:s31+$0xFFFFFF50];
	v61 =	vadd.s32 v50, v2  }
0x1ef: {  	[tilespmem:v63+s23+$0x0] =	vst.idx.msk $0xffff, v62;
	v62 =	vld [tilespmem:s31+$0x80];
	v63 =	vadd.s32 v56, v47;
	v56 =	vadd.s32 v57, v34  }
0x1f0: {  	v58 =	vadd.s32 v28, v35;
	v57 =	vld [tilespmem:s31+$0x100];
	[tilespmem:v59+s23+$0x0] =	vst.idx.msk $0xffff, v0  }
0x1f1: {  	v0 =	vld [tilespmem:s31+$0xFFFFFF10];
	[tilespmem:v52+s23+$0x0] =	vst.idx.msk $0xffff, v48  }
0x1f2: {  	v59 =	vadd.s32 v29, v38;
	[tilespmem:v54+s23+$0x0] =	vst.idx.msk $0xffff, v53;
	v53 =	vld [tilespmem:s31+$0x10]  }
0x1f3: {  	[tilespmem:v61+s23+$0x0] =	vst.idx.msk $0xffff, v4;
	v61 =	vld [tilespmem:$0x1FFA0]  }
0x1f4: {  	[tilespmem:v56+s23+$0x0] =	vst.idx.msk $0xffff, v3;
	v3 =	vld [tilespmem:s31+$0xFFFFFE90];
	v56 =	vadd.s32 v21, v46  }
0x1f5: {  	[tilespmem:v58+s23+$0x0] =	vst.idx.msk $0xffff, v57;
	v57 =	vld [tilespmem:s31+$0xFFFFFED0];
	v58 =	vadd.s32 v25, v40  }
0x1f6: {  	[tilespmem:v63+s23+$0x0] =	vst.idx.msk $0xffff, v62;
	v62 =	vadd.s32 v32, v41;
	v63 =	vld [tilespmem:$0x1FF50]  }
0x1f7: {  	v52 =	vadd.s32 v55, v42;
	v55 =	vadd.s32 v17, v44;
	[tilespmem:v59+s23+$0x0] =	vst.idx.msk $0xffff, v0;
	v0 =	vld [tilespmem:s31+$0x50]  }
0x1f8: {  	[tilespmem:v10+s23+$0x0] =	vst.idx.msk $0xffff, v8;
	v4 =	vld [tilespmem:s31+$0x1F0];
	v2 =	vadd.s32 v61, v2  }
0x1f9: {  	[tilespmem:v56+s23+$0x0] =	vst.idx.msk $0xffff, v3;
	v3 =	vld [tilespmem:s31+$0xFFFFFFD0]  }
0x1fa: {  	v54 =	vadd.s32 v13, v43;
	[tilespmem:v58+s23+$0x0] =	vst.idx.msk $0xffff, v57;
	v56 =	vld [tilespmem:s31+$0x90]  }
0x1fb: {  	[tilespmem:v62+s23+$0x0] =	vst.idx.msk $0xffff, v60;
	v60 =	vld [tilespmem:s31+$0x150];
	v62 =	vadd.s32 v32, v36  }
0x1fc: {  	v57 =	vadd.s32 v21, v47;
	[tilespmem:v55+s23+$0x0] =	vst.idx.msk $0xffff, v0;
	v0 =	vld [tilespmem:s31+$0x190]  }
0x1fd: {  	v51 =	vadd.s32 v63, v39;
	[tilespmem:v2+s23+$0x0] =	vst.idx.msk $0xffff, v4;
	v2 =	vld [tilespmem:s31+$0xFFFFFF90]  }
0x1fe: {  	v59 =	vadd.s32 v29, v35;
	[tilespmem:v52+s23+$0x0] =	vst.idx.msk $0xffff, v3;
	v3 =	vld [tilespmem:s31+$0x110]  }
0x1ff: {  	[tilespmem:v54+s23+$0x0] =	vst.idx.msk $0xffff, v53;
	v53 =	vadd.s32 v13, v33;
	v52 =	vld [tilespmem:s31+$0xFFFFFE10]  }
0x200: {  	v63 =	vadd.s32 v63, v37;
	[tilespmem:v62+s23+$0x0] =	vst.idx.msk $0xffff, v60;
	v60 =	vld [tilespmem:$0x1FF20]  }
0x201: {  	v54 =	vld [tilespmem:s31+$0xFFFFFE60];
	[tilespmem:v57+s23+$0x0] =	vst.idx.msk $0xffff, v56  }
0x202: {  	v58 =	vadd.s32 v25, v34;
	[tilespmem:v51+s23+$0x0] =	vst.idx.msk $0xffff, v2;
	v2 =	vld [tilespmem:s31+$0xD0]  }
0x203: {  	v55 =	vadd.s32 v18, v45;
	[tilespmem:v59+s23+$0x0] =	vst.idx.msk $0xffff, v3;
	v3 =	vld [tilespmem:s31+$0xFFFFFEE0]  }
0x204: {  	v57 =	vadd.s32 v26, v40;
	[tilespmem:v53+s23+$0x0] =	vst.idx.msk $0xffff, v52;
	v52 =	vld [tilespmem:$0x1FF60]  }
0x205: {  	[tilespmem:v63+s23+$0x0] =	vst.idx.msk $0xffff, v0;
	v0 =	vld [tilespmem:s31+$0xFFFFFF60];
	v62 =	vadd.s32 v60, v41  }
0x206: {  	v5 =	vadd.s32 v60, v36;
	v60 =	vadd.s32 v14, v33;
	v48 =	vld [tilespmem:s31+$0xFFFFFE20]  }
0x207: {  	v56 =	vadd.s32 v22, v46;
	[tilespmem:v58+s23+$0x0] =	vst.idx.msk $0xffff, v2;
	v2 =	vld [tilespmem:s31+$0xFFFFFEA0]  }
0x208: {  	[tilespmem:v55+s23+$0x0] =	vst.idx.msk $0xffff, v54;
	v59 =	vadd.s32 v30, v38;
	v58 =	vld [tilespmem:s31+$0xFFFFFF20]  }
0x209: {  	v63 =	vld [tilespmem:s31+$0xFFFFFFA0];
	v53 =	vadd.s32 v52, v39;
	[tilespmem:v57+s23+$0x0] =	vst.idx.msk $0xffff, v3  }
0x20a: {  	v55 =	vadd.s32 v14, v43;
	v3 =	vld [tilespmem:s31+$0x20];
	[tilespmem:v62+s23+$0x0] =	vst.idx.msk $0xffff, v0  }
0x20b: {  	v6 =	vld [tilespmem:s31+$0x1A0];
	v7 =	vadd.s32 v52, v37;
	[tilespmem:v60+s23+$0x0] =	vst.idx.msk $0xffff, v48  }
0x20c: {  	v54 =	vadd.s32 v50, v42;
	[tilespmem:v56+s23+$0x0] =	vst.idx.msk $0xffff, v2;
	v2 =	vld [tilespmem:s31+$0xFFFFFFE0]  }
0x20d: {  	v10 =	vadd.s32 v26, v34;
	v9 =	vld [tilespmem:s31+$0xE0];
	[tilespmem:v59+s23+$0x0] =	vst.idx.msk $0xffff, v58  }
0x20e: {  	v57 =	vadd.s32 v18, v44;
	v56 =	vld [tilespmem:s31+$0x60];
	[tilespmem:v53+s23+$0x0] =	vst.idx.msk $0xffff, v63  }
0x20f: {  	v0 =	vld [tilespmem:s31+$0xA0];
	v58 =	vadd.s32 v22, v47;
	[tilespmem:v55+s23+$0x0] =	vst.idx.msk $0xffff, v3  }
0x210: {  	s14 =	sadd.s32 $0x3, s2;
	v61 =	vadd.s32 v61, v42;
	v3 =	vld [tilespmem:s31+$0x160];
	[tilespmem:v7+s23+$0x0] =	vst.idx.msk $0xffff, v6  }
0x211: {  	v8 =	vmov s14;
	v4 =	vadd.s32 v30, v35;
	v40 =	vadd.s32 v27, v40;
	[tilespmem:v54+s23+$0x0] =	vst.idx.msk $0xffff, v2;
	v2 =	vld [tilespmem:s31+$0x120]  }
0x212: {  	s25 =	sadd.s32 $0x1, s2;
	v62 =	vld [tilespmem:s31+$0xFFFFFE70];
	v60 =	vadd.s32 v24, v39;
	v59 =	vmov s2;
	v63 =	vadd.s32 v19, v45;
	[tilespmem:v10+s23+$0x0] =	vst.idx.msk $0xffff, v9  }
0x213: {  	s16 =	sadd.s32 $0x5, s2;
	s14 =	sadd.s32 $0x4, s2;
	v55 =	vmov s25;
	v6 =	vld [tilespmem:s31+$0xFFFFFF70];
	v7 =	vadd.s32 v20, v41;
	v11 =	vshrl.u32 v59, $0x3;
	[tilespmem:v57+s23+$0x0] =	vst.idx.msk $0xffff, v56  }
0x214: {  	v9 =	vmov s14;
	v10 =	vmov s16;
	v59 =	vadd.s32 v23, v46;
	s14 =	sadd.s32 $0x8, s2;
	s16 =	sadd.s32 $0x9, s2;
	[tilespmem:v58+s23+$0x0] =	vst.idx.msk $0xffff, v0;
	v58 =	vld [tilespmem:s31+$0xFFFFFEB0]  }
0x215: {  	v53 =	vmov s14;
	v45 =	vmov s16;
	s14 =	sadd.s32 $0xC, s2;
	s16 =	sadd.s32 $0xD, s2;
	[tilespmem:v5+s23+$0x0] =	vst.idx.msk $0xffff, v3;
	v3 =	vld [tilespmem:s31+$0xFFFFFF30];
	v5 =	vadd.s32 v31, v38  }
0x216: {  	p0 =	slt.u32 s2, $0x70;
	s7 =	sadd.s32 $0x2, s2;
	v41 =	vshrl.u32 v10, $0x3;
	v51 =	vmov s14;
	v48 =	vmov s16;
	[tilespmem:v4+s23+$0x0] =	vst.idx.msk $0xffff, v2;
	v4 =	vld [tilespmem:s31+$0xFFFFFEF0]  }
.Ltmp7:
0x217: {  	v0 =	vmov s7;
	[tilespmem:v63+s23+$0x0] =	vst.idx.msk $0xffff, v62;
	v57 =	vld [tilespmem:s31+$0xFFFFFFB0];
	v54 =	vshll.u32 v11, v1;
	v56 =	vshrl.u32 v55, $0x3;
	(pc) =	sbr.rel @p0 .LBB2_11-.Ltmp7, $4  }
0x218: {  	s25 =	sadd.s32 $0x6, s2;
	s7 =	sadd.s32 $0x7, s2;
	v62 =	vadd.s32 v15, v43;
	v38 =	vshrl.u32 v9, $0x3;
	v63 =	vadd.s32 v19, v44;
	[tilespmem:v7+s23+$0x0] =	vst.idx.msk $0xffff, v6;
	v42 =	vld [tilespmem:s31+$0x70]  }
0x219: {  	v44 =	vadd.s32 v23, v47;
	v52 =	vmov s7;
	s7 =	sadd.s32 $0xB, s2;
	v43 =	vld [tilespmem:s31+$0xB0];
	v2 =	vmov s25;
	s25 =	sadd.s32 $0xA, s2;
	[tilespmem:v59+s23+$0x0] =	vst.idx.msk $0xffff, v58  }
0x21a: {  	v55 =	vshrl.u32 v0, $0x3;
	v50 =	vmov s7;
	v58 =	vld [tilespmem:s31+$0xFFFFFFF0];
	[tilespmem:v5+s23+$0x0] =	vst.idx.msk $0xffff, v3;
	v46 =	vmov s25;
	s25 =	sadd.s32 $0xE, s2  }
0x21b: {  	s0 =	sadd.s32 $0xF, s2;
	v59 =	vld [tilespmem:s31+$0x30];
	v39 =	vshrl.u32 v2, $0x3;
	s2 =	sadd.s32 $0x10, s2;
	v49 =	vmov s25;
	[tilespmem:v40+s23+$0x0] =	vst.idx.msk $0xffff, v4;
	v40 =	vshrl.u32 v8, $0x3  }
0x21c: {  	_ =	sdelay $0x3  }
0x21d: {  	[tilespmem:v60+s23+$0x0] =	vst.idx.msk $0xffff, v57  }
0x21e: {  	[tilespmem:v63+s23+$0x0] =	vst.idx.msk $0xffff, v42  }
0x21f: {  	v3 =	vld [tilespmem:s31+$0xF0];
	[tilespmem:v44+s23+$0x0] =	vst.idx.msk $0xffff, v43  }
0x220: {  	v4 =	vadd.s32 v27, v34;
	v6 =	vld [tilespmem:s31+$0x130];
	[tilespmem:v61+s23+$0x0] =	vst.idx.msk $0xffff, v58  }
0x221: {  	v7 =	vadd.s32 v31, v35;
	v9 =	vld [tilespmem:s31+$0x170];
	[tilespmem:v62+s23+$0x0] =	vst.idx.msk $0xffff, v59  }
0x222: {  	v2 =	vmov s0;
	v10 =	vadd.s32 v20, v36;
	v60 =	vld [tilespmem:$0x1FFB0]  }
0x223: {  	v8 =	vshrl.u32 v45, $0x3;
	v11 =	vshrl.u32 v46, $0x3;
	v46 =	vld [tilespmem:s31+$0xFFFFFE30];
	v2 =	vshrl.u32 v2, $0x3  }
0x224: {  	v45 =	vadd.s32 v24, v37;
	v34 =	vbroadcast v54, $0x0;
	s14 =	sadd.s32 $0x400, s31;
	v42 =	vld [tilespmem:s31+$0x1B0];
	v2 =	vshll.u32 v2, v1  }
0x225: {  	v37 =	vshll.u32 v56, v1;
	v47 =	vadd.s32 v15, v33;
	v54 =	vld [tilespmem:s14+$0xFFFFFE40];
	v2 =	vbroadcast v2, $0x0;
	[tilespmem:v4+s23+$0x0] =	vst.idx.msk $0xffff, v3  }
0x226: {  	v33 =	vbroadcast v37, $0x0;
	v3 =	vld [tilespmem:s14+$0xFFFFFE00];
	v4 =	vadd.s32 v12, v34;
	[tilespmem:v7+s23+$0x0] =	vst.idx.msk $0xffff, v6  }
0x227: {  	v43 =	vld [tilespmem:s14+$0x1C0];
	[tilespmem:v10+s23+$0x0] =	vst.idx.msk $0xffff, v9;
	v44 =	vadd.s32 v60, v2  }
0x228: {  	v0 =	vshrl.u32 v52, $0x3;
	v52 =	vshll.u32 v55, v1;
	v55 =	vadd.s32 v16, v33;
	v57 =	vld [tilespmem:$0x1FFD0]  }
0x229: {  	[tilespmem:v45+s23+$0x0] =	vst.idx.msk $0xffff, v42  }
0x22a: {  	v59 =	vld [tilespmem:$0x1FFE0];
	[tilespmem:v47+s23+$0x0] =	vst.idx.msk $0xffff, v46  }
0x22b: {  	v35 =	vbroadcast v52, $0x0;
	[tilespmem:v4+s23+$0x0] =	vst.idx.msk $0xffff, v3  }
0x22c: {  	v5 =	vshrl.u32 v53, $0x3;
	v53 =	vshll.u32 v40, v1;
	v58 =	vshll.u32 v41, v1;
	v62 =	vld [tilespmem:s14+$0xFFFFFE80];
	[tilespmem:v44+s23+$0x0] =	vst.idx.msk $0xffff, v43  }
0x22d: {  	v61 =	vshll.u32 v38, v1;
	v38 =	vbroadcast v58, $0x0;
	v63 =	vadd.s32 v57, v35;
	v58 =	vld [tilespmem:$0x1FF80];
	[tilespmem:v55+s23+$0x0] =	vst.idx.msk $0xffff, v54  }
0x22e: {  	v36 =	vbroadcast v53, $0x0;
	v56 =	vld [tilespmem:$0x1FF00]  }
0x22f: {  	v37 =	vbroadcast v61, $0x0;
	v6 =	vld [tilespmem:s14+$0xFFFFFF40]  }
0x230: {  	v42 =	vld [tilespmem:s14+$0xFFFFFEC0];
	v45 =	vadd.s32 v59, v36  }
0x231: {  	v46 =	vld [tilespmem:s14+$0xFFFFFF00];
	v47 =	vadd.s32 v28, v37  }
0x232: {  	v3 =	vld [tilespmem:s14+$0x1D0];
	[tilespmem:v63+s23+$0x0] =	vst.idx.msk $0xffff, v62;
	v4 =	vadd.s32 v58, v2  }
0x233: {  	v55 =	vld [tilespmem:$0x1FF40];
	v61 =	vadd.s32 v56, v38;
	_ =	sdelay $0x1  }
0x234: {  	v39 =	vshll.u32 v39, v1;
	[tilespmem:v45+s23+$0x0] =	vst.idx.msk $0xffff, v42  }
0x235: {  	v39 =	vbroadcast v39, $0x0;
	[tilespmem:v47+s23+$0x0] =	vst.idx.msk $0xffff, v46  }
0x236: {  	v50 =	vshrl.u32 v50, $0x3;
	v0 =	vshll.u32 v0, v1;
	[tilespmem:v4+s23+$0x0] =	vst.idx.msk $0xffff, v3  }
0x237: {  	v40 =	vbroadcast v0, $0x0;
	v0 =	vshll.u32 v5, v1;
	v62 =	vld [tilespmem:s14+$0xFFFFFF80];
	v63 =	vadd.s32 v55, v39;
	[tilespmem:v61+s23+$0x0] =	vst.idx.msk $0xffff, v6  }
0x238: {  	v41 =	vbroadcast v0, $0x0;
	v0 =	vshll.u32 v8, v1;
	v54 =	vshll.u32 v50, v1;
	v50 =	vld [tilespmem:$0x1FF90]  }
0x239: {  	v11 =	vshll.u32 v11, v1;
	v8 =	vld [tilespmem:s14+$0xFFFFFFC0];
	v10 =	vadd.s32 v60, v40;
	v42 =	vbroadcast v0, $0x0  }
0x23a: {  	v43 =	vbroadcast v11, $0x0;
	v0 =	vshrl.u32 v48, $0x3;
	v47 =	vld [tilespmem:s14+$0x0];
	v48 =	vadd.s32 v12, v41  }
0x23b: {  	v52 =	vld [tilespmem:s14+$0x40];
	v53 =	vadd.s32 v16, v42  }
0x23c: {  	[tilespmem:v63+s23+$0x0] =	vst.idx.msk $0xffff, v62;
	v62 =	vld [tilespmem:s14+$0x80];
	v63 =	vadd.s32 v57, v43  }
0x23d: {  	v4 =	vld [tilespmem:s14+$0x1E0];
	v61 =	vadd.s32 v50, v2  }
0x23e: {  	[tilespmem:v10+s23+$0x0] =	vst.idx.msk $0xffff, v8  }
0x23f: {  	[tilespmem:v48+s23+$0x0] =	vst.idx.msk $0xffff, v47  }
0x240: {  	v51 =	vshrl.u32 v51, $0x3;
	[tilespmem:v53+s23+$0x0] =	vst.idx.msk $0xffff, v52  }
0x241: {  	v44 =	vbroadcast v54, $0x0;
	v3 =	vshll.u32 v51, v1;
	[tilespmem:v63+s23+$0x0] =	vst.idx.msk $0xffff, v62  }
0x242: {  	v49 =	vshrl.u32 v49, $0x3;
	v0 =	vshll.u32 v0, v1;
	v45 =	vbroadcast v3, $0x0;
	v3 =	vld [tilespmem:s14+$0xC0];
	[tilespmem:v61+s23+$0x0] =	vst.idx.msk $0xffff, v4  }
0x243: {  	v46 =	vbroadcast v0, $0x0;
	v0 =	vshll.u32 v49, v1;
	v8 =	vadd.s32 v59, v44;
	v61 =	vld [tilespmem:$0x1FFA0]  }
0x244: {  	v9 =	vld [tilespmem:s14+$0x100];
	v47 =	vbroadcast v0, $0x0;
	v10 =	vadd.s32 v28, v45  }
0x245: {  	v11 =	vadd.s32 v56, v46;
	v0 =	vld [tilespmem:s14+$0x140]  }
0x246: {  	v48 =	vld [tilespmem:s14+$0x180];
	v52 =	vadd.s32 v55, v47  }
0x247: {  	v54 =	vadd.s32 v17, v33;
	v53 =	vld [tilespmem:s14+$0xFFFFFE50]  }
0x248: {  	v4 =	vld [tilespmem:s14+$0x1F0];
	[tilespmem:v8+s23+$0x0] =	vst.idx.msk $0xffff, v3;
	v2 =	vadd.s32 v61, v2  }
0x249: {  	[tilespmem:v10+s23+$0x0] =	vst.idx.msk $0xffff, v9  }
0x24a: {  	[tilespmem:v11+s23+$0x0] =	vst.idx.msk $0xffff, v0  }
0x24b: {  	v3 =	vld [tilespmem:s14+$0xFFFFFE90];
	[tilespmem:v52+s23+$0x0] =	vst.idx.msk $0xffff, v48  }
0x24c: {  	v7 =	vadd.s32 v21, v35;
	v8 =	vld [tilespmem:s14+$0xFFFFFED0];
	[tilespmem:v54+s23+$0x0] =	vst.idx.msk $0xffff, v53  }
0x24d: {  	v0 =	vld [tilespmem:s14+$0xFFFFFF10];
	v10 =	vadd.s32 v29, v37;
	[tilespmem:v2+s23+$0x0] =	vst.idx.msk $0xffff, v4  }
0x24e: {  	v9 =	vadd.s32 v25, v36;
	v53 =	vld [tilespmem:$0x1FF50]  }
0x24f: {  	v62 =	vadd.s32 v32, v38;
	v11 =	vld [tilespmem:s14+$0xFFFFFF50]  }
0x250: {  	v51 =	vadd.s32 v13, v41;
	v49 =	vld [tilespmem:s14+$0x10]  }
0x251: {  	v5 =	vadd.s32 v58, v40;
	[tilespmem:v7+s23+$0x0] =	vst.idx.msk $0xffff, v3;
	v3 =	vld [tilespmem:s14+$0xFFFFFFD0]  }
0x252: {  	v52 =	vadd.s32 v17, v42;
	[tilespmem:v10+s23+$0x0] =	vst.idx.msk $0xffff, v0;
	v0 =	vld [tilespmem:s14+$0x50]  }
0x253: {  	v2 =	vld [tilespmem:s14+$0xFFFFFF90];
	[tilespmem:v9+s23+$0x0] =	vst.idx.msk $0xffff, v8;
	v63 =	vadd.s32 v53, v39  }
0x254: {  	v54 =	vld [tilespmem:s14+$0x90];
	[tilespmem:v62+s23+$0x0] =	vst.idx.msk $0xffff, v11;
	v62 =	vadd.s32 v21, v43  }
0x255: {  	v6 =	vld [tilespmem:s14+$0x150];
	[tilespmem:v51+s23+$0x0] =	vst.idx.msk $0xffff, v49;
	v7 =	vadd.s32 v32, v46  }
0x256: {  	[tilespmem:v5+s23+$0x0] =	vst.idx.msk $0xffff, v3;
	v3 =	vld [tilespmem:s14+$0x110];
	v5 =	vadd.s32 v29, v45  }
0x257: {  	[tilespmem:v52+s23+$0x0] =	vst.idx.msk $0xffff, v0;
	v0 =	vld [tilespmem:s14+$0x190];
	v8 =	vadd.s32 v53, v47  }
0x258: {  	[tilespmem:v63+s23+$0x0] =	vst.idx.msk $0xffff, v2;
	v2 =	vld [tilespmem:s14+$0xD0];
	v63 =	vadd.s32 v25, v44  }
0x259: {  	v11 =	vld [tilespmem:s14+$0xFFFFFE10];
	v52 =	vadd.s32 v13, v34;
	[tilespmem:v62+s23+$0x0] =	vst.idx.msk $0xffff, v54  }
0x25a: {  	v54 =	vld [tilespmem:s14+$0xFFFFFE60];
	v62 =	vadd.s32 v18, v33;
	[tilespmem:v7+s23+$0x0] =	vst.idx.msk $0xffff, v6  }
0x25b: {  	v6 =	vld [tilespmem:s14+$0xFFFFFF20];
	[tilespmem:v5+s23+$0x0] =	vst.idx.msk $0xffff, v3  }
0x25c: {  	v3 =	vld [tilespmem:s14+$0xFFFFFEE0];
	v5 =	vadd.s32 v26, v36;
	[tilespmem:v8+s23+$0x0] =	vst.idx.msk $0xffff, v0  }
0x25d: {  	[tilespmem:v63+s23+$0x0] =	vst.idx.msk $0xffff, v2;
	v2 =	vld [tilespmem:s14+$0xFFFFFEA0];
	v63 =	vadd.s32 v22, v35  }
0x25e: {  	v51 =	vadd.s32 v18, v42;
	v48 =	vld [tilespmem:s14+$0x60];
	[tilespmem:v52+s23+$0x0] =	vst.idx.msk $0xffff, v11  }
0x25f: {  	v49 =	vld [tilespmem:$0x1FF20];
	[tilespmem:v62+s23+$0x0] =	vst.idx.msk $0xffff, v54  }
0x260: {  	v7 =	vadd.s32 v30, v37;
	v54 =	vld [tilespmem:$0x1FF60]  }
0x261: {  	[tilespmem:v5+s23+$0x0] =	vst.idx.msk $0xffff, v3;
	v3 =	vld [tilespmem:s14+$0x20];
	v5 =	vadd.s32 v14, v41  }
0x262: {  	[tilespmem:v63+s23+$0x0] =	vst.idx.msk $0xffff, v2;
	v2 =	vld [tilespmem:s14+$0xFFFFFFE0];
	v63 =	vadd.s32 v50, v40  }
0x263: {  	v11 =	vld [tilespmem:s14+$0xFFFFFE20];
	[tilespmem:v51+s23+$0x0] =	vst.idx.msk $0xffff, v48;
	v48 =	vadd.s32 v14, v34  }
0x264: {  	v0 =	vld [tilespmem:s14+$0xFFFFFF60];
	v8 =	vadd.s32 v49, v38  }
0x265: {  	v9 =	vld [tilespmem:s14+$0xFFFFFFA0];
	[tilespmem:v7+s23+$0x0] =	vst.idx.msk $0xffff, v6;
	v62 =	vadd.s32 v54, v39  }
0x266: {  	[tilespmem:v5+s23+$0x0] =	vst.idx.msk $0xffff, v3;
	v3 =	vld [tilespmem:s14+$0x160];
	v5 =	vadd.s32 v49, v46  }
0x267: {  	[tilespmem:v63+s23+$0x0] =	vst.idx.msk $0xffff, v2;
	v2 =	vld [tilespmem:s14+$0x120];
	v63 =	vadd.s32 v30, v45  }
0x268: {  	v6 =	vld [tilespmem:s14+$0x1A0];
	v7 =	vadd.s32 v54, v47;
	[tilespmem:v48+s23+$0x0] =	vst.idx.msk $0xffff, v11  }
0x269: {  	[tilespmem:v8+s23+$0x0] =	vst.idx.msk $0xffff, v0;
	v0 =	vld [tilespmem:s14+$0xA0];
	v8 =	vadd.s32 v22, v43  }
0x26a: {  	v52 =	vld [tilespmem:s14+$0xE0];
	[tilespmem:v62+s23+$0x0] =	vst.idx.msk $0xffff, v9;
	v62 =	vadd.s32 v26, v44  }
0x26b: {  	v51 =	vadd.s32 v19, v33;
	v33 =	vadd.s32 v31, v37;
	[tilespmem:v5+s23+$0x0] =	vst.idx.msk $0xffff, v3;
	v3 =	vld [tilespmem:s14+$0xFFFFFF30]  }
0x26c: {  	v37 =	vadd.s32 v24, v39;
	[tilespmem:v63+s23+$0x0] =	vst.idx.msk $0xffff, v2;
	v2 =	vld [tilespmem:s14+$0xFFFFFEF0];
	v63 =	vadd.s32 v27, v36  }
0x26d: {  	v39 =	vadd.s32 v61, v40;
	[tilespmem:v7+s23+$0x0] =	vst.idx.msk $0xffff, v6;
	v36 =	vadd.s32 v20, v38;
	v38 =	vld [tilespmem:s14+$0xFFFFFFF0]  }
0x26e: {  	[tilespmem:v8+s23+$0x0] =	vst.idx.msk $0xffff, v0;
	v0 =	vld [tilespmem:s14+$0xFFFFFE70]  }
0x26f: {  	[tilespmem:v62+s23+$0x0] =	vst.idx.msk $0xffff, v52;
	v52 =	vld [tilespmem:s14+$0xFFFFFEB0];
	v62 =	vadd.s32 v23, v35  }
0x270: {  	v35 =	vld [tilespmem:s14+$0xFFFFFF70];
	[tilespmem:v33+s23+$0x0] =	vst.idx.msk $0xffff, v3  }
0x271: {  	v40 =	vadd.s32 v15, v41;
	v41 =	vadd.s32 v19, v42;
	v3 =	vld [tilespmem:s14+$0x70];
	[tilespmem:v63+s23+$0x0] =	vst.idx.msk $0xffff, v2  }
0x272: {  	v43 =	vadd.s32 v23, v43;
	v42 =	vld [tilespmem:s14+$0xB0];
	[tilespmem:v39+s23+$0x0] =	vst.idx.msk $0xffff, v38  }
0x273: {  	v2 =	vld [tilespmem:s14+$0x30];
	[tilespmem:v51+s23+$0x0] =	vst.idx.msk $0xffff, v0  }
0x274: {  	v0 =	vld [tilespmem:s14+$0xFFFFFFB0];
	[tilespmem:v62+s23+$0x0] =	vst.idx.msk $0xffff, v52  }
0x275: {  	v11 =	vld [tilespmem:s14+$0xFFFFFE30];
	v63 =	vadd.s32 v15, v34;
	[tilespmem:v36+s23+$0x0] =	vst.idx.msk $0xffff, v35  }
0x276: {  	v48 =	vld [tilespmem:s14+$0x130];
	v51 =	vadd.s32 v31, v45;
	[tilespmem:v41+s23+$0x0] =	vst.idx.msk $0xffff, v3  }
0x277: {  	v3 =	vld [tilespmem:s14+$0x1B0];
	v62 =	vadd.s32 v24, v47;
	[tilespmem:v43+s23+$0x0] =	vst.idx.msk $0xffff, v42  }
0x278: {  	v52 =	vadd.s32 v20, v46;
	[tilespmem:v40+s23+$0x0] =	vst.idx.msk $0xffff, v2;
	v2 =	vld [tilespmem:s14+$0x170]  }
0x279: {  	v44 =	vadd.s32 v27, v44;
	[tilespmem:v37+s23+$0x0] =	vst.idx.msk $0xffff, v0;
	v0 =	vld [tilespmem:s14+$0xF0]  }
0x27a: {  	[tilespmem:v63+s23+$0x0] =	vst.idx.msk $0xffff, v11  }
0x27b: {  	[tilespmem:v51+s23+$0x0] =	vst.idx.msk $0xffff, v48  }
0x27c: {  	[tilespmem:v62+s23+$0x0] =	vst.idx.msk $0xffff, v3  }
0x27d: {  	[tilespmem:v52+s23+$0x0] =	vst.idx.msk $0xffff, v2  }
0x27e: {  	s2 =	sadd.s32 s30, s10;
	s16 =	simm.s32 $0x9400;
	[tilespmem:v44+s23+$0x0] =	vst.idx.msk $0xffff, v0  }
0x27f: {  	[hbm4b:s2+s4] =	stream.linear.scatter [tilespmem:s16], [sflag:$0x4], $0x80, $0x38;
	[tilespmem:$0xB600] =	vst v63  }
0x280: {  	s25 =	simm.s32 $0x9488;
	s14 =	sadd.s32 $0x10, s2  }
0x281: {  	[hbm4b:s14+s4] =	stream.linear.scatter [tilespmem:s25], [sflag:$0x4], $0x80, $0x38;
	[tilespmem:$0xB600] =	vst v63  }
0x282: {  	s31 =	simm.s32 $0x9510;
	s7 =	sadd.s32 $0x20, s2  }
0x283: {  	[hbm4b:s7+s4] =	stream.linear.scatter [tilespmem:s31], [sflag:$0x4], $0x80, $0x38;
	[tilespmem:$0xB600] =	vst v63  }
0x284: {  	s16 =	simm.s32 $0x9598;
	s25 =	sadd.s32 $0x30, s2  }
0x285: {  	[hbm4b:s25+s4] =	stream.linear.scatter [tilespmem:s16], [sflag:$0x4], $0x80, $0x38;
	[tilespmem:$0xB600] =	vst v63  }
0x286: {  	s31 =	simm.s32 $0x9620;
	s7 =	sadd.s32 $0x40, s2  }
0x287: {  	[hbm4b:s7+s4] =	stream.linear.scatter [tilespmem:s31], [sflag:$0x4], $0x80, $0x38;
	[tilespmem:$0xB600] =	vst v63  }
0x288: {  	s0 =	simm.s32 $0x440;
	s14 =	simm.s32 $0x96A8;
	s16 =	sadd.s32 $0x50, s2  }
0x289: {  	[hbm4b:s16+s4] =	stream.linear.scatter [tilespmem:s14], [sflag:$0x4], $0x80, $0x38;
	[tilespmem:$0xB600] =	vst v63  }
0x28a: {  	s30 =	simm.s32 $0x2200;
	v19 =	vmov v32;
	s25 =	simm.s32 $0x9730;
	s31 =	sadd.s32 $0x60, s2  }
0x28b: {  	v15 =	vmovc v59;
	v63 =	vmovc v13;
	v13 =	vmov v57;
	v57 =	vmov v49;
	v62 =	vmov v12;
	[hbm4b:s31+s4] =	stream.linear.scatter [tilespmem:s25], [sflag:$0x4], $0x80, $0x38;
	[tilespmem:$0xB600] =	vst v63  }
0x28c: {  	v12 =	vmovc v56;
	v56 =	vmovc v58;
	v58 =	vmov v50;
	v0 =	vmov v20;
	v20 =	vmov v60;
	s14 =	sadd.s32 $0x70, s2;
	s2 =	sadd.s32 $0x1000, s2;
	s25 =	simm.s32 $0x97B8  }
.LBB2_13:
0x28d: {  	[hbm4b:s14+s4] =	stream.linear.scatter [tilespmem:s25], [sflag:$0x4], $0x80, $0x38;
	[tilespmem:$0xB600] =	vst v63  }
0x28e: {  	s14 =	smov.u32 s0;
	s0 =	smov.u32 s30  }
0x28f: {  	s16 =	sadd.s32 $0x1100, s30;
	s0 =	sshra.s32 s0, $0x2;
	s25 =	sadd.s32 $0x9400, s14  }
0x290: {  	[hbm4b:s2+s4] =	stream.linear.scatter [tilespmem:s25], [sflag:$0x4], $0x80, $0x38;
	[tilespmem:$0xB600] =	vst v63  }
0x291: {  	p0 =	sne.s32 s30, $0x7700;
	s30 =	sadd.s32 $0x10, s2;
	s25 =	sadd.s32 $0x9488, s14  }
0x292: {  	[hbm4b:s30+s4] =	stream.linear.scatter [tilespmem:s25], [sflag:$0x4], $0x80, $0x38;
	[tilespmem:$0xB600] =	vst v63  }
0x293: {  	s25 =	sadd.s32 $0x9510, s14;
	s30 =	sadd.s32 $0x20, s2  }
0x294: {  	[hbm4b:s30+s4] =	stream.linear.scatter [tilespmem:s25], [sflag:$0x4], $0x80, $0x38;
	[tilespmem:$0xB600] =	vst v63  }
0x295: {  	s25 =	sadd.s32 $0x9598, s14;
	s30 =	sadd.s32 $0x30, s2  }
0x296: {  	[hbm4b:s30+s4] =	stream.linear.scatter [tilespmem:s25], [sflag:$0x4], $0x80, $0x38;
	[tilespmem:$0xB600] =	vst v63  }
0x297: {  	s25 =	sadd.s32 $0x9620, s14;
	s30 =	sadd.s32 $0x40, s2  }
0x298: {  	[hbm4b:s30+s4] =	stream.linear.scatter [tilespmem:s25], [sflag:$0x4], $0x80, $0x38;
	[tilespmem:$0xB600] =	vst v63  }
0x299: {  	s25 =	sadd.s32 $0x96A8, s14;
	s30 =	sadd.s32 $0x50, s2  }
0x29a: {  	[hbm4b:s30+s4] =	stream.linear.scatter [tilespmem:s25], [sflag:$0x4], $0x80, $0x38;
	[tilespmem:$0xB600] =	vst v63  }
.Ltmp8:
0x29b: {  	_ = 	snop;
	(pc) =	sbr.rel @p0 .LBB2_13-.Ltmp8, $4  }
0x29c: {  	s25 =	sadd.s32 $0x9730, s14;
	s30 =	sadd.s32 $0x60, s2  }
0x29d: {  	[hbm4b:s30+s4] =	stream.linear.scatter [tilespmem:s25], [sflag:$0x4], $0x80, $0x38;
	[tilespmem:$0xB600] =	vst v63  }
0x29e: {  	s25 =	sadd.s32 $0x97B8, s14  }
0x29f: {  	s14 =	sadd.s32 $0x70, s2;
	s2 =	sadd.s32 $0x1000, s2;
	s30 =	smov.u32 s16  }
0x2a0: {  	[hbm4b:s14+s4] =	stream.linear.scatter [tilespmem:s25], [sflag:$0x4], $0x80, $0x38;
	[tilespmem:$0xB600] =	vst v63  }
0x2a1: {  	s31 =	sadd.s32 $0x9400, s0  }
0x2a2: {  	[hbm4b:s2+s4] =	stream.linear.scatter [tilespmem:s31], [sflag:$0x4], $0x80, $0x38;
	[tilespmem:$0xB600] =	vst v63  }
0x2a3: {  	s7 =	sadd.s32 $0x9488, s0;
	s16 =	sadd.s32 $0x10, s2  }
0x2a4: {  	[hbm4b:s16+s4] =	stream.linear.scatter [tilespmem:s7], [sflag:$0x4], $0x80, $0x38;
	[tilespmem:$0xB600] =	vst v63  }
0x2a5: {  	s25 =	sadd.s32 $0x9510, s0;
	s30 =	sadd.s32 $0x20, s2  }
0x2a6: {  	[hbm4b:s30+s4] =	stream.linear.scatter [tilespmem:s25], [sflag:$0x4], $0x80, $0x38;
	[tilespmem:$0xB600] =	vst v63  }
0x2a7: {  	s31 =	sadd.s32 $0x9598, s0;
	s7 =	sadd.s32 $0x30, s2  }
0x2a8: {  	[hbm4b:s7+s4] =	stream.linear.scatter [tilespmem:s31], [sflag:$0x4], $0x80, $0x38;
	[tilespmem:$0xB600] =	vst v63  }
0x2a9: {  	s25 =	sadd.s32 $0x9620, s0;
	s30 =	sadd.s32 $0x40, s2  }
0x2aa: {  	[hbm4b:s30+s4] =	stream.linear.scatter [tilespmem:s25], [sflag:$0x4], $0x80, $0x38;
	[tilespmem:$0xB600] =	vst v63  }
0x2ab: {  	p0 =	seq.s32 s28, $0x18;
	s31 =	sadd.s32 $0x96A8, s0;
	s7 =	sadd.s32 $0x50, s2  }
0x2ac: {  	[hbm4b:s7+s4] =	stream.linear.scatter [tilespmem:s31], [sflag:$0x4], $0x80, $0x38;
	[tilespmem:$0xB600] =	vst v63  }
.Ltmp9:
0x2ad: {  	_ = 	snop;
	(pc) =	sbr.rel @p0 .LBB2_16-.Ltmp9, $4  }
0x2ae: {  	s16 =	sadd.s32 $0x9730, s0;
	s25 =	sadd.s32 $0x60, s2  }
0x2af: {  	[hbm4b:s25+s4] =	stream.linear.scatter [tilespmem:s16], [sflag:$0x4], $0x80, $0x38;
	[tilespmem:$0xB600] =	vst v63  }
0x2b0: {  	s30 =	sadd.s32 $0x97B8, s0;
	s31 =	sadd.s32 $0x70, s2  }
0x2b1: {  	[hbm4b:s31+s4] =	stream.linear.scatter [tilespmem:s30], [sflag:$0x4], $0x80, $0x38;
	[tilespmem:$0xB600] =	vst v63  }
.Ltmp10:
0x2b2: {  	(pc) =	sbr.rel .LBB2_2-.Ltmp10, $4  }
0x2b3: {  	_ = 	snop  }
0x2b4: {  	s0 =	sshrl.u32 s29, $0x2  }
0x2b5: {  	s28 =	sadd.s32 $0x1, s28;
	s0 =	sadd.s32 $0x180, s0  }
0x2b6: {  	[tilespmem:s18], [sflag:$0x2] =	stream.indirect.gather [hbm4b:s5+s13], $0x40, s0, s13, $0xb8;
	[tilespmem:$0xB600] =	vst v63  }
.LBB2_16:
0x2b7: {  	_ =	swait.ge [sflag:s24], $0x2000  }
0x2b8: {  	[sflag:s24] =	ssyncset.done $0x0  }
0x2b9: {  	[sflag:s24] =	ssyncadd.s32 $0xFFFFE000  }
0x2ba: {  	_ =	swait.ge [sflag:s22], $0x2000  }
0x2bb: {  	[sflag:s22] =	ssyncset.done $0x0  }
0x2bc: {  	s0 =	simm.s32 $0x1900;
	[sflag:s22] =	ssyncadd.s32 $0xFFFFE000  }
0x2bd: {  	[tilespmem:s17], [sflag:$0x1] =	stream.indirect.gather [hbm4b:s6+s13], $0x40, s0, s13, $0xb8;
	[tilespmem:$0xB600] =	vst v63  }
0x2be: {  	s31 =	simm.s32 $0x1980;
	s28 =	simm.s32 $0x0;
	s29 =	simm.s32 $0x0  }
0x2bf: {  	v60 =	vmov v0;
	[tilespmem:s18], [sflag:$0x2] =	stream.indirect.gather [hbm4b:s6+s13], $0x40, s31, s13, $0xb8;
	[tilespmem:$0xB600] =	vst v63  }
.LBB2_17:
0x2c0: {  	v0 =	vmov s28;
	s0 =	simm.s32 $0x1;
	s7 =	simm.s32 $0x2  }
0x2c1: {  	s2 =	simm.s32 $0x3;
	s14 =	simm.s32 $0x4;
	s16 =	simm.s32 $0x5;
	v0 =	vshrl.u32 v0, $0x3;
	v2 =	vmov s0;
	v3 =	vmov s7  }
0x2c2: {  	s25 =	simm.s32 $0x6;
	v4 =	vmov s2;
	v5 =	vmov s14;
	s7 =	simm.s32 $0x7;
	v6 =	vmov s16;
	s16 =	simm.s32 $0x8  }
0x2c3: {  	v7 =	vmov s25;
	s25 =	simm.s32 $0x9;
	s14 =	simm.s32 $0xE;
	v8 =	vmov s7;
	v9 =	vmov s16  }
0x2c4: {  	v10 =	vmov s25;
	v0 =	vshll.u32 v0, v1;
	v37 =	vmov s14  }
0x2c5: {  	s16 =	simm.s32 $0xB;
	v2 =	vshrl.u32 v2, $0x3;
	v3 =	vshrl.u32 v3, $0x3;
	v4 =	vshrl.u32 v4, $0x3  }
0x2c6: {  	_ =	swait.ge [sflag:s19], $0x2000;
	s7 =	simm.s32 $0xA;
	v5 =	vshrl.u32 v5, $0x3;
	v6 =	vshrl.u32 v6, $0x3;
	v34 =	vmov s16;
	s16 =	simm.s32 $0xF  }
0x2c7: {  	p0 =	seq.s32 s29, $0x0;
	[sflag:s19] =	ssyncset.done $0x0;
	s25 =	simm.s32 $0xC;
	v7 =	vshrl.u32 v7, $0x3;
	v11 =	vmov s7;
	v33 =	vmov s16  }
0x2c8: {  	s0 =	simm.s32 @!p0 $0x3;
	[sflag:s19] =	ssyncadd.s32 $0xFFFFE000;
	v35 =	vmov s25;
	v8 =	vshrl.u32 v8, $0x3;
	v33 =	vshrl.u32 v33, $0x3  }
0x2c9: {  	_ =	swait.ge @!p0 [sflag:s0], $0x2000;
	v9 =	vshrl.u32 v9, $0x3;
	v10 =	vshrl.u32 v10, $0x3;
	v33 =	vshll.u32 v33, v1  }
0x2ca: {  	v6 =	vshll.u32 v6, v1;
	v59 =	vshll.u32 v7, v1;
	[sflag:s0] =	ssyncset.done @!p0 $0x0;
	v48 =	vbroadcast v33, $0x0  }
0x2cb: {  	s31 =	simm.s32 $0x3400;
	v11 =	vshrl.u32 v11, $0x3;
	[sflag:s0] =	ssyncadd.s32 @!p0 $0xFFFFE000;
	v33 =	vbroadcast v0, $0x0;
	v0 =	vshll.u32 v2, v1  }
0x2cc: {  	v2 =	vld [tilespmem:s31+$0x1C0];
	v47 =	vbroadcast v0, $0x0;
	v0 =	vshll.u32 v3, v1;
	v3 =	vadd.s32 v20, v48  }
0x2cd: {  	v38 =	vld [tilespmem:s31+$0xFFFFFE00];
	v41 =	vadd.s32 v62, v33;
	v46 =	vbroadcast v0, $0x0;
	v0 =	vshll.u32 v4, v1  }
0x2ce: {  	v4 =	vld [tilespmem:s31+$0xFFFFFE40];
	v42 =	vadd.s32 v16, v47;
	v45 =	vbroadcast v0, $0x0;
	v0 =	vshll.u32 v5, v1  }
0x2cf: {  	s7 =	simm.s32 $0xD;
	v40 =	vbroadcast v6, $0x0;
	v5 =	vld [tilespmem:s31+$0xFFFFFE80];
	v43 =	vadd.s32 v13, v46;
	v39 =	vbroadcast v0, $0x0  }
0x2d0: {  	v36 =	vmov s7;
	v11 =	vshll.u32 v11, v1;
	v52 =	vld [tilespmem:s31+$0xFFFFFEC0];
	v44 =	vadd.s32 v15, v45  }
0x2d1: {  	v35 =	vshrl.u32 v35, $0x3;
	v49 =	vld [tilespmem:s31+$0xFFFFFF00];
	v32 =	vadd.s32 v12, v40;
	v50 =	vadd.s32 v28, v39;
	[tilespmem:v3+s20+$0x0] =	vst.idx.msk $0xffff, v2  }
0x2d2: {  	v6 =	vadd.s32 v56, v48;
	[tilespmem:v41+s20+$0x0] =	vst.idx.msk $0xffff, v38;
	v38 =	vbroadcast v59, $0x0;
	v2 =	vshll.u32 v8, v1;
	v3 =	vld [tilespmem:s31+$0x1D0]  }
0x2d3: {  	v0 =	vshrl.u32 v34, $0x3;
	[tilespmem:v42+s20+$0x0] =	vst.idx.msk $0xffff, v4;
	v4 =	vld [tilespmem:s31+$0xFFFFFF40];
	v41 =	vbroadcast v2, $0x0;
	v2 =	vshll.u32 v9, v1  }
0x2d4: {  	[tilespmem:v43+s20+$0x0] =	vst.idx.msk $0xffff, v5;
	v5 =	vld [tilespmem:s31+$0xFFFFFF80];
	v59 =	vadd.s32 v55, v38;
	v42 =	vbroadcast v2, $0x0;
	v2 =	vshll.u32 v10, v1  }
0x2d5: {  	v0 =	vshll.u32 v0, v1;
	v9 =	vld [tilespmem:s31+$0xFFFFFFC0];
	[tilespmem:v44+s20+$0x0] =	vst.idx.msk $0xffff, v52;
	v10 =	vadd.s32 v20, v41;
	v43 =	vbroadcast v2, $0x0  }
0x2d6: {  	v34 =	vbroadcast v0, $0x0;
	v0 =	vshll.u32 v35, v1;
	[tilespmem:v50+s20+$0x0] =	vst.idx.msk $0xffff, v49;
	v49 =	vld [tilespmem:s31+$0x0];
	v50 =	vadd.s32 v62, v42  }
0x2d7: {  	v51 =	vld [tilespmem:s31+$0x40];
	v35 =	vbroadcast v0, $0x0;
	v2 =	vshrl.u32 v36, $0x3;
	v52 =	vadd.s32 v16, v43;
	[tilespmem:v6+s20+$0x0] =	vst.idx.msk $0xffff, v3  }
0x2d8: {  	v44 =	vbroadcast v11, $0x0;
	v0 =	vshll.u32 v2, v1;
	v2 =	vld [tilespmem:s31+$0xC0];
	[tilespmem:v32+s20+$0x0] =	vst.idx.msk $0xffff, v4;
	v32 =	vadd.s32 v15, v34  }
0x2d9: {  	v37 =	vshrl.u32 v37, $0x3;
	v4 =	vadd.s32 v58, v48;
	v3 =	vld [tilespmem:s31+$0x1E0];
	[tilespmem:v59+s20+$0x0] =	vst.idx.msk $0xffff, v5  }
0x2da: {  	v36 =	vbroadcast v0, $0x0;
	v0 =	vshll.u32 v37, v1;
	v5 =	vld [tilespmem:s31+$0x80];
	v59 =	vadd.s32 v13, v44;
	[tilespmem:v10+s20+$0x0] =	vst.idx.msk $0xffff, v9  }
0x2db: {  	v8 =	vld [tilespmem:s31+$0x100];
	v37 =	vbroadcast v0, $0x0;
	v9 =	vadd.s32 v28, v35;
	[tilespmem:v50+s20+$0x0] =	vst.idx.msk $0xffff, v49  }
0x2dc: {  	v0 =	vld [tilespmem:s31+$0x140];
	v10 =	vadd.s32 v12, v36;
	[tilespmem:v52+s20+$0x0] =	vst.idx.msk $0xffff, v51  }
0x2dd: {  	v55 =	vadd.s32 v55, v37;
	v52 =	vld [tilespmem:s31+$0x180];
	[tilespmem:v32+s20+$0x0] =	vst.idx.msk $0xffff, v2  }
0x2de: {  	v50 =	vadd.s32 v63, v42;
	v49 =	vld [tilespmem:s31+$0x10];
	[tilespmem:v4+s20+$0x0] =	vst.idx.msk $0xffff, v3  }
0x2df: {  	v2 =	vld [tilespmem:s31+$0xFFFFFE90];
	v32 =	vadd.s32 v21, v46;
	[tilespmem:v59+s20+$0x0] =	vst.idx.msk $0xffff, v5  }
0x2e0: {  	v5 =	vld [tilespmem:s31+$0xFFFFFE50];
	v59 =	vadd.s32 v17, v47;
	[tilespmem:v9+s20+$0x0] =	vst.idx.msk $0xffff, v8  }
0x2e1: {  	v4 =	vadd.s32 v61, v48;
	v3 =	vld [tilespmem:s31+$0x1F0];
	[tilespmem:v10+s20+$0x0] =	vst.idx.msk $0xffff, v0  }
0x2e2: {  	v8 =	vld [tilespmem:s31+$0xFFFFFED0];
	v9 =	vadd.s32 v25, v45;
	[tilespmem:v55+s20+$0x0] =	vst.idx.msk $0xffff, v52  }
0x2e3: {  	v0 =	vld [tilespmem:s31+$0xFFFFFF10];
	v10 =	vadd.s32 v29, v39;
	[tilespmem:v50+s20+$0x0] =	vst.idx.msk $0xffff, v49  }
0x2e4: {  	v52 =	vld [tilespmem:s31+$0xFFFFFF50];
	v55 =	vadd.s32 v19, v40;
	[tilespmem:v32+s20+$0x0] =	vst.idx.msk $0xffff, v2  }
0x2e5: {  	v2 =	vld [tilespmem:s31+$0xFFFFFFD0];
	v32 =	vadd.s32 v56, v41;
	[tilespmem:v59+s20+$0x0] =	vst.idx.msk $0xffff, v5  }
0x2e6: {  	v59 =	vadd.s32 v53, v38;
	[tilespmem:v4+s20+$0x0] =	vst.idx.msk $0xffff, v3;
	v3 =	vld [tilespmem:s31+$0xFFFFFF90]  }
0x2e7: {  	v11 =	vld [tilespmem:s31+$0xFFFFFE10];
	v48 =	vadd.s32 v63, v33;
	[tilespmem:v9+s20+$0x0] =	vst.idx.msk $0xffff, v8  }
0x2e8: {  	v51 =	vadd.s32 v17, v43;
	[tilespmem:v10+s20+$0x0] =	vst.idx.msk $0xffff, v0;
	v0 =	vld [tilespmem:s31+$0x50]  }
0x2e9: {  	v9 =	vld [tilespmem:s31+$0x90];
	[tilespmem:v55+s20+$0x0] =	vst.idx.msk $0xffff, v52;
	v52 =	vadd.s32 v21, v44  }
0x2ea: {  	v56 =	vadd.s32 v29, v35;
	[tilespmem:v32+s20+$0x0] =	vst.idx.msk $0xffff, v2;
	v2 =	vld [tilespmem:s31+$0x110]  }
0x2eb: {  	v55 =	vadd.s32 v25, v34;
	[tilespmem:v59+s20+$0x0] =	vst.idx.msk $0xffff, v3;
	v3 =	vld [tilespmem:s31+$0xD0]  }
0x2ec: {  	[tilespmem:v48+s20+$0x0] =	vst.idx.msk $0xffff, v11;
	v32 =	vadd.s32 v19, v36;
	v59 =	vld [tilespmem:s31+$0x150]  }
0x2ed: {  	v8 =	vadd.s32 v53, v37;
	[tilespmem:v51+s20+$0x0] =	vst.idx.msk $0xffff, v0;
	v0 =	vld [tilespmem:s31+$0x190]  }
0x2ee: {  	v53 =	vadd.s32 v18, v47;
	[tilespmem:v52+s20+$0x0] =	vst.idx.msk $0xffff, v9;
	v52 =	vld [tilespmem:s31+$0xFFFFFE60]  }
0x2ef: {  	[tilespmem:v56+s20+$0x0] =	vst.idx.msk $0xffff, v2;
	v2 =	vld [tilespmem:s31+$0xFFFFFEE0];
	v56 =	vadd.s32 v26, v45  }
0x2f0: {  	[tilespmem:v55+s20+$0x0] =	vst.idx.msk $0xffff, v3;
	v3 =	vld [tilespmem:s31+$0xFFFFFEA0];
	v55 =	vadd.s32 v22, v46  }
0x2f1: {  	v51 =	vadd.s32 v54, v38;
	v50 =	vld [tilespmem:s31+$0xFFFFFFA0];
	[tilespmem:v32+s20+$0x0] =	vst.idx.msk $0xffff, v59  }
0x2f2: {  	v49 =	vadd.s32 v57, v40;
	[tilespmem:v8+s20+$0x0] =	vst.idx.msk $0xffff, v0;
	v0 =	vld [tilespmem:s31+$0xFFFFFF60]  }
0x2f3: {  	v59 =	vld [tilespmem:s31+$0xFFFFFF20];
	v32 =	vadd.s32 v30, v39;
	[tilespmem:v53+s20+$0x0] =	vst.idx.msk $0xffff, v52  }
0x2f4: {  	v53 =	vadd.s32 v14, v42;
	[tilespmem:v56+s20+$0x0] =	vst.idx.msk $0xffff, v2;
	v2 =	vld [tilespmem:s31+$0x20]  }
0x2f5: {  	v52 =	vadd.s32 v58, v41;
	[tilespmem:v55+s20+$0x0] =	vst.idx.msk $0xffff, v3;
	v3 =	vld [tilespmem:s31+$0xFFFFFFE0]  }
0x2f6: {  	[tilespmem:v51+s20+$0x0] =	vst.idx.msk $0xffff, v50;
	v56 =	vadd.s32 v18, v43;
	v55 =	vld [tilespmem:s31+$0x60]  }
0x2f7: {  	v8 =	vadd.s32 v22, v44;
	[tilespmem:v49+s20+$0x0] =	vst.idx.msk $0xffff, v0;
	v0 =	vld [tilespmem:s31+$0xA0]  }
0x2f8: {  	[tilespmem:v32+s20+$0x0] =	vst.idx.msk $0xffff, v59  }
0x2f9: {  	[tilespmem:v53+s20+$0x0] =	vst.idx.msk $0xffff, v2  }
0x2fa: {  	v9 =	vld [tilespmem:s31+$0xE0];
	[tilespmem:v52+s20+$0x0] =	vst.idx.msk $0xffff, v3  }
0x2fb: {  	v6 =	vld [tilespmem:s31+$0x1A0];
	v59 =	vadd.s32 v26, v34;
	[tilespmem:v56+s20+$0x0] =	vst.idx.msk $0xffff, v55  }
0x2fc: {  	s25 =	simm.s32 $0x10;
	v4 =	vadd.s32 v30, v35;
	v3 =	vld [tilespmem:s31+$0x120];
	[tilespmem:v8+s20+$0x0] =	vst.idx.msk $0xffff, v0  }
0x2fd: {  	v13 =	vmov v63;
	v7 =	vadd.s32 v54, v37;
	v32 =	vmov s25;
	v63 =	vld [tilespmem:$0x1FE30]  }
0x2fe: {  	v48 =	vld [tilespmem:s31+$0xFFFFFE20];
	v49 =	vadd.s32 v14, v33  }
0x2ff: {  	v5 =	vadd.s32 v57, v36;
	v2 =	vld [tilespmem:s31+$0x160]  }
0x300: {  	v11 =	vshrl.u32 v32, $0x3;
	v32 =	vmov v58;
	v58 =	vadd.s32 v23, v46;
	v56 =	vld [tilespmem:s31+$0xFFFFFEB0];
	[tilespmem:v59+s20+$0x0] =	vst.idx.msk $0xffff, v9  }
0x301: {  	v59 =	vadd.s32 v27, v45;
	[tilespmem:v4+s20+$0x0] =	vst.idx.msk $0xffff, v3;
	v4 =	vld [tilespmem:s31+$0xFFFFFEF0]  }
0x302: {  	v54 =	vld [tilespmem:s31+$0xFFFFFE70];
	[tilespmem:v7+s20+$0x0] =	vst.idx.msk $0xffff, v6;
	v47 =	vadd.s32 v63, v47  }
0x303: {  	[tilespmem:v49+s20+$0x0] =	vst.idx.msk $0xffff, v48  }
0x304: {  	s2 =	simm.s32 $0x11;
	v20 =	vmov v61;
	v61 =	vadd.s32 v61, v41;
	s25 =	simm.s32 $0x15;
	[tilespmem:v5+s20+$0x0] =	vst.idx.msk $0xffff, v2  }
0x305: {  	s14 =	simm.s32 $0x13;
	s7 =	simm.s32 $0x12;
	v39 =	vadd.s32 v31, v39;
	v10 =	vmov s25;
	v55 =	vmov s2;
	[tilespmem:v58+s20+$0x0] =	vst.idx.msk $0xffff, v56  }
0x306: {  	s16 =	simm.s32 $0x14;
	v44 =	vadd.s32 v23, v44;
	v0 =	vmov s7;
	v8 =	vmov s14;
	s14 =	simm.s32 $0x17;
	v6 =	vld [tilespmem:s31+$0xFFFFFF70];
	[tilespmem:v59+s20+$0x0] =	vst.idx.msk $0xffff, v4  }
0x307: {  	s25 =	simm.s32 $0x19;
	v41 =	vshrl.u32 v10, $0x3;
	s2 =	simm.s32 $0x1A;
	v9 =	vmov s16;
	v52 =	vmov s14;
	v2 =	vld [tilespmem:s31+$0xFFFFFF30];
	[tilespmem:v47+s20+$0x0] =	vst.idx.msk $0xffff, v54  }
0x308: {  	s16 =	simm.s32 $0x18;
	v45 =	vmov s25;
	v46 =	vmov s2;
	v7 =	vadd.s32 v60, v40;
	v15 =	vld [tilespmem:$0x1FE20]  }
0x309: {  	v19 =	vmovc v60;
	v57 =	vld [tilespmem:s31+$0xFFFFFFB0];
	s14 =	simm.s32 $0x1C;
	s25 =	simm.s32 $0x1E;
	v60 =	vadd.s32 v24, v38;
	v40 =	vshrl.u32 v8, $0x3;
	v53 =	vmov s16  }
0x30a: {  	s7 =	simm.s32 $0x16;
	s16 =	simm.s32 $0x1D;
	v51 =	vmov s14;
	v49 =	vmov s25;
	v38 =	vshrl.u32 v9, $0x3;
	v58 =	vld [tilespmem:s31+$0xFFFFFFF0]  }
0x30b: {  	v48 =	vmov s16;
	v3 =	vmov s7;
	s7 =	simm.s32 $0x1B;
	v63 =	vadd.s32 v63, v43;
	v43 =	vld [tilespmem:s31+$0xB0]  }
0x30c: {  	v12 =	vmovc v62;
	v56 =	vshrl.u32 v55, $0x3;
	v55 =	vshrl.u32 v0, $0x3;
	v50 =	vmov s7;
	v59 =	vld [tilespmem:s31+$0x30];
	[tilespmem:v39+s20+$0x0] =	vst.idx.msk $0xffff, v2  }
0x30d: {  	s30 =	sshll.u32 s29, $0xA;
	s0 =	simm.s32 $0x1F;
	s2 =	simm.s32 $0x20;
	v54 =	vshll.u32 v11, v1;
	[tilespmem:v7+s20+$0x0] =	vst.idx.msk $0xffff, v6;
	v39 =	vshrl.u32 v3, $0x3;
	v62 =	vadd.s32 v15, v42;
	v42 =	vld [tilespmem:s31+$0x70]  }
.LBB2_18:
0x30e: {  	v3 =	vld [tilespmem:s31+$0xF0]  }
0x30f: {  	v6 =	vld [tilespmem:s31+$0x130]  }
0x310: {  	v9 =	vld [tilespmem:s31+$0x170]  }
0x311: {  	v4 =	vadd.s32 v27, v34;
	v34 =	vld [tilespmem:s31+$0x1B0]  }
0x312: {  	v0 =	vshrl.u32 v52, $0x3;
	v5 =	vshrl.u32 v53, $0x3;
	v52 =	vld [tilespmem:$0x1FFB0];
	v53 =	vshll.u32 v38, v1  }
0x313: {  	v38 =	vbroadcast v53, $0x0;
	v53 =	vld [tilespmem:$0x1FF40]  }
0x314: {  	[tilespmem:v61+s20+$0x0] =	vst.idx.msk $0xffff, v58;
	v61 =	vadd.s32 v24, v37;
	v37 =	vld [tilespmem:s31+$0xFFFFFE30]  }
0x315: {  	[tilespmem:v62+s20+$0x0] =	vst.idx.msk $0xffff, v59;
	v62 =	vshll.u32 v56, v1;
	v56 =	vld [tilespmem:$0x1FFD0]  }
0x316: {  	v7 =	vadd.s32 v31, v35;
	[tilespmem:v60+s20+$0x0] =	vst.idx.msk $0xffff, v57;
	v57 =	vld [tilespmem:$0x1FFE0]  }
0x317: {  	v2 =	vmov s0;
	v10 =	vadd.s32 v19, v36;
	[tilespmem:v63+s20+$0x0] =	vst.idx.msk $0xffff, v42;
	v63 =	vshll.u32 v55, v1;
	v55 =	vld [tilespmem:$0x1FF80]  }
0x318: {  	v2 =	vshrl.u32 v2, $0x3;
	v42 =	vadd.s32 v15, v33;
	v33 =	vbroadcast v54, $0x0;
	s31 =	sadd.s32 $0x400, s31;
	v54 =	vld [tilespmem:$0x1FF00]  }
0x319: {  	v8 =	vshrl.u32 v45, $0x3;
	v11 =	vshrl.u32 v46, $0x3;
	v2 =	vshll.u32 v2, v1;
	[tilespmem:v44+s20+$0x0] =	vst.idx.msk $0xffff, v43;
	v43 =	vld [tilespmem:s31+$0x1C0]  }
0x31a: {  	v47 =	vshll.u32 v40, v1;
	v36 =	vshrl.u32 v50, $0x3;
	v2 =	vbroadcast v2, $0x0;
	[tilespmem:v4+s20+$0x0] =	vst.idx.msk $0xffff, v3;
	v3 =	vld [tilespmem:s31+$0xFFFFFE00]  }
0x31b: {  	v41 =	vshll.u32 v41, v1;
	v50 =	vshrl.u32 v51, $0x3;
	v39 =	vshll.u32 v39, v1;
	[tilespmem:v7+s20+$0x0] =	vst.idx.msk $0xffff, v6;
	v6 =	vld [tilespmem:s31+$0xFFFFFE40]  }
0x31c: {  	v49 =	vshrl.u32 v49, $0x3;
	v45 =	vbroadcast v62, $0x0;
	v44 =	vadd.s32 v52, v2;
	[tilespmem:v10+s20+$0x0] =	vst.idx.msk $0xffff, v9;
	v9 =	vld [tilespmem:s31+$0xFFFFFE80]  }
0x31d: {  	v40 =	vbroadcast v47, $0x0;
	v46 =	vbroadcast v63, $0x0;
	v63 =	vld [tilespmem:s31+$0xFFFFFF00];
	v4 =	vadd.s32 v12, v33  }
0x31e: {  	v41 =	vbroadcast v41, $0x0;
	v0 =	vshll.u32 v0, v1;
	v59 =	vld [tilespmem:s31+$0xFFFFFF80];
	v7 =	vadd.s32 v16, v45  }
0x31f: {  	v39 =	vbroadcast v39, $0x0;
	v36 =	vshll.u32 v36, v1;
	v51 =	vld [tilespmem:s31+$0x40];
	v60 =	vadd.s32 v56, v46;
	[tilespmem:v61+s20+$0x0] =	vst.idx.msk $0xffff, v34  }
0x320: {  	v61 =	vld [tilespmem:s31+$0xFFFFFEC0];
	v62 =	vadd.s32 v57, v40;
	[tilespmem:v42+s20+$0x0] =	vst.idx.msk $0xffff, v37;
	v42 =	vbroadcast v0, $0x0;
	v0 =	vshll.u32 v5, v1  }
0x321: {  	v47 =	vadd.s32 v28, v38;
	[tilespmem:v44+s20+$0x0] =	vst.idx.msk $0xffff, v43;
	v43 =	vbroadcast v0, $0x0;
	v0 =	vshll.u32 v8, v1;
	v8 =	vld [tilespmem:s31+$0xFFFFFFC0]  }
0x322: {  	[tilespmem:v4+s20+$0x0] =	vst.idx.msk $0xffff, v3;
	v3 =	vld [tilespmem:s31+$0x1D0];
	v4 =	vadd.s32 v55, v2;
	v44 =	vbroadcast v0, $0x0;
	v0 =	vshrl.u32 v48, $0x3  }
0x323: {  	v58 =	vadd.s32 v54, v41;
	v34 =	vbroadcast v36, $0x0;
	[tilespmem:v7+s20+$0x0] =	vst.idx.msk $0xffff, v6;
	v6 =	vld [tilespmem:s31+$0xFFFFFF40];
	v0 =	vshll.u32 v0, v1  }
0x324: {  	v36 =	vbroadcast v0, $0x0;
	v0 =	vshll.u32 v49, v1;
	v49 =	vld [tilespmem:$0x1FF50];
	[tilespmem:v60+s20+$0x0] =	vst.idx.msk $0xffff, v9;
	v60 =	vadd.s32 v53, v39  }
0x325: {  	[tilespmem:v62+s20+$0x0] =	vst.idx.msk $0xffff, v61;
	v61 =	vadd.s32 v52, v42;
	v62 =	vld [tilespmem:s31+$0x0]  }
0x326: {  	[tilespmem:v47+s20+$0x0] =	vst.idx.msk $0xffff, v63;
	v63 =	vadd.s32 v12, v43;
	v37 =	vbroadcast v0, $0x0;
	v0 =	vld [tilespmem:s31+$0x140]  }
0x327: {  	v52 =	vadd.s32 v16, v44;
	[tilespmem:v4+s20+$0x0] =	vst.idx.msk $0xffff, v3;
	v3 =	vshll.u32 v50, v1;
	v50 =	vld [tilespmem:$0x1FF10]  }
0x328: {  	v11 =	vshll.u32 v11, v1;
	v54 =	vadd.s32 v54, v36;
	[tilespmem:v58+s20+$0x0] =	vst.idx.msk $0xffff, v6;
	v4 =	vld [tilespmem:s31+$0x1E0]  }
0x329: {  	v47 =	vbroadcast v11, $0x0;
	v58 =	vadd.s32 v32, v2;
	v35 =	vbroadcast v3, $0x0;
	v3 =	vld [tilespmem:s31+$0xC0];
	[tilespmem:v60+s20+$0x0] =	vst.idx.msk $0xffff, v59  }
0x32a: {  	v59 =	vld [tilespmem:s31+$0x80];
	[tilespmem:v61+s20+$0x0] =	vst.idx.msk $0xffff, v8  }
0x32b: {  	v60 =	vadd.s32 v56, v47;
	[tilespmem:v63+s20+$0x0] =	vst.idx.msk $0xffff, v62;
	v62 =	vld [tilespmem:s31+$0x100]  }
0x32c: {  	v61 =	vadd.s32 v57, v34;
	[tilespmem:v52+s20+$0x0] =	vst.idx.msk $0xffff, v51;
	v56 =	vld [tilespmem:s31+$0x180]  }
0x32d: {  	v63 =	vadd.s32 v28, v35;
	v52 =	vld [tilespmem:s31+$0xFFFFFF50];
	[tilespmem:v54+s20+$0x0] =	vst.idx.msk $0xffff, v0  }
0x32e: {  	v57 =	vadd.s32 v53, v37;
	v0 =	vld [tilespmem:s31+$0xFFFFFF10];
	[tilespmem:v58+s20+$0x0] =	vst.idx.msk $0xffff, v4  }
0x32f: {  	v2 =	vadd.s32 v20, v2;
	v4 =	vld [tilespmem:s31+$0x1F0]  }
0x330: {  	v58 =	vld [tilespmem:s31+$0xFFFFFE50];
	[tilespmem:v60+s20+$0x0] =	vst.idx.msk $0xffff, v59;
	v59 =	vadd.s32 v17, v45  }
0x331: {  	[tilespmem:v61+s20+$0x0] =	vst.idx.msk $0xffff, v3;
	v3 =	vld [tilespmem:s31+$0xFFFFFE90];
	v60 =	vadd.s32 v21, v46  }
0x332: {  	[tilespmem:v63+s20+$0x0] =	vst.idx.msk $0xffff, v62;
	v61 =	vld [tilespmem:s31+$0xFFFFFED0];
	v63 =	vadd.s32 v29, v38  }
0x333: {  	v53 =	vadd.s32 v50, v41;
	[tilespmem:v57+s20+$0x0] =	vst.idx.msk $0xffff, v56;
	v57 =	vld [tilespmem:s31+$0x10]  }
0x334: {  	v62 =	vadd.s32 v25, v40;
	v56 =	vadd.s32 v55, v42;
	v55 =	vld [tilespmem:s31+$0xFFFFFE10];
	[tilespmem:v2+s20+$0x0] =	vst.idx.msk $0xffff, v4  }
0x335: {  	v54 =	vadd.s32 v49, v39;
	v2 =	vld [tilespmem:s31+$0xFFFFFF90];
	[tilespmem:v59+s20+$0x0] =	vst.idx.msk $0xffff, v58  }
0x336: {  	[tilespmem:v60+s20+$0x0] =	vst.idx.msk $0xffff, v3;
	v3 =	vld [tilespmem:s31+$0xFFFFFFD0]  }
0x337: {  	[tilespmem:v63+s20+$0x0] =	vst.idx.msk $0xffff, v0;
	v0 =	vld [tilespmem:s31+$0x50];
	v59 =	vadd.s32 v17, v44  }
0x338: {  	[tilespmem:v53+s20+$0x0] =	vst.idx.msk $0xffff, v52;
	v52 =	vld [tilespmem:s31+$0x150];
	v58 =	vadd.s32 v13, v43  }
0x339: {  	[tilespmem:v62+s20+$0x0] =	vst.idx.msk $0xffff, v61;
	v60 =	vld [tilespmem:s31+$0x90];
	v61 =	vadd.s32 v21, v47  }
0x33a: {  	v53 =	vadd.s32 v50, v36;
	[tilespmem:v54+s20+$0x0] =	vst.idx.msk $0xffff, v2;
	v2 =	vld [tilespmem:s31+$0xD0]  }
0x33b: {  	v62 =	vadd.s32 v25, v34;
	[tilespmem:v56+s20+$0x0] =	vst.idx.msk $0xffff, v3;
	v3 =	vld [tilespmem:s31+$0x110]  }
0x33c: {  	v63 =	vadd.s32 v29, v35;
	[tilespmem:v59+s20+$0x0] =	vst.idx.msk $0xffff, v0;
	v0 =	vld [tilespmem:s31+$0x190]  }
0x33d: {  	[tilespmem:v58+s20+$0x0] =	vst.idx.msk $0xffff, v57;
	v57 =	vld [tilespmem:s31+$0xFFFFFE60]  }
0x33e: {  	v54 =	vadd.s32 v49, v37;
	[tilespmem:v61+s20+$0x0] =	vst.idx.msk $0xffff, v60;
	v61 =	vld [tilespmem:s31+$0xFFFFFF20]  }
0x33f: {  	[tilespmem:v53+s20+$0x0] =	vst.idx.msk $0xffff, v52;
	v56 =	vadd.s32 v13, v33;
	v53 =	vld [tilespmem:s31+$0xFFFFFFA0]  }
0x340: {  	v58 =	vadd.s32 v18, v45;
	[tilespmem:v62+s20+$0x0] =	vst.idx.msk $0xffff, v2;
	v2 =	vld [tilespmem:s31+$0xFFFFFEA0]  }
0x341: {  	v59 =	vadd.s32 v22, v46;
	[tilespmem:v63+s20+$0x0] =	vst.idx.msk $0xffff, v3;
	v3 =	vld [tilespmem:s31+$0xFFFFFEE0]  }
0x342: {  	v62 =	vadd.s32 v30, v38;
	v63 =	vld [tilespmem:$0x1FF20]  }
0x343: {  	v60 =	vadd.s32 v26, v40;
	[tilespmem:v54+s20+$0x0] =	vst.idx.msk $0xffff, v0;
	v54 =	vld [tilespmem:$0x1FF60]  }
0x344: {  	v10 =	vadd.s32 v26, v34;
	[tilespmem:v56+s20+$0x0] =	vst.idx.msk $0xffff, v55;
	v9 =	vld [tilespmem:s31+$0xE0]  }
0x345: {  	v49 =	vadd.s32 v14, v33;
	[tilespmem:v58+s20+$0x0] =	vst.idx.msk $0xffff, v57;
	v48 =	vld [tilespmem:s31+$0xFFFFFE20]  }
0x346: {  	v56 =	vadd.s32 v32, v42;
	[tilespmem:v59+s20+$0x0] =	vst.idx.msk $0xffff, v2;
	v2 =	vld [tilespmem:s31+$0xFFFFFFE0]  }
0x347: {  	v58 =	vld [tilespmem:s31+$0x60];
	[tilespmem:v62+s20+$0x0] =	vst.idx.msk $0xffff, v61;
	v59 =	vadd.s32 v18, v44  }
0x348: {  	v0 =	vld [tilespmem:s31+$0xFFFFFF60];
	v52 =	vadd.s32 v63, v41;
	[tilespmem:v60+s20+$0x0] =	vst.idx.msk $0xffff, v3  }
0x349: {  	v57 =	vadd.s32 v14, v43;
	v3 =	vld [tilespmem:s31+$0x20];
	[tilespmem:v10+s20+$0x0] =	vst.idx.msk $0xffff, v9  }
0x34a: {  	v6 =	vld [tilespmem:s31+$0x1A0];
	v55 =	vadd.s32 v54, v39;
	[tilespmem:v49+s20+$0x0] =	vst.idx.msk $0xffff, v48  }
0x34b: {  	v5 =	vadd.s32 v63, v36;
	v7 =	vadd.s32 v54, v37;
	v63 =	vld [tilespmem:$0x1FE30];
	[tilespmem:v56+s20+$0x0] =	vst.idx.msk $0xffff, v2  }
0x34c: {  	v4 =	vadd.s32 v30, v35;
	v2 =	vld [tilespmem:s31+$0x120];
	[tilespmem:v59+s20+$0x0] =	vst.idx.msk $0xffff, v58  }
0x34d: {  	s14 =	sadd.s32 $0x3, s2;
	v58 =	vld [tilespmem:s31+$0xFFFFFEB0];
	v59 =	vadd.s32 v23, v46;
	[tilespmem:v52+s20+$0x0] =	vst.idx.msk $0xffff, v0  }
0x34e: {  	v8 =	vmov s14;
	s14 =	sadd.s32 $0x4, s2;
	v40 =	vadd.s32 v27, v40;
	v61 =	vmov s2;
	[tilespmem:v57+s20+$0x0] =	vst.idx.msk $0xffff, v3;
	v3 =	vld [tilespmem:s31+$0x160]  }
0x34f: {  	s16 =	sadd.s32 $0x5, s2;
	v60 =	vadd.s32 v22, v47;
	v11 =	vshrl.u32 v61, $0x3;
	v9 =	vmov s14;
	v0 =	vld [tilespmem:s31+$0xA0];
	[tilespmem:v55+s20+$0x0] =	vst.idx.msk $0xffff, v53  }
0x350: {  	s25 =	sadd.s32 $0x1, s2;
	v54 =	vld [tilespmem:s31+$0xFFFFFE70];
	v10 =	vmov s16;
	s14 =	sadd.s32 $0x8, s2;
	v61 =	vadd.s32 v20, v42;
	v62 =	vadd.s32 v63, v45;
	[tilespmem:v7+s20+$0x0] =	vst.idx.msk $0xffff, v6  }
0x351: {  	s16 =	sadd.s32 $0x9, s2;
	v55 =	vmov s25;
	v53 =	vmov s14;
	v7 =	vadd.s32 v19, v41;
	v6 =	vld [tilespmem:s31+$0xFFFFFF70];
	[tilespmem:v4+s20+$0x0] =	vst.idx.msk $0xffff, v2  }
0x352: {  	v45 =	vmov s16;
	s14 =	sadd.s32 $0xC, s2;
	v63 =	vadd.s32 v63, v44;
	v41 =	vshrl.u32 v10, $0x3;
	v4 =	vld [tilespmem:s31+$0xFFFFFEF0];
	[tilespmem:v59+s20+$0x0] =	vst.idx.msk $0xffff, v58  }
0x353: {  	p1 =	slt.u32 s2, $0x70;
	s25 =	sadd.s32 $0x6, s2;
	s16 =	sadd.s32 $0xD, s2;
	v44 =	vadd.s32 v23, v47;
	v51 =	vmov s14;
	[tilespmem:v5+s20+$0x0] =	vst.idx.msk $0xffff, v3;
	v3 =	vld [tilespmem:s31+$0xFFFFFF30];
	v5 =	vadd.s32 v31, v38  }
.Ltmp11:
0x354: {  	s7 =	sadd.s32 $0x2, s2;
	v42 =	vld [tilespmem:s31+$0x70];
	v48 =	vmov s16;
	v56 =	vshrl.u32 v55, $0x3;
	v2 =	vmov s25;
	s25 =	sadd.s32 $0xA, s2;
	[tilespmem:v60+s20+$0x0] =	vst.idx.msk $0xffff, v0;
	(pc) =	sbr.rel @p1 .LBB2_18-.Ltmp11, $4  }
0x355: {  	v57 =	vld [tilespmem:s31+$0xFFFFFFB0];
	v0 =	vmov s7;
	v46 =	vmov s25;
	[tilespmem:v62+s20+$0x0] =	vst.idx.msk $0xffff, v54;
	v60 =	vadd.s32 v24, v39  }
0x356: {  	v58 =	vld [tilespmem:s31+$0xFFFFFFF0];
	s7 =	sadd.s32 $0x7, s2;
	s25 =	sadd.s32 $0xE, s2;
	v54 =	vshll.u32 v11, v1;
	v62 =	vadd.s32 v15, v43;
	v38 =	vshrl.u32 v9, $0x3;
	[tilespmem:v7+s20+$0x0] =	vst.idx.msk $0xffff, v6  }
0x357: {  	v59 =	vld [tilespmem:s31+$0x30];
	v39 =	vshrl.u32 v2, $0x3;
	v52 =	vmov s7;
	s7 =	sadd.s32 $0xB, s2;
	v49 =	vmov s25;
	[tilespmem:v40+s20+$0x0] =	vst.idx.msk $0xffff, v4  }
0x358: {  	s0 =	sadd.s32 $0xF, s2;
	v55 =	vshrl.u32 v0, $0x3;
	s2 =	sadd.s32 $0x10, s2;
	v43 =	vld [tilespmem:s31+$0xB0];
	v50 =	vmov s7;
	v40 =	vshrl.u32 v8, $0x3;
	[tilespmem:v5+s20+$0x0] =	vst.idx.msk $0xffff, v3  }
0x359: {  	_ =	sdelay $0x3  }
0x35a: {  	v3 =	vld [tilespmem:s31+$0xF0];
	v4 =	vadd.s32 v27, v34;
	[tilespmem:v63+s20+$0x0] =	vst.idx.msk $0xffff, v42  }
0x35b: {  	v6 =	vld [tilespmem:s31+$0x130];
	v7 =	vadd.s32 v31, v35;
	[tilespmem:v60+s20+$0x0] =	vst.idx.msk $0xffff, v57  }
0x35c: {  	v9 =	vld [tilespmem:s31+$0x170];
	v10 =	vadd.s32 v19, v36;
	[tilespmem:v61+s20+$0x0] =	vst.idx.msk $0xffff, v58  }
0x35d: {  	[tilespmem:v62+s20+$0x0] =	vst.idx.msk $0xffff, v59  }
0x35e: {  	[tilespmem:v44+s20+$0x0] =	vst.idx.msk $0xffff, v43  }
0x35f: {  	v0 =	vshrl.u32 v52, $0x3;
	v2 =	vmov s0;
	v58 =	vld [tilespmem:$0x1FFB0];
	[tilespmem:v4+s20+$0x0] =	vst.idx.msk $0xffff, v3  }
0x360: {  	v5 =	vshrl.u32 v53, $0x3;
	v11 =	vshrl.u32 v46, $0x3;
	v46 =	vld [tilespmem:s31+$0xFFFFFE30];
	v2 =	vshrl.u32 v2, $0x3;
	[tilespmem:v7+s20+$0x0] =	vst.idx.msk $0xffff, v6  }
0x361: {  	v63 =	vadd.s32 v24, v37;
	v34 =	vbroadcast v54, $0x0;
	v2 =	vshll.u32 v2, v1;
	v62 =	vld [tilespmem:s31+$0x1B0];
	[tilespmem:v10+s20+$0x0] =	vst.idx.msk $0xffff, v9  }
0x362: {  	v52 =	vshll.u32 v56, v1;
	v47 =	vadd.s32 v15, v33;
	s14 =	sadd.s32 $0x400, s31;
	v2 =	vbroadcast v2, $0x0;
	v57 =	vld [tilespmem:$0x1FFD0]  }
0x363: {  	v53 =	vshll.u32 v55, v1;
	v33 =	vbroadcast v52, $0x0;
	v55 =	vadd.s32 v12, v34;
	v3 =	vld [tilespmem:s14+$0xFFFFFE00]  }
0x364: {  	v43 =	vld [tilespmem:s14+$0x1C0];
	v54 =	vadd.s32 v58, v2  }
0x365: {  	v35 =	vbroadcast v53, $0x0;
	v6 =	vld [tilespmem:s14+$0xFFFFFE40];
	v7 =	vadd.s32 v16, v33  }
0x366: {  	v60 =	vshll.u32 v38, v1;
	v9 =	vld [tilespmem:s14+$0xFFFFFE80];
	[tilespmem:v63+s20+$0x0] =	vst.idx.msk $0xffff, v62  }
0x367: {  	v37 =	vbroadcast v60, $0x0;
	v60 =	vld [tilespmem:$0x1FFE0];
	[tilespmem:v47+s20+$0x0] =	vst.idx.msk $0xffff, v46;
	v10 =	vadd.s32 v57, v35  }
0x368: {  	[tilespmem:v55+s20+$0x0] =	vst.idx.msk $0xffff, v3  }
0x369: {  	v59 =	vshll.u32 v40, v1;
	[tilespmem:v54+s20+$0x0] =	vst.idx.msk $0xffff, v43  }
0x36a: {  	v36 =	vbroadcast v59, $0x0;
	v56 =	vld [tilespmem:$0x1FF80];
	[tilespmem:v7+s20+$0x0] =	vst.idx.msk $0xffff, v6  }
0x36b: {  	v54 =	vld [tilespmem:$0x1FF00]  }
0x36c: {  	v8 =	vshrl.u32 v45, $0x3;
	v42 =	vld [tilespmem:s14+$0xFFFFFEC0];
	v61 =	vshll.u32 v41, v1;
	v45 =	vadd.s32 v60, v36;
	[tilespmem:v10+s20+$0x0] =	vst.idx.msk $0xffff, v9  }
0x36d: {  	v0 =	vshll.u32 v0, v1;
	v38 =	vbroadcast v61, $0x0;
	v59 =	vld [tilespmem:$0x1FF40]  }
0x36e: {  	v40 =	vbroadcast v0, $0x0;
	v0 =	vshll.u32 v5, v1;
	v62 =	vld [tilespmem:s14+$0xFFFFFF00];
	v63 =	vadd.s32 v28, v37  }
0x36f: {  	v39 =	vshll.u32 v39, v1;
	v41 =	vbroadcast v0, $0x0;
	v3 =	vld [tilespmem:s14+$0x1D0];
	v4 =	vadd.s32 v56, v2  }
0x370: {  	v39 =	vbroadcast v39, $0x0;
	v0 =	vshll.u32 v8, v1;
	v6 =	vld [tilespmem:s14+$0xFFFFFF40];
	v7 =	vadd.s32 v54, v38  }
0x371: {  	v50 =	vshrl.u32 v50, $0x3;
	v61 =	vadd.s32 v12, v41;
	v47 =	vld [tilespmem:s14+$0x0];
	[tilespmem:v45+s20+$0x0] =	vst.idx.msk $0xffff, v42;
	v42 =	vbroadcast v0, $0x0  }
0x372: {  	v51 =	vshrl.u32 v51, $0x3;
	v5 =	vld [tilespmem:s14+$0xFFFFFF80];
	v0 =	vshrl.u32 v48, $0x3;
	v9 =	vadd.s32 v59, v39  }
0x373: {  	v49 =	vshrl.u32 v49, $0x3;
	[tilespmem:v63+s20+$0x0] =	vst.idx.msk $0xffff, v62;
	v62 =	vld [tilespmem:s14+$0x40];
	v0 =	vshll.u32 v0, v1;
	v63 =	vadd.s32 v16, v42  }
0x374: {  	v11 =	vshll.u32 v11, v1;
	v8 =	vld [tilespmem:s14+$0xFFFFFFC0];
	v10 =	vadd.s32 v58, v40;
	v46 =	vbroadcast v0, $0x0;
	[tilespmem:v4+s20+$0x0] =	vst.idx.msk $0xffff, v3  }
0x375: {  	v43 =	vbroadcast v11, $0x0;
	v0 =	vshll.u32 v49, v1;
	[tilespmem:v7+s20+$0x0] =	vst.idx.msk $0xffff, v6;
	v4 =	vld [tilespmem:s14+$0x1E0];
	v6 =	vadd.s32 v32, v2  }
0x376: {  	v50 =	vshll.u32 v50, v1;
	[tilespmem:v61+s20+$0x0] =	vst.idx.msk $0xffff, v47;
	v47 =	vbroadcast v0, $0x0;
	v0 =	vld [tilespmem:s14+$0x140];
	v61 =	vadd.s32 v54, v46  }
0x377: {  	v44 =	vbroadcast v50, $0x0;
	v3 =	vshll.u32 v51, v1;
	v7 =	vadd.s32 v57, v43;
	[tilespmem:v9+s20+$0x0] =	vst.idx.msk $0xffff, v5;
	v5 =	vld [tilespmem:s14+$0x80]  }
0x378: {  	[tilespmem:v63+s20+$0x0] =	vst.idx.msk $0xffff, v62;
	v62 =	vld [tilespmem:s14+$0x180];
	v63 =	vadd.s32 v59, v47;
	v45 =	vbroadcast v3, $0x0  }
0x379: {  	[tilespmem:v10+s20+$0x0] =	vst.idx.msk $0xffff, v8;
	v8 =	vadd.s32 v60, v44;
	v3 =	vld [tilespmem:s14+$0xC0]  }
0x37a: {  	v9 =	vld [tilespmem:s14+$0x100];
	v55 =	vadd.s32 v28, v45;
	[tilespmem:v6+s20+$0x0] =	vst.idx.msk $0xffff, v4  }
0x37b: {  	v2 =	vadd.s32 v20, v2;
	[tilespmem:v61+s20+$0x0] =	vst.idx.msk $0xffff, v0;
	v4 =	vld [tilespmem:s14+$0x1F0]  }
0x37c: {  	v6 =	vadd.s32 v17, v33;
	[tilespmem:v7+s20+$0x0] =	vst.idx.msk $0xffff, v5;
	v5 =	vld [tilespmem:s14+$0xFFFFFE50]  }
0x37d: {  	v52 =	vld [tilespmem:s14+$0xFFFFFED0];
	[tilespmem:v63+s20+$0x0] =	vst.idx.msk $0xffff, v62  }
0x37e: {  	[tilespmem:v8+s20+$0x0] =	vst.idx.msk $0xffff, v3;
	v3 =	vld [tilespmem:s14+$0xFFFFFE90];
	v7 =	vadd.s32 v21, v35  }
0x37f: {  	v53 =	vadd.s32 v25, v36;
	v0 =	vld [tilespmem:s14+$0xFFFFFF10];
	[tilespmem:v55+s20+$0x0] =	vst.idx.msk $0xffff, v9  }
0x380: {  	v55 =	vadd.s32 v29, v37;
	v61 =	vld [tilespmem:$0x1FF10];
	[tilespmem:v2+s20+$0x0] =	vst.idx.msk $0xffff, v4  }
0x381: {  	v9 =	vld [tilespmem:s14+$0x90];
	[tilespmem:v6+s20+$0x0] =	vst.idx.msk $0xffff, v5  }
0x382: {  	v10 =	vadd.s32 v21, v43;
	v49 =	vld [tilespmem:$0x1FF50]  }
0x383: {  	v51 =	vadd.s32 v56, v40;
	[tilespmem:v7+s20+$0x0] =	vst.idx.msk $0xffff, v3;
	v3 =	vld [tilespmem:s14+$0xFFFFFFD0]  }
0x384: {  	[tilespmem:v53+s20+$0x0] =	vst.idx.msk $0xffff, v52;
	v52 =	vld [tilespmem:s14+$0x10];
	v53 =	vadd.s32 v13, v41  }
0x385: {  	[tilespmem:v55+s20+$0x0] =	vst.idx.msk $0xffff, v0;
	v0 =	vld [tilespmem:s14+$0x50];
	v55 =	vadd.s32 v17, v42  }
0x386: {  	v11 =	vld [tilespmem:s14+$0xFFFFFF50];
	v63 =	vadd.s32 v61, v38  }
0x387: {  	v2 =	vld [tilespmem:s14+$0xFFFFFF90];
	[tilespmem:v10+s20+$0x0] =	vst.idx.msk $0xffff, v9;
	v50 =	vadd.s32 v49, v39  }
0x388: {  	v5 =	vadd.s32 v29, v45;
	[tilespmem:v51+s20+$0x0] =	vst.idx.msk $0xffff, v3;
	v3 =	vld [tilespmem:s14+$0x110]  }
0x389: {  	v62 =	vld [tilespmem:s14+$0x150];
	[tilespmem:v53+s20+$0x0] =	vst.idx.msk $0xffff, v52;
	v52 =	vadd.s32 v61, v46  }
0x38a: {  	[tilespmem:v55+s20+$0x0] =	vst.idx.msk $0xffff, v0;
	v0 =	vld [tilespmem:s14+$0x190];
	v53 =	vadd.s32 v49, v47  }
0x38b: {  	v55 =	vld [tilespmem:s14+$0xFFFFFE10];
	[tilespmem:v63+s20+$0x0] =	vst.idx.msk $0xffff, v11;
	v63 =	vadd.s32 v13, v34  }
0x38c: {  	v4 =	vadd.s32 v25, v44;
	[tilespmem:v50+s20+$0x0] =	vst.idx.msk $0xffff, v2;
	v2 =	vld [tilespmem:s14+$0xD0]  }
0x38d: {  	[tilespmem:v5+s20+$0x0] =	vst.idx.msk $0xffff, v3  }
0x38e: {  	[tilespmem:v52+s20+$0x0] =	vst.idx.msk $0xffff, v62  }
0x38f: {  	v9 =	vld [tilespmem:s14+$0xFFFFFE60];
	v10 =	vadd.s32 v18, v33;
	[tilespmem:v53+s20+$0x0] =	vst.idx.msk $0xffff, v0  }
0x390: {  	[tilespmem:v63+s20+$0x0] =	vst.idx.msk $0xffff, v55  }
0x391: {  	[tilespmem:v4+s20+$0x0] =	vst.idx.msk $0xffff, v2  }
0x392: {  	v53 =	vld [tilespmem:$0x1FF20]  }
0x393: {  	v3 =	vld [tilespmem:s14+$0xFFFFFEE0];
	v50 =	vadd.s32 v26, v36  }
0x394: {  	v6 =	vld [tilespmem:s14+$0xFFFFFF20];
	v62 =	vadd.s32 v30, v37;
	[tilespmem:v10+s20+$0x0] =	vst.idx.msk $0xffff, v9  }
0x395: {  	v55 =	vld [tilespmem:$0x1FF60]  }
0x396: {  	v2 =	vld [tilespmem:s14+$0xFFFFFEA0];
	v4 =	vadd.s32 v22, v35  }
0x397: {  	v0 =	vld [tilespmem:s14+$0xFFFFFF60];
	v63 =	vadd.s32 v53, v38  }
0x398: {  	[tilespmem:v50+s20+$0x0] =	vst.idx.msk $0xffff, v3;
	v3 =	vld [tilespmem:s14+$0x20];
	v50 =	vadd.s32 v14, v41  }
0x399: {  	v51 =	vld [tilespmem:s14+$0x60];
	[tilespmem:v62+s20+$0x0] =	vst.idx.msk $0xffff, v6;
	v62 =	vadd.s32 v18, v42  }
0x39a: {  	v9 =	vld [tilespmem:s14+$0xFFFFFFA0];
	v52 =	vadd.s32 v55, v39  }
0x39b: {  	v48 =	vadd.s32 v32, v40;
	[tilespmem:v4+s20+$0x0] =	vst.idx.msk $0xffff, v2;
	v2 =	vld [tilespmem:s14+$0xFFFFFFE0]  }
0x39c: {  	[tilespmem:v63+s20+$0x0] =	vst.idx.msk $0xffff, v0;
	v0 =	vld [tilespmem:s14+$0xA0];
	v63 =	vadd.s32 v22, v43  }
0x39d: {  	[tilespmem:v50+s20+$0x0] =	vst.idx.msk $0xffff, v3  }
0x39e: {  	v6 =	vld [tilespmem:s14+$0x1A0];
	[tilespmem:v62+s20+$0x0] =	vst.idx.msk $0xffff, v51  }
0x39f: {  	[tilespmem:v52+s20+$0x0] =	vst.idx.msk $0xffff, v9;
	v9 =	vld [tilespmem:s14+$0xE0];
	v52 =	vadd.s32 v26, v44  }
0x3a0: {  	v32 =	vadd.s32 v30, v45;
	[tilespmem:v48+s20+$0x0] =	vst.idx.msk $0xffff, v2;
	v2 =	vld [tilespmem:s14+$0x120]  }
0x3a1: {  	v5 =	vadd.s32 v53, v46;
	v3 =	vld [tilespmem:s14+$0x160];
	[tilespmem:v63+s20+$0x0] =	vst.idx.msk $0xffff, v0  }
0x3a2: {  	v7 =	vadd.s32 v55, v47;
	v63 =	vld [tilespmem:$0x1FE30]  }
0x3a3: {  	v11 =	vld [tilespmem:s14+$0xFFFFFE20];
	v48 =	vadd.s32 v14, v34  }
0x3a4: {  	v62 =	vadd.s32 v23, v35;
	[tilespmem:v52+s20+$0x0] =	vst.idx.msk $0xffff, v9;
	v52 =	vld [tilespmem:s14+$0xFFFFFEB0]  }
0x3a5: {  	[tilespmem:v32+s20+$0x0] =	vst.idx.msk $0xffff, v2;
	v2 =	vld [tilespmem:s14+$0xFFFFFEF0];
	v32 =	vadd.s32 v27, v36  }
0x3a6: {  	v35 =	vld [tilespmem:s14+$0xFFFFFF70];
	[tilespmem:v5+s20+$0x0] =	vst.idx.msk $0xffff, v3;
	v36 =	vadd.s32 v19, v38  }
0x3a7: {  	v0 =	vld [tilespmem:s14+$0xFFFFFE70];
	[tilespmem:v7+s20+$0x0] =	vst.idx.msk $0xffff, v6;
	v51 =	vadd.s32 v63, v33  }
0x3a8: {  	v3 =	vld [tilespmem:s14+$0xFFFFFF30];
	[tilespmem:v48+s20+$0x0] =	vst.idx.msk $0xffff, v11;
	v33 =	vadd.s32 v31, v37  }
0x3a9: {  	v50 =	vadd.s32 v31, v45;
	v48 =	vld [tilespmem:s14+$0x130];
	[tilespmem:v62+s20+$0x0] =	vst.idx.msk $0xffff, v52  }
0x3aa: {  	v38 =	vld [tilespmem:s14+$0xFFFFFFF0];
	v37 =	vadd.s32 v24, v39;
	v39 =	vadd.s32 v20, v40;
	[tilespmem:v32+s20+$0x0] =	vst.idx.msk $0xffff, v2  }
0x3ab: {  	v2 =	vld [tilespmem:s14+$0x30];
	v40 =	vadd.s32 v15, v41;
	[tilespmem:v36+s20+$0x0] =	vst.idx.msk $0xffff, v35  }
0x3ac: {  	[tilespmem:v51+s20+$0x0] =	vst.idx.msk $0xffff, v0;
	v0 =	vld [tilespmem:s14+$0xFFFFFFB0]  }
0x3ad: {  	v41 =	vadd.s32 v63, v42;
	[tilespmem:v33+s20+$0x0] =	vst.idx.msk $0xffff, v3;
	v3 =	vld [tilespmem:s14+$0x70]  }
0x3ae: {  	v43 =	vadd.s32 v23, v43;
	v42 =	vld [tilespmem:s14+$0xB0];
	[tilespmem:v50+s20+$0x0] =	vst.idx.msk $0xffff, v48  }
0x3af: {  	v11 =	vld [tilespmem:s14+$0xFFFFFE30];
	v62 =	vadd.s32 v15, v34;
	[tilespmem:v39+s20+$0x0] =	vst.idx.msk $0xffff, v38  }
0x3b0: {  	[tilespmem:v40+s20+$0x0] =	vst.idx.msk $0xffff, v2;
	v2 =	vld [tilespmem:s14+$0x170];
	v51 =	vadd.s32 v19, v46  }
0x3b1: {  	v44 =	vadd.s32 v27, v44;
	[tilespmem:v37+s20+$0x0] =	vst.idx.msk $0xffff, v0;
	v0 =	vld [tilespmem:s14+$0xF0]  }
0x3b2: {  	v52 =	vadd.s32 v24, v47;
	[tilespmem:v41+s20+$0x0] =	vst.idx.msk $0xffff, v3;
	v3 =	vld [tilespmem:s14+$0x1B0]  }
0x3b3: {  	[tilespmem:v43+s20+$0x0] =	vst.idx.msk $0xffff, v42  }
0x3b4: {  	[tilespmem:v62+s20+$0x0] =	vst.idx.msk $0xffff, v11  }
0x3b5: {  	s16 =	sshll.u32 s29, $0x10;
	[tilespmem:v51+s20+$0x0] =	vst.idx.msk $0xffff, v2  }
0x3b6: {  	s31 =	sor.u32 s9, s16;
	[tilespmem:v44+s20+$0x0] =	vst.idx.msk $0xffff, v0  }
0x3b7: {  	s25 =	simm.s32 $0x7200;
	s2 =	sadd.s32 s3, s31;
	[tilespmem:v52+s20+$0x0] =	vst.idx.msk $0xffff, v3  }
0x3b8: {  	[hbm4b:s2+s4] =	stream.linear.scatter [tilespmem:s25], [sflag:$0x3], $0x80, $0x38;
	[tilespmem:$0xB600] =	vst v63  }
0x3b9: {  	s7 =	simm.s32 $0x7288;
	s14 =	sadd.s32 $0x10, s2  }
0x3ba: {  	[hbm4b:s14+s4] =	stream.linear.scatter [tilespmem:s7], [sflag:$0x3], $0x80, $0x38;
	[tilespmem:$0xB600] =	vst v63  }
0x3bb: {  	s16 =	sadd.s32 $0x20, s2;
	s14 =	simm.s32 $0x7310  }
0x3bc: {  	[hbm4b:s16+s4] =	stream.linear.scatter [tilespmem:s14], [sflag:$0x3], $0x80, $0x38;
	[tilespmem:$0xB600] =	vst v63  }
0x3bd: {  	s25 =	simm.s32 $0x7398;
	s7 =	sadd.s32 $0x30, s2  }
0x3be: {  	[hbm4b:s7+s4] =	stream.linear.scatter [tilespmem:s25], [sflag:$0x3], $0x80, $0x38;
	[tilespmem:$0xB600] =	vst v63  }
0x3bf: {  	s14 =	simm.s32 $0x7420;
	s16 =	sadd.s32 $0x40, s2  }
0x3c0: {  	[hbm4b:s16+s4] =	stream.linear.scatter [tilespmem:s14], [sflag:$0x3], $0x80, $0x38;
	[tilespmem:$0xB600] =	vst v63  }
0x3c1: {  	s0 =	simm.s32 $0x440;
	s25 =	simm.s32 $0x74A8;
	s7 =	sadd.s32 $0x50, s2  }
0x3c2: {  	[hbm4b:s7+s4] =	stream.linear.scatter [tilespmem:s25], [sflag:$0x3], $0x80, $0x38;
	[tilespmem:$0xB600] =	vst v63  }
0x3c3: {  	s16 =	simm.s32 $0x7530;
	s14 =	simm.s32 $0x75B8;
	s25 =	sadd.s32 $0x60, s2  }
0x3c4: {  	[hbm4b:s25+s4] =	stream.linear.scatter [tilespmem:s16], [sflag:$0x3], $0x80, $0x38;
	[tilespmem:$0xB600] =	vst v63  }
0x3c5: {  	v24 =	vmovc v60;
	v60 =	vmov v19;
	v32 =	vmov v49;
	v19 =	vmov v20;
	s25 =	simm.s32 $0x2200;
	s16 =	sadd.s32 $0x70, s2;
	s2 =	sadd.s32 $0x1000, s2  }
.LBB2_20:
0x3c6: {  	[hbm4b:s16+s4] =	stream.linear.scatter [tilespmem:s14], [sflag:$0x3], $0x80, $0x38;
	[tilespmem:$0xB600] =	vst v63  }
0x3c7: {  	s14 =	smov.u32 s0;
	s0 =	smov.u32 s25  }
0x3c8: {  	s7 =	sadd.s32 $0x1100, s25;
	s0 =	sshra.s32 s0, $0x2;
	s16 =	sadd.s32 $0x7200, s14  }
0x3c9: {  	[hbm4b:s2+s4] =	stream.linear.scatter [tilespmem:s16], [sflag:$0x3], $0x80, $0x38;
	[tilespmem:$0xB600] =	vst v63  }
0x3ca: {  	p1 =	sne.s32 s25, $0x7700;
	s25 =	sadd.s32 $0x10, s2;
	s16 =	sadd.s32 $0x7288, s14  }
0x3cb: {  	[hbm4b:s25+s4] =	stream.linear.scatter [tilespmem:s16], [sflag:$0x3], $0x80, $0x38;
	[tilespmem:$0xB600] =	vst v63  }
0x3cc: {  	s16 =	sadd.s32 $0x7310, s14;
	s25 =	sadd.s32 $0x20, s2  }
0x3cd: {  	[hbm4b:s25+s4] =	stream.linear.scatter [tilespmem:s16], [sflag:$0x3], $0x80, $0x38;
	[tilespmem:$0xB600] =	vst v63  }
0x3ce: {  	s16 =	sadd.s32 $0x7398, s14;
	s25 =	sadd.s32 $0x30, s2  }
0x3cf: {  	[hbm4b:s25+s4] =	stream.linear.scatter [tilespmem:s16], [sflag:$0x3], $0x80, $0x38;
	[tilespmem:$0xB600] =	vst v63  }
0x3d0: {  	s16 =	sadd.s32 $0x7420, s14;
	s25 =	sadd.s32 $0x40, s2  }
0x3d1: {  	[hbm4b:s25+s4] =	stream.linear.scatter [tilespmem:s16], [sflag:$0x3], $0x80, $0x38;
	[tilespmem:$0xB600] =	vst v63  }
.Ltmp12:
0x3d2: {  	s16 =	sadd.s32 $0x74A8, s14;
	s25 =	sadd.s32 $0x50, s2;
	(pc) =	sbr.rel @p1 .LBB2_20-.Ltmp12, $4  }
0x3d3: {  	[hbm4b:s25+s4] =	stream.linear.scatter [tilespmem:s16], [sflag:$0x3], $0x80, $0x38;
	[tilespmem:$0xB600] =	vst v63  }
0x3d4: {  	s16 =	sadd.s32 $0x7530, s14;
	s25 =	sadd.s32 $0x60, s2;
	s14 =	sadd.s32 $0x75B8, s14  }
0x3d5: {  	[hbm4b:s25+s4] =	stream.linear.scatter [tilespmem:s16], [sflag:$0x3], $0x80, $0x38;
	[tilespmem:$0xB600] =	vst v63  }
0x3d6: {  	s16 =	sadd.s32 $0x70, s2;
	s2 =	sadd.s32 $0x1000, s2;
	s25 =	smov.u32 s7  }
0x3d7: {  	[hbm4b:s16+s4] =	stream.linear.scatter [tilespmem:s14], [sflag:$0x3], $0x80, $0x38;
	[tilespmem:$0xB600] =	vst v63  }
0x3d8: {  	s7 =	sadd.s32 $0x7200, s0  }
0x3d9: {  	[hbm4b:s2+s4] =	stream.linear.scatter [tilespmem:s7], [sflag:$0x3], $0x80, $0x38;
	[tilespmem:$0xB600] =	vst v63  }
0x3da: {  	s16 =	sadd.s32 $0x7288, s0;
	s25 =	sadd.s32 $0x10, s2  }
0x3db: {  	[hbm4b:s25+s4] =	stream.linear.scatter [tilespmem:s16], [sflag:$0x3], $0x80, $0x38;
	[tilespmem:$0xB600] =	vst v63  }
0x3dc: {  	s16 =	sadd.s32 $0x7310, s0;
	s25 =	sadd.s32 $0x20, s2  }
0x3dd: {  	[hbm4b:s25+s4] =	stream.linear.scatter [tilespmem:s16], [sflag:$0x3], $0x80, $0x38;
	[tilespmem:$0xB600] =	vst v63  }
0x3de: {  	s16 =	sadd.s32 $0x7398, s0;
	s25 =	sadd.s32 $0x30, s2  }
0x3df: {  	[hbm4b:s25+s4] =	stream.linear.scatter [tilespmem:s16], [sflag:$0x3], $0x80, $0x38;
	[tilespmem:$0xB600] =	vst v63  }
0x3e0: {  	s16 =	sadd.s32 $0x7420, s0;
	s25 =	sadd.s32 $0x40, s2  }
0x3e1: {  	[hbm4b:s25+s4] =	stream.linear.scatter [tilespmem:s16], [sflag:$0x3], $0x80, $0x38;
	[tilespmem:$0xB600] =	vst v63  }
0x3e2: {  	p1 =	sne.s32 s29, $0x18;
	s16 =	sadd.s32 $0x74A8, s0;
	s25 =	sadd.s32 $0x50, s2  }
0x3e3: {  	[hbm4b:s25+s4] =	stream.linear.scatter [tilespmem:s16], [sflag:$0x3], $0x80, $0x38;
	[tilespmem:$0xB600] =	vst v63  }
.Ltmp13:
0x3e4: {  	_ = 	snop;
	(pc) =	sbr.rel @p1 .LBB2_23-.Ltmp13, $4  }
0x3e5: {  	s16 =	sadd.s32 $0x7530, s0;
	s25 =	sadd.s32 $0x60, s2  }
0x3e6: {  	[hbm4b:s25+s4] =	stream.linear.scatter [tilespmem:s16], [sflag:$0x3], $0x80, $0x38;
	[tilespmem:$0xB600] =	vst v63  }
0x3e7: {  	s16 =	sadd.s32 $0x75B8, s0;
	s25 =	sadd.s32 $0x70, s2  }
0x3e8: {  	[hbm4b:s25+s4] =	stream.linear.scatter [tilespmem:s16], [sflag:$0x3], $0x80, $0x38;
	[tilespmem:$0xB600] =	vst v63  }
.Ltmp14:
0x3e9: {  	(pc) =	sbr.rel .LBB2_24-.Ltmp14, $4  }
0x3ea: {  	_ = 	snop  }
0x3eb: {  	_ =	swait.ge [sflag:s21], $0x2000  }
0x3ec: {  	[sflag:s21] =	ssyncset.done $0x0  }
0x3ed: {  	[sflag:s21] =	ssyncadd.s32 $0xFFFFE000  }
.LBB2_23:
0x3ee: {  	s0 =	sshrl.u32 s30, $0x2  }
.Ltmp15:
0x3ef: {  	s0 =	sadd.s32 $0x1A00, s0;
	(pc) =	sbr.rel @p0 .LBB2_25-.Ltmp15, $4  }
0x3f0: {  	[tilespmem:s17], [sflag:$0x1] =	stream.indirect.gather [hbm4b:s6+s13], $0x40, s0, s13, $0xb8;
	[tilespmem:$0xB600] =	vst v63  }
0x3f1: {  	_ =	swait.ge [sflag:s21], $0x2000  }
0x3f2: {  	[sflag:s21] =	ssyncset.done $0x0  }
0x3f3: {  	[sflag:s21] =	ssyncadd.s32 $0xFFFFE000  }
.LBB2_24:
0x3f4: {  	_ =	swait.ge [sflag:s22], $0x2000  }
0x3f5: {  	[sflag:s22] =	ssyncset.done $0x0  }
0x3f6: {  	[sflag:s22] =	ssyncadd.s32 $0xFFFFE000  }
.LBB2_25:
0x3f7: {  	s0 =	simm.s32 $0x0  }
0x3f8: {  	s16 =	simm.s32 $0x1;
	s25 =	simm.s32 $0x2;
	s2 =	simm.s32 $0x3;
	v0 =	vmov s0  }
0x3f9: {  	s7 =	simm.s32 $0x4;
	s14 =	simm.s32 $0x5;
	v2 =	vmov s16;
	v3 =	vmov s25;
	v4 =	vmov s2  }
0x3fa: {  	v5 =	vmov s7;
	s16 =	simm.s32 $0x6;
	s25 =	simm.s32 $0x7;
	v6 =	vmov s14;
	s14 =	simm.s32 $0x8;
	v0 =	vshrl.u32 v0, $0x3  }
0x3fb: {  	s2 =	simm.s32 $0xB;
	v7 =	vmov s16;
	v8 =	vmov s25;
	v9 =	vmov s14  }
0x3fc: {  	v34 =	vmov s2;
	v2 =	vshrl.u32 v2, $0x3;
	s2 =	simm.s32 $0xF;
	v3 =	vshrl.u32 v3, $0x3  }
0x3fd: {  	s16 =	simm.s32 $0x9;
	v4 =	vshrl.u32 v4, $0x3;
	v5 =	vshrl.u32 v5, $0x3;
	v33 =	vmov s2  }
0x3fe: {  	s25 =	simm.s32 $0xA;
	s14 =	simm.s32 $0xC;
	v6 =	vshrl.u32 v6, $0x3;
	v10 =	vmov s16;
	v33 =	vshrl.u32 v33, $0x3  }
0x3ff: {  	v11 =	vmov s25;
	v35 =	vmov s14;
	v33 =	vshll.u32 v33, v1  }
0x400: {  	v0 =	vshll.u32 v0, v1;
	v7 =	vshrl.u32 v7, $0x3;
	v48 =	vbroadcast v33, $0x0  }
0x401: {  	v8 =	vshrl.u32 v8, $0x3;
	s2 =	simm.s32 $0x5400;
	v33 =	vbroadcast v0, $0x0;
	v0 =	vshll.u32 v2, v1  }
0x402: {  	v2 =	vld [tilespmem:s2+$0x1C0];
	v47 =	vbroadcast v0, $0x0;
	v0 =	vshll.u32 v3, v1;
	v3 =	vadd.s32 v58, v48  }
0x403: {  	v38 =	vld [tilespmem:s2+$0xFFFFFE00];
	v41 =	vadd.s32 v12, v33;
	v46 =	vbroadcast v0, $0x0;
	v0 =	vshll.u32 v4, v1  }
0x404: {  	v4 =	vld [tilespmem:s2+$0xFFFFFE40];
	v42 =	vadd.s32 v16, v47;
	v45 =	vbroadcast v0, $0x0;
	v0 =	vshll.u32 v5, v1  }
0x405: {  	s16 =	simm.s32 $0xD;
	v9 =	vshrl.u32 v9, $0x3;
	v5 =	vld [tilespmem:s2+$0xFFFFFE80];
	v43 =	vadd.s32 v57, v46;
	v39 =	vbroadcast v0, $0x0  }
0x406: {  	s25 =	simm.s32 $0xE;
	v6 =	vshll.u32 v6, v1;
	v36 =	vmov s16;
	v62 =	vld [tilespmem:s2+$0xFFFFFEC0];
	v44 =	vadd.s32 v24, v45  }
0x407: {  	v37 =	vmov s25;
	v49 =	vld [tilespmem:s2+$0xFFFFFF00];
	v40 =	vbroadcast v6, $0x0;
	v50 =	vadd.s32 v28, v39;
	[tilespmem:v3+s23+$0x0] =	vst.idx.msk $0xffff, v2  }
0x408: {  	v10 =	vshrl.u32 v10, $0x3;
	v11 =	vshrl.u32 v11, $0x3;
	v6 =	vadd.s32 v56, v48;
	[tilespmem:v41+s23+$0x0] =	vst.idx.msk $0xffff, v38;
	v3 =	vld [tilespmem:s2+$0x1D0]  }
0x409: {  	v35 =	vshrl.u32 v35, $0x3;
	v52 =	vshll.u32 v7, v1;
	v7 =	vadd.s32 v54, v40;
	[tilespmem:v42+s23+$0x0] =	vst.idx.msk $0xffff, v4;
	v4 =	vld [tilespmem:s2+$0xFFFFFF40]  }
0x40a: {  	v11 =	vshll.u32 v11, v1;
	v38 =	vbroadcast v52, $0x0;
	v2 =	vshll.u32 v8, v1;
	[tilespmem:v43+s23+$0x0] =	vst.idx.msk $0xffff, v5  }
0x40b: {  	v51 =	vld [tilespmem:s2+$0x40];
	v0 =	vshrl.u32 v34, $0x3;
	v41 =	vbroadcast v2, $0x0;
	v2 =	vshll.u32 v9, v1;
	[tilespmem:v44+s23+$0x0] =	vst.idx.msk $0xffff, v62  }
0x40c: {  	v5 =	vld [tilespmem:s2+$0xFFFFFF80];
	v8 =	vadd.s32 v59, v38;
	v42 =	vbroadcast v2, $0x0;
	v2 =	vshll.u32 v10, v1;
	[tilespmem:v50+s23+$0x0] =	vst.idx.msk $0xffff, v49  }
0x40d: {  	v0 =	vshll.u32 v0, v1;
	v9 =	vld [tilespmem:s2+$0xFFFFFFC0];
	v10 =	vadd.s32 v58, v41;
	v43 =	vbroadcast v2, $0x0;
	[tilespmem:v6+s23+$0x0] =	vst.idx.msk $0xffff, v3  }
0x40e: {  	v34 =	vbroadcast v0, $0x0;
	v0 =	vshll.u32 v35, v1;
	v58 =	vld [tilespmem:s2+$0x0];
	v62 =	vadd.s32 v12, v42;
	[tilespmem:v7+s23+$0x0] =	vst.idx.msk $0xffff, v4  }
0x40f: {  	v2 =	vshrl.u32 v36, $0x3;
	v44 =	vbroadcast v11, $0x0;
	v52 =	vadd.s32 v16, v43;
	v20 =	vld [tilespmem:$0x1FF90]  }
0x410: {  	v35 =	vbroadcast v0, $0x0;
	v0 =	vshll.u32 v2, v1;
	v2 =	vld [tilespmem:s2+$0xC0];
	v7 =	vadd.s32 v24, v34  }
0x411: {  	v37 =	vshrl.u32 v37, $0x3;
	v36 =	vbroadcast v0, $0x0;
	v6 =	vadd.s32 v57, v44;
	[tilespmem:v8+s23+$0x0] =	vst.idx.msk $0xffff, v5;
	v5 =	vld [tilespmem:s2+$0x80]  }
0x412: {  	v0 =	vshll.u32 v37, v1;
	v57 =	vadd.s32 v28, v35;
	v8 =	vld [tilespmem:s2+$0x100];
	[tilespmem:v10+s23+$0x0] =	vst.idx.msk $0xffff, v9  }
0x413: {  	v37 =	vbroadcast v0, $0x0;
	v0 =	vld [tilespmem:s2+$0x140];
	[tilespmem:v62+s23+$0x0] =	vst.idx.msk $0xffff, v58;
	v58 =	vadd.s32 v54, v36  }
0x414: {  	v3 =	vld [tilespmem:s2+$0x1E0];
	[tilespmem:v52+s23+$0x0] =	vst.idx.msk $0xffff, v51;
	v4 =	vadd.s32 v20, v48  }
0x415: {  	v11 =	vld [tilespmem:s2+$0x180];
	v62 =	vadd.s32 v59, v37;
	[tilespmem:v7+s23+$0x0] =	vst.idx.msk $0xffff, v2  }
0x416: {  	v54 =	vadd.s32 v21, v46;
	v2 =	vld [tilespmem:s2+$0xFFFFFE90];
	[tilespmem:v6+s23+$0x0] =	vst.idx.msk $0xffff, v5  }
0x417: {  	v52 =	vadd.s32 v17, v47;
	v5 =	vld [tilespmem:s2+$0xFFFFFE50];
	[tilespmem:v57+s23+$0x0] =	vst.idx.msk $0xffff, v8  }
0x418: {  	v8 =	vld [tilespmem:s2+$0xFFFFFED0];
	v57 =	vadd.s32 v25, v45;
	[tilespmem:v58+s23+$0x0] =	vst.idx.msk $0xffff, v0  }
0x419: {  	v0 =	vld [tilespmem:s2+$0xFFFFFF10];
	v58 =	vadd.s32 v29, v39;
	[tilespmem:v4+s23+$0x0] =	vst.idx.msk $0xffff, v3  }
0x41a: {  	[tilespmem:v62+s23+$0x0] =	vst.idx.msk $0xffff, v11;
	v4 =	vadd.s32 v19, v48;
	v3 =	vld [tilespmem:s2+$0x1F0]  }
0x41b: {  	v59 =	vld [tilespmem:s2+$0xFFFFFF50];
	v62 =	vadd.s32 v61, v40;
	[tilespmem:v54+s23+$0x0] =	vst.idx.msk $0xffff, v2  }
0x41c: {  	v2 =	vld [tilespmem:s2+$0xFFFFFFD0];
	v54 =	vadd.s32 v56, v41;
	[tilespmem:v52+s23+$0x0] =	vst.idx.msk $0xffff, v5  }
0x41d: {  	v56 =	vld [tilespmem:s2+$0x10];
	[tilespmem:v57+s23+$0x0] =	vst.idx.msk $0xffff, v8;
	v57 =	vadd.s32 v13, v42  }
0x41e: {  	[tilespmem:v58+s23+$0x0] =	vst.idx.msk $0xffff, v0;
	v0 =	vld [tilespmem:s2+$0x50];
	v58 =	vadd.s32 v17, v43  }
0x41f: {  	v52 =	vadd.s32 v32, v38;
	[tilespmem:v4+s23+$0x0] =	vst.idx.msk $0xffff, v3;
	v3 =	vld [tilespmem:s2+$0xFFFFFF90]  }
0x420: {  	v9 =	vld [tilespmem:s2+$0x90];
	[tilespmem:v62+s23+$0x0] =	vst.idx.msk $0xffff, v59;
	v59 =	vadd.s32 v21, v44  }
0x421: {  	v50 =	vadd.s32 v30, v39;
	v49 =	vld [tilespmem:s2+$0xFFFFFF20];
	[tilespmem:v54+s23+$0x0] =	vst.idx.msk $0xffff, v2  }
0x422: {  	v5 =	vadd.s32 v29, v35;
	v2 =	vld [tilespmem:s2+$0x110];
	[tilespmem:v57+s23+$0x0] =	vst.idx.msk $0xffff, v56  }
0x423: {  	v56 =	vadd.s32 v32, v37;
	[tilespmem:v58+s23+$0x0] =	vst.idx.msk $0xffff, v0;
	v0 =	vld [tilespmem:s2+$0x190]  }
0x424: {  	v62 =	vadd.s32 v25, v34;
	[tilespmem:v52+s23+$0x0] =	vst.idx.msk $0xffff, v3;
	v3 =	vld [tilespmem:s2+$0xD0]  }
0x425: {  	v57 =	vld [tilespmem:s2+$0xFFFFFE10];
	v58 =	vadd.s32 v13, v33;
	[tilespmem:v59+s23+$0x0] =	vst.idx.msk $0xffff, v9  }
0x426: {  	v54 =	vadd.s32 v61, v36;
	v61 =	vadd.s32 v18, v47;
	v59 =	vld [tilespmem:s2+$0xFFFFFE60];
	[tilespmem:v50+s23+$0x0] =	vst.idx.msk $0xffff, v49  }
0x427: {  	v32 =	vadd.s32 v26, v45;
	[tilespmem:v5+s23+$0x0] =	vst.idx.msk $0xffff, v2;
	v2 =	vld [tilespmem:s2+$0xFFFFFEE0]  }
0x428: {  	v52 =	vld [tilespmem:s2+$0x150];
	[tilespmem:v56+s23+$0x0] =	vst.idx.msk $0xffff, v0  }
0x429: {  	[tilespmem:v62+s23+$0x0] =	vst.idx.msk $0xffff, v3;
	v3 =	vld [tilespmem:s2+$0xFFFFFEA0];
	v62 =	vadd.s32 v22, v46  }
0x42a: {  	v51 =	vadd.s32 v53, v40;
	[tilespmem:v58+s23+$0x0] =	vst.idx.msk $0xffff, v57;
	v0 =	vld [tilespmem:s2+$0xFFFFFF60]  }
0x42b: {  	v7 =	vadd.s32 v55, v37;
	[tilespmem:v61+s23+$0x0] =	vst.idx.msk $0xffff, v59;
	v6 =	vld [tilespmem:s2+$0x1A0]  }
0x42c: {  	v59 =	vadd.s32 v14, v42;
	[tilespmem:v32+s23+$0x0] =	vst.idx.msk $0xffff, v2;
	v2 =	vld [tilespmem:s2+$0x20]  }
0x42d: {  	[tilespmem:v54+s23+$0x0] =	vst.idx.msk $0xffff, v52;
	v52 =	vld [tilespmem:s2+$0xFFFFFFA0];
	v54 =	vadd.s32 v55, v38  }
0x42e: {  	v56 =	vadd.s32 v20, v41;
	[tilespmem:v62+s23+$0x0] =	vst.idx.msk $0xffff, v3;
	v3 =	vld [tilespmem:s2+$0xFFFFFFE0]  }
0x42f: {  	v61 =	vld [tilespmem:s2+$0x60];
	[tilespmem:v51+s23+$0x0] =	vst.idx.msk $0xffff, v0;
	v62 =	vadd.s32 v18, v43  }
0x430: {  	v32 =	vadd.s32 v22, v44;
	v0 =	vld [tilespmem:s2+$0xA0];
	[tilespmem:v7+s23+$0x0] =	vst.idx.msk $0xffff, v6  }
0x431: {  	v58 =	vadd.s32 v26, v34;
	v57 =	vld [tilespmem:s2+$0xE0];
	[tilespmem:v59+s23+$0x0] =	vst.idx.msk $0xffff, v2  }
0x432: {  	v5 =	vadd.s32 v53, v36;
	v2 =	vld [tilespmem:s2+$0x160];
	[tilespmem:v54+s23+$0x0] =	vst.idx.msk $0xffff, v52  }
0x433: {  	v4 =	vadd.s32 v30, v35;
	[tilespmem:v56+s23+$0x0] =	vst.idx.msk $0xffff, v3;
	v3 =	vld [tilespmem:s2+$0x120]  }
0x434: {  	v48 =	vld [tilespmem:s2+$0xFFFFFE20];
	[tilespmem:v62+s23+$0x0] =	vst.idx.msk $0xffff, v61;
	v61 =	vadd.s32 v14, v33  }
0x435: {  	s14 =	simm.s32 $0x11;
	v47 =	vadd.s32 v63, v47;
	[tilespmem:v32+s23+$0x0] =	vst.idx.msk $0xffff, v0;
	v62 =	vld [tilespmem:s2+$0xFFFFFE70]  }
0x436: {  	s25 =	simm.s32 $0x13;
	v39 =	vadd.s32 v31, v39;
	v55 =	vmov s14;
	s14 =	simm.s32 $0x15;
	[tilespmem:v58+s23+$0x0] =	vst.idx.msk $0xffff, v57  }
0x437: {  	s7 =	simm.s32 $0x10;
	v8 =	vmov s25;
	v44 =	vadd.s32 v23, v44;
	v10 =	vmov s14;
	v6 =	vld [tilespmem:s2+$0xFFFFFF70];
	[tilespmem:v5+s23+$0x0] =	vst.idx.msk $0xffff, v2  }
0x438: {  	v7 =	vadd.s32 v60, v40;
	v59 =	vmov s7;
	s7 =	simm.s32 $0x14;
	v32 =	vadd.s32 v23, v46;
	v56 =	vld [tilespmem:s2+$0xFFFFFEB0];
	[tilespmem:v4+s23+$0x0] =	vst.idx.msk $0xffff, v3  }
0x439: {  	s25 =	simm.s32 $0x17;
	s14 =	simm.s32 $0x19;
	v40 =	vshrl.u32 v8, $0x3;
	v11 =	vshrl.u32 v59, $0x3;
	v9 =	vmov s7;
	v2 =	vld [tilespmem:s2+$0xFFFFFF30];
	[tilespmem:v61+s23+$0x0] =	vst.idx.msk $0xffff, v48  }
0x43a: {  	s7 =	simm.s32 $0x18;
	v59 =	vadd.s32 v27, v45;
	v45 =	vmov s14;
	s14 =	simm.s32 $0x1C;
	v52 =	vmov s25;
	s25 =	simm.s32 $0x1B;
	v4 =	vld [tilespmem:s2+$0xFFFFFEF0];
	[tilespmem:v47+s23+$0x0] =	vst.idx.msk $0xffff, v62  }
0x43b: {  	s16 =	simm.s32 $0x12;
	v53 =	vmov s7;
	v51 =	vmov s14;
	v50 =	vmov s25;
	s25 =	simm.s32 $0x1E;
	v20 =	vld [tilespmem:$0x1FF70]  }
0x43c: {  	v54 =	vshll.u32 v11, v1;
	v0 =	vmov s16;
	s16 =	simm.s32 $0x16;
	v57 =	vld [tilespmem:s2+$0xFFFFFFB0];
	v49 =	vmov s25  }
0x43d: {  	v58 =	vld [tilespmem:s2+$0xFFFFFFF0];
	v3 =	vmov s16;
	s16 =	simm.s32 $0x1A;
	v61 =	vadd.s32 v19, v41;
	v62 =	vadd.s32 v15, v42;
	[tilespmem:v32+s23+$0x0] =	vst.idx.msk $0xffff, v56  }
0x43e: {  	v42 =	vld [tilespmem:s2+$0x70];
	v41 =	vshrl.u32 v10, $0x3;
	v46 =	vmov s16;
	v32 =	vmovc v19;
	v56 =	vshrl.u32 v55, $0x3;
	[tilespmem:v39+s23+$0x0] =	vst.idx.msk $0xffff, v2  }
0x43f: {  	s16 =	simm.s32 $0x1D;
	v55 =	vshrl.u32 v0, $0x3;
	v19 =	vmovc v63;
	v63 =	vadd.s32 v63, v43;
	[tilespmem:v7+s23+$0x0] =	vst.idx.msk $0xffff, v6;
	v39 =	vshrl.u32 v3, $0x3;
	v43 =	vld [tilespmem:s2+$0xB0]  }
0x440: {  	s0 =	simm.s32 $0x20;
	v24 =	vmovc v60;
	s25 =	simm.s32 $0x1F;
	v48 =	vmov s16;
	[tilespmem:v59+s23+$0x0] =	vst.idx.msk $0xffff, v4;
	v59 =	vld [tilespmem:s2+$0x30];
	v60 =	vadd.s32 v20, v38;
	v38 =	vshrl.u32 v9, $0x3  }
.LBB2_26:
0x441: {  	v3 =	vld [tilespmem:s2+$0xF0]  }
0x442: {  	v6 =	vld [tilespmem:s2+$0x130]  }
0x443: {  	v9 =	vld [tilespmem:s2+$0x170]  }
0x444: {  	v4 =	vadd.s32 v27, v34;
	v34 =	vld [tilespmem:s2+$0x1B0]  }
0x445: {  	v0 =	vshrl.u32 v52, $0x3;
	v5 =	vshrl.u32 v53, $0x3;
	v52 =	vld [tilespmem:$0x1FFB0];
	v53 =	vshll.u32 v38, v1  }
0x446: {  	v38 =	vbroadcast v53, $0x0;
	v53 =	vld [tilespmem:$0x1FF40]  }
0x447: {  	[tilespmem:v61+s23+$0x0] =	vst.idx.msk $0xffff, v58;
	v61 =	vadd.s32 v20, v37;
	v37 =	vld [tilespmem:s2+$0xFFFFFE30]  }
0x448: {  	[tilespmem:v62+s23+$0x0] =	vst.idx.msk $0xffff, v59;
	v62 =	vshll.u32 v56, v1;
	v56 =	vld [tilespmem:$0x1FFD0]  }
0x449: {  	v2 =	vmov s25;
	v7 =	vadd.s32 v31, v35;
	[tilespmem:v60+s23+$0x0] =	vst.idx.msk $0xffff, v57;
	v57 =	vld [tilespmem:$0x1FFE0]  }
0x44a: {  	v10 =	vadd.s32 v24, v36;
	v2 =	vshrl.u32 v2, $0x3;
	[tilespmem:v63+s23+$0x0] =	vst.idx.msk $0xffff, v42;
	v63 =	vshll.u32 v55, v1;
	v55 =	vld [tilespmem:$0x1FF80]  }
0x44b: {  	v2 =	vshll.u32 v2, v1;
	v42 =	vadd.s32 v15, v33;
	v33 =	vbroadcast v54, $0x0;
	s2 =	sadd.s32 $0x400, s2;
	v54 =	vld [tilespmem:$0x1FF00]  }
0x44c: {  	v2 =	vbroadcast v2, $0x0;
	[tilespmem:v44+s23+$0x0] =	vst.idx.msk $0xffff, v43;
	v43 =	vld [tilespmem:s2+$0x1C0]  }
0x44d: {  	v8 =	vshrl.u32 v45, $0x3;
	v11 =	vshrl.u32 v46, $0x3;
	v47 =	vshll.u32 v40, v1;
	[tilespmem:v4+s23+$0x0] =	vst.idx.msk $0xffff, v3;
	v3 =	vld [tilespmem:s2+$0xFFFFFE00]  }
0x44e: {  	v39 =	vshll.u32 v39, v1;
	v40 =	vbroadcast v47, $0x0;
	v44 =	vadd.s32 v52, v2;
	[tilespmem:v7+s23+$0x0] =	vst.idx.msk $0xffff, v6;
	v6 =	vld [tilespmem:s2+$0xFFFFFE40]  }
0x44f: {  	v39 =	vbroadcast v39, $0x0;
	v47 =	vadd.s32 v28, v38;
	v46 =	vbroadcast v63, $0x0;
	v63 =	vld [tilespmem:s2+$0xFFFFFF00]  }
0x450: {  	v36 =	vshrl.u32 v50, $0x3;
	v45 =	vbroadcast v62, $0x0;
	[tilespmem:v10+s23+$0x0] =	vst.idx.msk $0xffff, v9;
	v9 =	vld [tilespmem:s2+$0xFFFFFE80];
	v4 =	vadd.s32 v12, v33  }
0x451: {  	v41 =	vshll.u32 v41, v1;
	v50 =	vshrl.u32 v51, $0x3;
	v58 =	vld [tilespmem:s2+$0xFFFFFF80];
	v59 =	vadd.s32 v53, v39;
	[tilespmem:v61+s23+$0x0] =	vst.idx.msk $0xffff, v34  }
0x452: {  	v49 =	vshrl.u32 v49, $0x3;
	v0 =	vshll.u32 v0, v1;
	v51 =	vld [tilespmem:s2+$0x40];
	v7 =	vadd.s32 v16, v45;
	[tilespmem:v42+s23+$0x0] =	vst.idx.msk $0xffff, v37  }
0x453: {  	v60 =	vadd.s32 v56, v46;
	v61 =	vld [tilespmem:s2+$0xFFFFFEC0];
	v42 =	vbroadcast v0, $0x0;
	v0 =	vshll.u32 v5, v1;
	[tilespmem:v44+s23+$0x0] =	vst.idx.msk $0xffff, v43  }
0x454: {  	v62 =	vadd.s32 v57, v40;
	v43 =	vbroadcast v0, $0x0;
	v0 =	vshll.u32 v8, v1;
	v8 =	vld [tilespmem:s2+$0xFFFFFFC0];
	[tilespmem:v47+s23+$0x0] =	vst.idx.msk $0xffff, v63  }
0x455: {  	v41 =	vbroadcast v41, $0x0;
	v11 =	vshll.u32 v11, v1;
	[tilespmem:v4+s23+$0x0] =	vst.idx.msk $0xffff, v3;
	v3 =	vld [tilespmem:s2+$0x1D0];
	v44 =	vbroadcast v0, $0x0  }
0x456: {  	v36 =	vshll.u32 v36, v1;
	v47 =	vbroadcast v11, $0x0;
	v4 =	vadd.s32 v55, v2;
	[tilespmem:v59+s23+$0x0] =	vst.idx.msk $0xffff, v58;
	v58 =	vld [tilespmem:s2+$0x80]  }
0x457: {  	v0 =	vshrl.u32 v48, $0x3;
	[tilespmem:v7+s23+$0x0] =	vst.idx.msk $0xffff, v6;
	v6 =	vld [tilespmem:s2+$0xFFFFFF40];
	v7 =	vadd.s32 v54, v41;
	v63 =	vadd.s32 v16, v44  }
0x458: {  	v34 =	vbroadcast v36, $0x0;
	v59 =	vadd.s32 v56, v47;
	v0 =	vshll.u32 v0, v1;
	v56 =	vld [tilespmem:s2+$0xFFFFFE50];
	[tilespmem:v60+s23+$0x0] =	vst.idx.msk $0xffff, v9  }
0x459: {  	v36 =	vbroadcast v0, $0x0;
	v0 =	vshll.u32 v49, v1;
	[tilespmem:v62+s23+$0x0] =	vst.idx.msk $0xffff, v61;
	v60 =	vadd.s32 v52, v42;
	v61 =	vld [tilespmem:s2+$0x0]  }
0x45a: {  	v62 =	vadd.s32 v12, v43;
	v37 =	vbroadcast v0, $0x0;
	v0 =	vld [tilespmem:s2+$0x140]  }
0x45b: {  	[tilespmem:v4+s23+$0x0] =	vst.idx.msk $0xffff, v3;
	v3 =	vshll.u32 v50, v1;
	v50 =	vld [tilespmem:$0x1FF90]  }
0x45c: {  	v52 =	vld [tilespmem:s2+$0x180];
	[tilespmem:v63+s23+$0x0] =	vst.idx.msk $0xffff, v51;
	v63 =	vadd.s32 v54, v36  }
0x45d: {  	[tilespmem:v7+s23+$0x0] =	vst.idx.msk $0xffff, v6;
	v4 =	vld [tilespmem:s2+$0x1E0];
	v35 =	vbroadcast v3, $0x0;
	v54 =	vadd.s32 v53, v37  }
0x45e: {  	v3 =	vld [tilespmem:s2+$0xC0];
	[tilespmem:v60+s23+$0x0] =	vst.idx.msk $0xffff, v8;
	v60 =	vadd.s32 v57, v34  }
0x45f: {  	[tilespmem:v62+s23+$0x0] =	vst.idx.msk $0xffff, v61;
	v61 =	vld [tilespmem:s2+$0x100];
	v62 =	vadd.s32 v28, v35  }
0x460: {  	[tilespmem:v59+s23+$0x0] =	vst.idx.msk $0xffff, v58;
	v59 =	vld [tilespmem:s2+$0xFFFFFED0];
	v6 =	vadd.s32 v50, v2  }
0x461: {  	v51 =	vld [tilespmem:$0x1FF10];
	[tilespmem:v63+s23+$0x0] =	vst.idx.msk $0xffff, v0  }
0x462: {  	v57 =	vadd.s32 v17, v45;
	v0 =	vld [tilespmem:s2+$0xFFFFFF10];
	[tilespmem:v54+s23+$0x0] =	vst.idx.msk $0xffff, v52  }
0x463: {  	v58 =	vadd.s32 v21, v46;
	[tilespmem:v60+s23+$0x0] =	vst.idx.msk $0xffff, v3;
	v3 =	vld [tilespmem:s2+$0xFFFFFE90]  }
0x464: {  	v52 =	vld [tilespmem:$0x1FF50];
	[tilespmem:v62+s23+$0x0] =	vst.idx.msk $0xffff, v61;
	v61 =	vadd.s32 v29, v38  }
0x465: {  	v54 =	vadd.s32 v55, v42;
	v55 =	vld [tilespmem:s2+$0x10];
	v60 =	vadd.s32 v25, v40;
	[tilespmem:v6+s23+$0x0] =	vst.idx.msk $0xffff, v4  }
0x466: {  	v2 =	vadd.s32 v32, v2;
	v4 =	vld [tilespmem:s2+$0x1F0]  }
0x467: {  	v63 =	vadd.s32 v51, v41;
	v62 =	vld [tilespmem:s2+$0xFFFFFF50];
	[tilespmem:v57+s23+$0x0] =	vst.idx.msk $0xffff, v56  }
0x468: {  	[tilespmem:v58+s23+$0x0] =	vst.idx.msk $0xffff, v3;
	v3 =	vld [tilespmem:s2+$0xFFFFFFD0]  }
0x469: {  	v56 =	vadd.s32 v13, v43;
	[tilespmem:v61+s23+$0x0] =	vst.idx.msk $0xffff, v0;
	v0 =	vld [tilespmem:s2+$0x50]  }
0x46a: {  	v57 =	vadd.s32 v17, v44;
	[tilespmem:v60+s23+$0x0] =	vst.idx.msk $0xffff, v59;
	v58 =	vld [tilespmem:s2+$0x90]  }
0x46b: {  	v53 =	vadd.s32 v52, v39;
	[tilespmem:v2+s23+$0x0] =	vst.idx.msk $0xffff, v4;
	v2 =	vld [tilespmem:s2+$0xFFFFFF90]  }
0x46c: {  	[tilespmem:v63+s23+$0x0] =	vst.idx.msk $0xffff, v62;
	v62 =	vld [tilespmem:s2+$0x150]  }
0x46d: {  	v61 =	vadd.s32 v29, v35;
	[tilespmem:v54+s23+$0x0] =	vst.idx.msk $0xffff, v3;
	v3 =	vld [tilespmem:s2+$0x110]  }
0x46e: {  	v59 =	vadd.s32 v21, v47;
	[tilespmem:v56+s23+$0x0] =	vst.idx.msk $0xffff, v55;
	v55 =	vld [tilespmem:s2+$0xFFFFFE60]  }
0x46f: {  	v52 =	vadd.s32 v52, v37;
	[tilespmem:v57+s23+$0x0] =	vst.idx.msk $0xffff, v0;
	v0 =	vld [tilespmem:s2+$0x190]  }
0x470: {  	v60 =	vadd.s32 v25, v34;
	[tilespmem:v53+s23+$0x0] =	vst.idx.msk $0xffff, v2;
	v2 =	vld [tilespmem:s2+$0xD0]  }
0x471: {  	v63 =	vadd.s32 v51, v36;
	v53 =	vld [tilespmem:s2+$0xFFFFFE10]  }
0x472: {  	v56 =	vadd.s32 v18, v45;
	[tilespmem:v61+s23+$0x0] =	vst.idx.msk $0xffff, v3;
	v3 =	vld [tilespmem:s2+$0xFFFFFEE0]  }
0x473: {  	v54 =	vadd.s32 v13, v33;
	[tilespmem:v59+s23+$0x0] =	vst.idx.msk $0xffff, v58;
	v61 =	vld [tilespmem:$0x1FF20]  }
0x474: {  	v58 =	vadd.s32 v26, v40;
	[tilespmem:v52+s23+$0x0] =	vst.idx.msk $0xffff, v0;
	v52 =	vld [tilespmem:$0x1FF60]  }
0x475: {  	v57 =	vadd.s32 v22, v46;
	[tilespmem:v60+s23+$0x0] =	vst.idx.msk $0xffff, v2;
	v2 =	vld [tilespmem:s2+$0xFFFFFEA0]  }
0x476: {  	[tilespmem:v63+s23+$0x0] =	vst.idx.msk $0xffff, v62;
	v59 =	vld [tilespmem:s2+$0xFFFFFF20];
	v60 =	vadd.s32 v30, v38  }
0x477: {  	v10 =	vadd.s32 v26, v34;
	[tilespmem:v56+s23+$0x0] =	vst.idx.msk $0xffff, v55;
	v9 =	vld [tilespmem:s2+$0xE0]  }
0x478: {  	v0 =	vld [tilespmem:s2+$0xFFFFFF60];
	[tilespmem:v54+s23+$0x0] =	vst.idx.msk $0xffff, v53;
	v62 =	vadd.s32 v61, v41  }
0x479: {  	v63 =	vld [tilespmem:s2+$0xFFFFFFA0];
	v53 =	vadd.s32 v52, v39;
	[tilespmem:v58+s23+$0x0] =	vst.idx.msk $0xffff, v3  }
0x47a: {  	v55 =	vadd.s32 v14, v43;
	v3 =	vld [tilespmem:s2+$0x20];
	[tilespmem:v57+s23+$0x0] =	vst.idx.msk $0xffff, v2  }
0x47b: {  	v6 =	vld [tilespmem:s2+$0x1A0];
	v7 =	vadd.s32 v52, v37;
	[tilespmem:v60+s23+$0x0] =	vst.idx.msk $0xffff, v59  }
0x47c: {  	v54 =	vadd.s32 v50, v42;
	v2 =	vld [tilespmem:s2+$0xFFFFFFE0];
	[tilespmem:v10+s23+$0x0] =	vst.idx.msk $0xffff, v9  }
0x47d: {  	v56 =	vld [tilespmem:s2+$0x60];
	v57 =	vadd.s32 v18, v44;
	[tilespmem:v62+s23+$0x0] =	vst.idx.msk $0xffff, v0  }
0x47e: {  	v5 =	vadd.s32 v61, v36;
	v61 =	vadd.s32 v14, v33;
	v60 =	vld [tilespmem:s2+$0xFFFFFE20];
	[tilespmem:v53+s23+$0x0] =	vst.idx.msk $0xffff, v63  }
0x47f: {  	v58 =	vadd.s32 v22, v47;
	v0 =	vld [tilespmem:s2+$0xA0];
	[tilespmem:v55+s23+$0x0] =	vst.idx.msk $0xffff, v3  }
0x480: {  	v3 =	vld [tilespmem:s2+$0x160];
	[tilespmem:v7+s23+$0x0] =	vst.idx.msk $0xffff, v6  }
0x481: {  	s14 =	sadd.s32 $0x3, s0;
	v62 =	vld [tilespmem:s2+$0xFFFFFE70];
	v63 =	vadd.s32 v19, v45;
	[tilespmem:v54+s23+$0x0] =	vst.idx.msk $0xffff, v2  }
0x482: {  	v8 =	vmov s14;
	s14 =	sadd.s32 $0xC, s0;
	v4 =	vadd.s32 v30, v35;
	v59 =	vmov s0;
	v2 =	vld [tilespmem:s2+$0x120];
	[tilespmem:v57+s23+$0x0] =	vst.idx.msk $0xffff, v56  }
0x483: {  	s16 =	sadd.s32 $0x4, s0;
	v51 =	vmov s14;
	v40 =	vadd.s32 v27, v40;
	v11 =	vshrl.u32 v59, $0x3;
	[tilespmem:v61+s23+$0x0] =	vst.idx.msk $0xffff, v60  }
0x484: {  	s7 =	sadd.s32 $0x1, s0;
	v9 =	vmov s16;
	v59 =	vadd.s32 v23, v46;
	v7 =	vadd.s32 v24, v41;
	v6 =	vld [tilespmem:s2+$0xFFFFFF70];
	[tilespmem:v58+s23+$0x0] =	vst.idx.msk $0xffff, v0  }
0x485: {  	v55 =	vmov s7;
	v60 =	vadd.s32 v20, v39;
	v54 =	vshll.u32 v11, v1;
	v58 =	vld [tilespmem:s2+$0xFFFFFEB0];
	[tilespmem:v5+s23+$0x0] =	vst.idx.msk $0xffff, v3  }
0x486: {  	s25 =	sadd.s32 $0x2, s0;
	v61 =	vadd.s32 v32, v42;
	v56 =	vshrl.u32 v55, $0x3;
	v3 =	vld [tilespmem:s2+$0xFFFFFF30];
	v5 =	vadd.s32 v31, v38;
	[tilespmem:v63+s23+$0x0] =	vst.idx.msk $0xffff, v62  }
0x487: {  	p0 =	slt.u32 s0, $0x70;
	v0 =	vmov s25;
	s25 =	sadd.s32 $0x5, s0;
	v62 =	vadd.s32 v15, v43;
	v38 =	vshrl.u32 v9, $0x3;
	[tilespmem:v4+s23+$0x0] =	vst.idx.msk $0xffff, v2;
	v4 =	vld [tilespmem:s2+$0xFFFFFEF0]  }
.Ltmp16:
0x488: {  	s16 =	sadd.s32 $0x6, s0;
	v57 =	vld [tilespmem:s2+$0xFFFFFFB0];
	v63 =	vadd.s32 v19, v44;
	v44 =	vadd.s32 v23, v47;
	v10 =	vmov s25;
	s25 =	sadd.s32 $0x7, s0;
	(pc) =	sbr.rel @p0 .LBB2_26-.Ltmp16, $4  }
0x489: {  	v42 =	vld [tilespmem:s2+$0x70];
	v55 =	vshrl.u32 v0, $0x3;
	[tilespmem:v7+s23+$0x0] =	vst.idx.msk $0xffff, v6;
	v52 =	vmov s25;
	s25 =	sadd.s32 $0x9, s0;
	v2 =	vmov s16;
	s16 =	sadd.s32 $0x8, s0  }
0x48a: {  	v43 =	vld [tilespmem:s2+$0xB0];
	v41 =	vshrl.u32 v10, $0x3;
	v45 =	vmov s25;
	s25 =	sadd.s32 $0xB, s0;
	v53 =	vmov s16;
	s16 =	sadd.s32 $0xA, s0;
	[tilespmem:v59+s23+$0x0] =	vst.idx.msk $0xffff, v58  }
0x48b: {  	v50 =	vmov s25;
	s25 =	sadd.s32 $0xE, s0;
	v39 =	vshrl.u32 v2, $0x3;
	v46 =	vmov s16;
	s16 =	sadd.s32 $0xD, s0;
	v58 =	vld [tilespmem:s2+$0xFFFFFFF0];
	[tilespmem:v5+s23+$0x0] =	vst.idx.msk $0xffff, v3  }
0x48c: {  	v49 =	vmov s25;
	v59 =	vld [tilespmem:s2+$0x30];
	s25 =	sadd.s32 $0xF, s0;
	s0 =	sadd.s32 $0x10, s0;
	v48 =	vmov s16;
	[tilespmem:v40+s23+$0x0] =	vst.idx.msk $0xffff, v4;
	v40 =	vshrl.u32 v8, $0x3  }
0x48d: {  	_ =	sdelay $0x3  }
0x48e: {  	[tilespmem:v60+s23+$0x0] =	vst.idx.msk $0xffff, v57  }
0x48f: {  	[tilespmem:v63+s23+$0x0] =	vst.idx.msk $0xffff, v42  }
0x490: {  	v3 =	vld [tilespmem:s2+$0xF0];
	v4 =	vadd.s32 v27, v34;
	[tilespmem:v44+s23+$0x0] =	vst.idx.msk $0xffff, v43  }
0x491: {  	v6 =	vld [tilespmem:s2+$0x130];
	v7 =	vadd.s32 v31, v35;
	[tilespmem:v61+s23+$0x0] =	vst.idx.msk $0xffff, v58  }
0x492: {  	v9 =	vld [tilespmem:s2+$0x170];
	v10 =	vadd.s32 v24, v36;
	[tilespmem:v62+s23+$0x0] =	vst.idx.msk $0xffff, v59  }
0x493: {  	v2 =	vmov s25;
	v60 =	vld [tilespmem:$0x1FFB0]  }
0x494: {  	v0 =	vshrl.u32 v52, $0x3;
	v11 =	vshrl.u32 v46, $0x3;
	v46 =	vld [tilespmem:s2+$0xFFFFFE30];
	v2 =	vshrl.u32 v2, $0x3  }
0x495: {  	v52 =	vadd.s32 v20, v37;
	v34 =	vbroadcast v54, $0x0;
	s0 =	sadd.s32 $0x400, s2;
	v42 =	vld [tilespmem:s2+$0x1B0];
	v2 =	vshll.u32 v2, v1;
	[tilespmem:v4+s23+$0x0] =	vst.idx.msk $0xffff, v3  }
0x496: {  	v47 =	vadd.s32 v15, v33;
	v43 =	vld [tilespmem:s0+$0x1C0];
	v2 =	vbroadcast v2, $0x0;
	v58 =	vshll.u32 v56, v1;
	[tilespmem:v7+s23+$0x0] =	vst.idx.msk $0xffff, v6  }
0x497: {  	v63 =	vadd.s32 v12, v34;
	v33 =	vbroadcast v58, $0x0;
	v3 =	vld [tilespmem:s0+$0xFFFFFE00];
	[tilespmem:v10+s23+$0x0] =	vst.idx.msk $0xffff, v9  }
0x498: {  	v57 =	vld [tilespmem:$0x1FFD0];
	v62 =	vadd.s32 v60, v2  }
0x499: {  	v6 =	vld [tilespmem:s0+$0xFFFFFE40];
	v54 =	vadd.s32 v16, v33  }
0x49a: {  	v59 =	vshll.u32 v55, v1;
	[tilespmem:v52+s23+$0x0] =	vst.idx.msk $0xffff, v42  }
0x49b: {  	v35 =	vbroadcast v59, $0x0;
	v59 =	vld [tilespmem:$0x1FFE0];
	[tilespmem:v47+s23+$0x0] =	vst.idx.msk $0xffff, v46  }
0x49c: {  	[tilespmem:v63+s23+$0x0] =	vst.idx.msk $0xffff, v3  }
0x49d: {  	v9 =	vld [tilespmem:s0+$0xFFFFFE80];
	v10 =	vadd.s32 v57, v35;
	[tilespmem:v62+s23+$0x0] =	vst.idx.msk $0xffff, v43  }
0x49e: {  	v5 =	vshrl.u32 v53, $0x3;
	v53 =	vshll.u32 v40, v1;
	v56 =	vshll.u32 v41, v1;
	v61 =	vld [tilespmem:$0x1FF80];
	[tilespmem:v54+s23+$0x0] =	vst.idx.msk $0xffff, v6  }
0x49f: {  	v36 =	vbroadcast v53, $0x0;
	v55 =	vshll.u32 v38, v1;
	v38 =	vbroadcast v56, $0x0;
	v56 =	vld [tilespmem:$0x1FF00]  }
0x4a0: {  	v37 =	vbroadcast v55, $0x0;
	v42 =	vld [tilespmem:s0+$0xFFFFFEC0]  }
0x4a1: {  	v8 =	vshrl.u32 v45, $0x3;
	v46 =	vld [tilespmem:s0+$0xFFFFFF00];
	v45 =	vadd.s32 v59, v36  }
0x4a2: {  	v47 =	vadd.s32 v28, v37;
	v3 =	vld [tilespmem:s0+$0x1D0];
	[tilespmem:v10+s23+$0x0] =	vst.idx.msk $0xffff, v9  }
0x4a3: {  	v55 =	vld [tilespmem:$0x1FF40];
	v4 =	vadd.s32 v61, v2  }
0x4a4: {  	v6 =	vld [tilespmem:s0+$0xFFFFFF40];
	v58 =	vadd.s32 v56, v38  }
0x4a5: {  	v39 =	vshll.u32 v39, v1  }
0x4a6: {  	v39 =	vbroadcast v39, $0x0;
	v0 =	vshll.u32 v0, v1;
	[tilespmem:v45+s23+$0x0] =	vst.idx.msk $0xffff, v42  }
0x4a7: {  	v50 =	vshrl.u32 v50, $0x3;
	v40 =	vbroadcast v0, $0x0;
	v0 =	vshll.u32 v5, v1;
	v5 =	vld [tilespmem:s0+$0xFFFFFF80];
	[tilespmem:v47+s23+$0x0] =	vst.idx.msk $0xffff, v46  }
0x4a8: {  	v41 =	vbroadcast v0, $0x0;
	v0 =	vshll.u32 v8, v1;
	v8 =	vld [tilespmem:s0+$0xFFFFFFC0];
	v9 =	vadd.s32 v55, v39;
	[tilespmem:v4+s23+$0x0] =	vst.idx.msk $0xffff, v3  }
0x4a9: {  	v11 =	vshll.u32 v11, v1;
	v10 =	vadd.s32 v60, v40;
	v42 =	vbroadcast v0, $0x0;
	v47 =	vld [tilespmem:s0+$0x0];
	[tilespmem:v58+s23+$0x0] =	vst.idx.msk $0xffff, v6  }
0x4aa: {  	v43 =	vbroadcast v11, $0x0;
	v0 =	vshrl.u32 v48, $0x3;
	v48 =	vadd.s32 v12, v41;
	v58 =	vld [tilespmem:$0x1FF90]  }
0x4ab: {  	v50 =	vshll.u32 v50, v1;
	v62 =	vld [tilespmem:s0+$0x40];
	v63 =	vadd.s32 v16, v42  }
0x4ac: {  	v51 =	vshrl.u32 v51, $0x3;
	v44 =	vbroadcast v50, $0x0;
	v54 =	vadd.s32 v57, v43  }
0x4ad: {  	v49 =	vshrl.u32 v49, $0x3;
	v0 =	vshll.u32 v0, v1;
	v3 =	vshll.u32 v51, v1;
	[tilespmem:v9+s23+$0x0] =	vst.idx.msk $0xffff, v5;
	v5 =	vld [tilespmem:s0+$0x80]  }
0x4ae: {  	v46 =	vbroadcast v0, $0x0;
	v45 =	vbroadcast v3, $0x0;
	v3 =	vld [tilespmem:s0+$0xC0];
	[tilespmem:v10+s23+$0x0] =	vst.idx.msk $0xffff, v8;
	v8 =	vadd.s32 v59, v44  }
0x4af: {  	v0 =	vshll.u32 v49, v1;
	v4 =	vld [tilespmem:s0+$0x1E0];
	[tilespmem:v48+s23+$0x0] =	vst.idx.msk $0xffff, v47;
	v6 =	vadd.s32 v58, v2  }
0x4b0: {  	v47 =	vbroadcast v0, $0x0;
	[tilespmem:v63+s23+$0x0] =	vst.idx.msk $0xffff, v62;
	v0 =	vld [tilespmem:s0+$0x140];
	v62 =	vadd.s32 v56, v46  }
0x4b1: {  	v9 =	vld [tilespmem:s0+$0x100];
	v10 =	vadd.s32 v28, v45  }
0x4b2: {  	v63 =	vld [tilespmem:s0+$0x180];
	v52 =	vadd.s32 v55, v47;
	[tilespmem:v54+s23+$0x0] =	vst.idx.msk $0xffff, v5  }
0x4b3: {  	[tilespmem:v8+s23+$0x0] =	vst.idx.msk $0xffff, v3  }
0x4b4: {  	v53 =	vld [tilespmem:s0+$0xFFFFFE50];
	v54 =	vadd.s32 v17, v33;
	[tilespmem:v6+s23+$0x0] =	vst.idx.msk $0xffff, v4  }
0x4b5: {  	v2 =	vadd.s32 v32, v2;
	[tilespmem:v62+s23+$0x0] =	vst.idx.msk $0xffff, v0;
	v4 =	vld [tilespmem:s0+$0x1F0]  }
0x4b6: {  	[tilespmem:v10+s23+$0x0] =	vst.idx.msk $0xffff, v9  }
0x4b7: {  	v3 =	vld [tilespmem:s0+$0xFFFFFE90];
	[tilespmem:v52+s23+$0x0] =	vst.idx.msk $0xffff, v63  }
0x4b8: {  	v50 =	vld [tilespmem:$0x1FF10]  }
0x4b9: {  	v7 =	vadd.s32 v21, v35;
	v8 =	vld [tilespmem:s0+$0xFFFFFED0];
	[tilespmem:v54+s23+$0x0] =	vst.idx.msk $0xffff, v53  }
0x4ba: {  	v0 =	vld [tilespmem:s0+$0xFFFFFF10];
	v10 =	vadd.s32 v29, v37;
	[tilespmem:v2+s23+$0x0] =	vst.idx.msk $0xffff, v4  }
0x4bb: {  	v9 =	vadd.s32 v25, v36;
	v53 =	vld [tilespmem:$0x1FF50]  }
0x4bc: {  	v51 =	vadd.s32 v13, v41;
	v49 =	vld [tilespmem:s0+$0x10]  }
0x4bd: {  	v11 =	vld [tilespmem:s0+$0xFFFFFF50];
	v62 =	vadd.s32 v50, v38  }
0x4be: {  	v5 =	vadd.s32 v61, v40;
	[tilespmem:v7+s23+$0x0] =	vst.idx.msk $0xffff, v3;
	v3 =	vld [tilespmem:s0+$0xFFFFFFD0]  }
0x4bf: {  	v52 =	vadd.s32 v17, v42;
	[tilespmem:v10+s23+$0x0] =	vst.idx.msk $0xffff, v0;
	v0 =	vld [tilespmem:s0+$0x50]  }
0x4c0: {  	v2 =	vld [tilespmem:s0+$0xFFFFFF90];
	[tilespmem:v9+s23+$0x0] =	vst.idx.msk $0xffff, v8;
	v63 =	vadd.s32 v53, v39  }
0x4c1: {  	v6 =	vld [tilespmem:s0+$0x150];
	[tilespmem:v51+s23+$0x0] =	vst.idx.msk $0xffff, v49;
	v7 =	vadd.s32 v50, v46  }
0x4c2: {  	v54 =	vld [tilespmem:s0+$0x90];
	[tilespmem:v62+s23+$0x0] =	vst.idx.msk $0xffff, v11;
	v62 =	vadd.s32 v21, v43  }
0x4c3: {  	[tilespmem:v5+s23+$0x0] =	vst.idx.msk $0xffff, v3;
	v3 =	vld [tilespmem:s0+$0x110];
	v5 =	vadd.s32 v29, v45  }
0x4c4: {  	[tilespmem:v52+s23+$0x0] =	vst.idx.msk $0xffff, v0;
	v0 =	vld [tilespmem:s0+$0x190];
	v8 =	vadd.s32 v53, v47  }
0x4c5: {  	[tilespmem:v63+s23+$0x0] =	vst.idx.msk $0xffff, v2;
	v2 =	vld [tilespmem:s0+$0xD0];
	v63 =	vadd.s32 v25, v44  }
0x4c6: {  	v11 =	vld [tilespmem:s0+$0xFFFFFE10];
	v52 =	vadd.s32 v13, v34;
	[tilespmem:v7+s23+$0x0] =	vst.idx.msk $0xffff, v6  }
0x4c7: {  	[tilespmem:v62+s23+$0x0] =	vst.idx.msk $0xffff, v54;
	v54 =	vld [tilespmem:s0+$0xFFFFFE60];
	v62 =	vadd.s32 v18, v33  }
0x4c8: {  	v6 =	vld [tilespmem:s0+$0xFFFFFF20];
	[tilespmem:v5+s23+$0x0] =	vst.idx.msk $0xffff, v3  }
0x4c9: {  	v3 =	vld [tilespmem:s0+$0xFFFFFEE0];
	v5 =	vadd.s32 v26, v36;
	[tilespmem:v8+s23+$0x0] =	vst.idx.msk $0xffff, v0  }
0x4ca: {  	[tilespmem:v63+s23+$0x0] =	vst.idx.msk $0xffff, v2;
	v2 =	vld [tilespmem:s0+$0xFFFFFEA0];
	v63 =	vadd.s32 v22, v35  }
0x4cb: {  	v51 =	vadd.s32 v18, v42;
	v48 =	vld [tilespmem:s0+$0x60];
	[tilespmem:v52+s23+$0x0] =	vst.idx.msk $0xffff, v11  }
0x4cc: {  	v49 =	vld [tilespmem:$0x1FF20];
	[tilespmem:v62+s23+$0x0] =	vst.idx.msk $0xffff, v54  }
0x4cd: {  	v7 =	vadd.s32 v30, v37;
	v54 =	vld [tilespmem:$0x1FF60]  }
0x4ce: {  	[tilespmem:v5+s23+$0x0] =	vst.idx.msk $0xffff, v3;
	v3 =	vld [tilespmem:s0+$0x20];
	v5 =	vadd.s32 v14, v41  }
0x4cf: {  	[tilespmem:v63+s23+$0x0] =	vst.idx.msk $0xffff, v2;
	v2 =	vld [tilespmem:s0+$0xFFFFFFE0];
	v63 =	vadd.s32 v58, v40  }
0x4d0: {  	v11 =	vld [tilespmem:s0+$0xFFFFFE20];
	[tilespmem:v51+s23+$0x0] =	vst.idx.msk $0xffff, v48;
	v48 =	vadd.s32 v14, v34  }
0x4d1: {  	v0 =	vld [tilespmem:s0+$0xFFFFFF60];
	v8 =	vadd.s32 v49, v38  }
0x4d2: {  	v9 =	vld [tilespmem:s0+$0xFFFFFFA0];
	[tilespmem:v7+s23+$0x0] =	vst.idx.msk $0xffff, v6;
	v62 =	vadd.s32 v54, v39  }
0x4d3: {  	[tilespmem:v5+s23+$0x0] =	vst.idx.msk $0xffff, v3;
	v3 =	vld [tilespmem:s0+$0x160];
	v5 =	vadd.s32 v49, v46  }
0x4d4: {  	[tilespmem:v63+s23+$0x0] =	vst.idx.msk $0xffff, v2;
	v2 =	vld [tilespmem:s0+$0x120];
	v63 =	vadd.s32 v30, v45  }
0x4d5: {  	v6 =	vld [tilespmem:s0+$0x1A0];
	v7 =	vadd.s32 v54, v47;
	[tilespmem:v48+s23+$0x0] =	vst.idx.msk $0xffff, v11  }
0x4d6: {  	[tilespmem:v8+s23+$0x0] =	vst.idx.msk $0xffff, v0;
	v0 =	vld [tilespmem:s0+$0xA0];
	v8 =	vadd.s32 v22, v43  }
0x4d7: {  	v52 =	vld [tilespmem:s0+$0xE0];
	[tilespmem:v62+s23+$0x0] =	vst.idx.msk $0xffff, v9;
	v62 =	vadd.s32 v26, v44  }
0x4d8: {  	v51 =	vadd.s32 v19, v33;
	v33 =	vadd.s32 v31, v37;
	[tilespmem:v5+s23+$0x0] =	vst.idx.msk $0xffff, v3;
	v3 =	vld [tilespmem:s0+$0xFFFFFF30]  }
0x4d9: {  	v37 =	vadd.s32 v20, v39;
	[tilespmem:v63+s23+$0x0] =	vst.idx.msk $0xffff, v2;
	v2 =	vld [tilespmem:s0+$0xFFFFFEF0];
	v63 =	vadd.s32 v27, v36  }
0x4da: {  	v39 =	vadd.s32 v32, v40;
	[tilespmem:v7+s23+$0x0] =	vst.idx.msk $0xffff, v6;
	v36 =	vadd.s32 v24, v38;
	v38 =	vld [tilespmem:s0+$0xFFFFFFF0]  }
0x4db: {  	[tilespmem:v8+s23+$0x0] =	vst.idx.msk $0xffff, v0;
	v0 =	vld [tilespmem:s0+$0xFFFFFE70]  }
0x4dc: {  	[tilespmem:v62+s23+$0x0] =	vst.idx.msk $0xffff, v52;
	v52 =	vld [tilespmem:s0+$0xFFFFFEB0];
	v62 =	vadd.s32 v23, v35  }
0x4dd: {  	v35 =	vld [tilespmem:s0+$0xFFFFFF70];
	[tilespmem:v33+s23+$0x0] =	vst.idx.msk $0xffff, v3  }
0x4de: {  	v40 =	vadd.s32 v15, v41;
	v41 =	vadd.s32 v19, v42;
	v3 =	vld [tilespmem:s0+$0x70];
	[tilespmem:v63+s23+$0x0] =	vst.idx.msk $0xffff, v2  }
0x4df: {  	v43 =	vadd.s32 v23, v43;
	v42 =	vld [tilespmem:s0+$0xB0];
	[tilespmem:v39+s23+$0x0] =	vst.idx.msk $0xffff, v38  }
0x4e0: {  	v2 =	vld [tilespmem:s0+$0x30];
	[tilespmem:v51+s23+$0x0] =	vst.idx.msk $0xffff, v0  }
0x4e1: {  	v0 =	vld [tilespmem:s0+$0xFFFFFFB0];
	[tilespmem:v62+s23+$0x0] =	vst.idx.msk $0xffff, v52  }
0x4e2: {  	v11 =	vld [tilespmem:s0+$0xFFFFFE30];
	v63 =	vadd.s32 v15, v34;
	[tilespmem:v36+s23+$0x0] =	vst.idx.msk $0xffff, v35  }
0x4e3: {  	v48 =	vld [tilespmem:s0+$0x130];
	v51 =	vadd.s32 v31, v45;
	[tilespmem:v41+s23+$0x0] =	vst.idx.msk $0xffff, v3  }
0x4e4: {  	v3 =	vld [tilespmem:s0+$0x1B0];
	v62 =	vadd.s32 v20, v47;
	[tilespmem:v43+s23+$0x0] =	vst.idx.msk $0xffff, v42  }
0x4e5: {  	v52 =	vadd.s32 v24, v46;
	[tilespmem:v40+s23+$0x0] =	vst.idx.msk $0xffff, v2;
	v2 =	vld [tilespmem:s0+$0x170]  }
0x4e6: {  	v44 =	vadd.s32 v27, v44;
	[tilespmem:v37+s23+$0x0] =	vst.idx.msk $0xffff, v0;
	v0 =	vld [tilespmem:s0+$0xF0]  }
0x4e7: {  	[tilespmem:v63+s23+$0x0] =	vst.idx.msk $0xffff, v11  }
0x4e8: {  	[tilespmem:v51+s23+$0x0] =	vst.idx.msk $0xffff, v48  }
0x4e9: {  	[tilespmem:v62+s23+$0x0] =	vst.idx.msk $0xffff, v3  }
0x4ea: {  	[tilespmem:v52+s23+$0x0] =	vst.idx.msk $0xffff, v2  }
0x4eb: {  	s14 =	simm.s32 $0x9400;
	s2 =	sadd.s32 s31, s11;
	[tilespmem:v44+s23+$0x0] =	vst.idx.msk $0xffff, v0  }
0x4ec: {  	[hbm4b:s2+s4] =	stream.linear.scatter [tilespmem:s14], [sflag:$0x4], $0x80, $0x38;
	[tilespmem:$0xB600] =	vst v63  }
0x4ed: {  	s16 =	simm.s32 $0x9488;
	s7 =	sadd.s32 $0x10, s2  }
0x4ee: {  	[hbm4b:s7+s4] =	stream.linear.scatter [tilespmem:s16], [sflag:$0x4], $0x80, $0x38;
	[tilespmem:$0xB600] =	vst v63  }
0x4ef: {  	s25 =	simm.s32 $0x9510;
	s31 =	sadd.s32 $0x20, s2  }
0x4f0: {  	[hbm4b:s31+s4] =	stream.linear.scatter [tilespmem:s25], [sflag:$0x4], $0x80, $0x38;
	[tilespmem:$0xB600] =	vst v63  }
0x4f1: {  	s14 =	simm.s32 $0x9598;
	s16 =	sadd.s32 $0x30, s2  }
0x4f2: {  	[hbm4b:s16+s4] =	stream.linear.scatter [tilespmem:s14], [sflag:$0x4], $0x80, $0x38;
	[tilespmem:$0xB600] =	vst v63  }
0x4f3: {  	s25 =	simm.s32 $0x9620;
	s31 =	sadd.s32 $0x40, s2  }
0x4f4: {  	[hbm4b:s31+s4] =	stream.linear.scatter [tilespmem:s25], [sflag:$0x4], $0x80, $0x38;
	[tilespmem:$0xB600] =	vst v63  }
0x4f5: {  	s0 =	simm.s32 $0x440;
	s14 =	simm.s32 $0x96A8;
	s16 =	sadd.s32 $0x50, s2  }
0x4f6: {  	[hbm4b:s16+s4] =	stream.linear.scatter [tilespmem:s14], [sflag:$0x4], $0x80, $0x38;
	[tilespmem:$0xB600] =	vst v63  }
0x4f7: {  	v19 =	vmov v50;
	v15 =	vmov v59;
	s25 =	simm.s32 $0x9730;
	s31 =	sadd.s32 $0x60, s2;
	s14 =	simm.s32 $0x97B8  }
0x4f8: {  	v63 =	vmovc v13;
	v13 =	vmovc v57;
	v57 =	vmov v49;
	v62 =	vmov v12;
	v12 =	vmov v56;
	[hbm4b:s31+s4] =	stream.linear.scatter [tilespmem:s25], [sflag:$0x4], $0x80, $0x38;
	[tilespmem:$0xB600] =	vst v63  }
0x4f9: {  	v56 =	vmovc v61;
	v61 =	vmovc v32;
	v0 =	vmov v24;
	v24 =	vmov v20;
	v20 =	vmov v60;
	s16 =	sadd.s32 $0x70, s2;
	s2 =	sadd.s32 $0x1000, s2;
	s25 =	simm.s32 $0x2200  }
.LBB2_28:
0x4fa: {  	[hbm4b:s16+s4] =	stream.linear.scatter [tilespmem:s14], [sflag:$0x4], $0x80, $0x38;
	[tilespmem:$0xB600] =	vst v63  }
0x4fb: {  	s7 =	smov.u32 s0;
	s0 =	smov.u32 s25  }
0x4fc: {  	s31 =	sadd.s32 $0x1100, s25;
	s0 =	sshra.s32 s0, $0x2;
	s14 =	sadd.s32 $0x9400, s7  }
0x4fd: {  	[hbm4b:s2+s4] =	stream.linear.scatter [tilespmem:s14], [sflag:$0x4], $0x80, $0x38;
	[tilespmem:$0xB600] =	vst v63  }
0x4fe: {  	p0 =	sne.s32 s25, $0x7700;
	s16 =	sadd.s32 $0x10, s2;
	s14 =	sadd.s32 $0x9488, s7  }
0x4ff: {  	[hbm4b:s16+s4] =	stream.linear.scatter [tilespmem:s14], [sflag:$0x4], $0x80, $0x38;
	[tilespmem:$0xB600] =	vst v63  }
0x500: {  	s14 =	sadd.s32 $0x9510, s7;
	s16 =	sadd.s32 $0x20, s2  }
0x501: {  	[hbm4b:s16+s4] =	stream.linear.scatter [tilespmem:s14], [sflag:$0x4], $0x80, $0x38;
	[tilespmem:$0xB600] =	vst v63  }
0x502: {  	s14 =	sadd.s32 $0x9598, s7;
	s16 =	sadd.s32 $0x30, s2  }
0x503: {  	[hbm4b:s16+s4] =	stream.linear.scatter [tilespmem:s14], [sflag:$0x4], $0x80, $0x38;
	[tilespmem:$0xB600] =	vst v63  }
0x504: {  	s14 =	sadd.s32 $0x9620, s7;
	s16 =	sadd.s32 $0x40, s2  }
0x505: {  	[hbm4b:s16+s4] =	stream.linear.scatter [tilespmem:s14], [sflag:$0x4], $0x80, $0x38;
	[tilespmem:$0xB600] =	vst v63  }
.Ltmp17:
0x506: {  	s14 =	sadd.s32 $0x96A8, s7;
	s16 =	sadd.s32 $0x50, s2;
	(pc) =	sbr.rel @p0 .LBB2_28-.Ltmp17, $4  }
0x507: {  	[hbm4b:s16+s4] =	stream.linear.scatter [tilespmem:s14], [sflag:$0x4], $0x80, $0x38;
	[tilespmem:$0xB600] =	vst v63  }
0x508: {  	s25 =	smov.u32 s31;
	s14 =	sadd.s32 $0x9730, s7;
	s16 =	sadd.s32 $0x60, s2  }
0x509: {  	[hbm4b:s16+s4] =	stream.linear.scatter [tilespmem:s14], [sflag:$0x4], $0x80, $0x38;
	[tilespmem:$0xB600] =	vst v63  }
0x50a: {  	s14 =	sadd.s32 $0x97B8, s7;
	s16 =	sadd.s32 $0x70, s2;
	s2 =	sadd.s32 $0x1000, s2  }
0x50b: {  	[hbm4b:s16+s4] =	stream.linear.scatter [tilespmem:s14], [sflag:$0x4], $0x80, $0x38;
	[tilespmem:$0xB600] =	vst v63  }
0x50c: {  	s7 =	sadd.s32 $0x9400, s0  }
0x50d: {  	[hbm4b:s2+s4] =	stream.linear.scatter [tilespmem:s7], [sflag:$0x4], $0x80, $0x38;
	[tilespmem:$0xB600] =	vst v63  }
0x50e: {  	s25 =	sadd.s32 $0x9488, s0;
	s31 =	sadd.s32 $0x10, s2  }
0x50f: {  	[hbm4b:s31+s4] =	stream.linear.scatter [tilespmem:s25], [sflag:$0x4], $0x80, $0x38;
	[tilespmem:$0xB600] =	vst v63  }
0x510: {  	s14 =	sadd.s32 $0x9510, s0;
	s16 =	sadd.s32 $0x20, s2  }
0x511: {  	[hbm4b:s16+s4] =	stream.linear.scatter [tilespmem:s14], [sflag:$0x4], $0x80, $0x38;
	[tilespmem:$0xB600] =	vst v63  }
0x512: {  	s25 =	sadd.s32 $0x9598, s0;
	s31 =	sadd.s32 $0x30, s2  }
0x513: {  	[hbm4b:s31+s4] =	stream.linear.scatter [tilespmem:s25], [sflag:$0x4], $0x80, $0x38;
	[tilespmem:$0xB600] =	vst v63  }
0x514: {  	s14 =	sadd.s32 $0x9620, s0;
	s16 =	sadd.s32 $0x40, s2  }
0x515: {  	[hbm4b:s16+s4] =	stream.linear.scatter [tilespmem:s14], [sflag:$0x4], $0x80, $0x38;
	[tilespmem:$0xB600] =	vst v63  }
0x516: {  	p0 =	seq.s32 s29, $0x18;
	s25 =	sadd.s32 $0x96A8, s0;
	s31 =	sadd.s32 $0x50, s2  }
0x517: {  	[hbm4b:s31+s4] =	stream.linear.scatter [tilespmem:s25], [sflag:$0x4], $0x80, $0x38;
	[tilespmem:$0xB600] =	vst v63  }
.Ltmp18:
0x518: {  	_ = 	snop;
	(pc) =	sbr.rel @p0 .LBB2_31-.Ltmp18, $4  }
0x519: {  	s14 =	sadd.s32 $0x9730, s0;
	s16 =	sadd.s32 $0x60, s2  }
0x51a: {  	[hbm4b:s16+s4] =	stream.linear.scatter [tilespmem:s14], [sflag:$0x4], $0x80, $0x38;
	[tilespmem:$0xB600] =	vst v63  }
0x51b: {  	s25 =	sadd.s32 $0x97B8, s0;
	s31 =	sadd.s32 $0x70, s2  }
0x51c: {  	[hbm4b:s31+s4] =	stream.linear.scatter [tilespmem:s25], [sflag:$0x4], $0x80, $0x38;
	[tilespmem:$0xB600] =	vst v63  }
.Ltmp19:
0x51d: {  	(pc) =	sbr.rel .LBB2_17-.Ltmp19, $4  }
0x51e: {  	_ = 	snop  }
0x51f: {  	s0 =	sshrl.u32 s30, $0x2  }
0x520: {  	s29 =	sadd.s32 $0x1, s29;
	s0 =	sadd.s32 $0x1A80, s0  }
0x521: {  	v60 =	vmov v0;
	[tilespmem:s18], [sflag:$0x2] =	stream.indirect.gather [hbm4b:s6+s13], $0x40, s0, s13, $0xb8;
	[tilespmem:$0xB600] =	vst v63  }
.LBB2_32:
0x522: {  	_ =	sfence.sel $0x180000  }
0x523: {  	[bflag:$0x0] =	sbarrier.arrive $0xFFFF  }
0x524: {  	_ =	strace $0x90000047  }
0x525: {  	s0 =	stileid.u32;
	[bflag:$0x2] =	sbarrier.arrive $0xFFFF  }
0x526: {  	p0 =	sne.s32 s0, $0x0;
	s0 =	rddreg [dreg:$0x3]  }
0x527: {  	s0 =	sadd.s32 @!p0 $0x100000, s0  }
0x528: {  	[sflag:s0] =	ssyncadd.tile.s32 @!p0 $0x1;
	_ =	shalt  }
.Lfunc_end2:
_tile_overlayer_lowered:
.L_overlay_start_2:
0x529: {  	(tag) =	ssettag $0x2  }
0x52a: {  	s0 =	rddreg [dreg:$0x0];
	s2 =	stileid.u32  }
0x52b: {  	s1 =	rddreg [dreg:$0x1];
	p0 =	sne.s32 s2, $0x0  }
0x52c: {  	s3 =	rddreg [dreg:$0x2];
	[bflag:$0x3] =	sbarrier.arrive $0xFFFF;
	s2 =	simm.s32 @!p0 $0x1C05  }
0x52d: {  	[timem:s3], [sflag:s2] =	dma.local @!p0 [hbm:s0], s1  }
0x52e: {  	s0 =	simm.s32 @!p0 $0x5  }
0x52f: {  	_ =	swait.ge @!p0 [sflag:s0], s1  }
0x530: {  	s1 =	ssub.s32 @!p0 $0x0, s1;
	[sflag:s0] =	ssyncset.done @!p0 $0x0  }
0x531: {  	[sflag:s0] =	ssyncadd.s32 @!p0 s1  }
0x532: {  	[bflag:$0x3] =	sbarrier.arrive $0xFFFF  }
0x533: {  	_ =	shalt  }

</sc_bundles>
